<compile_context>
chip_gen: v7x
topology: tpu7x:2x2x1
jax: 0.10.2.dev20260603
libtpu: 0.0.44.dev20260713+nightly
codegen_flags: <defaults>
</compile_context>

<pallas_src>
import functools
import jax
import jax.numpy as jnp
from jax import lax
from jax.experimental import pallas as pl
from jax.experimental.pallas import tpu as pltpu
from jax.experimental.pallas import tpu_sc as plsc

_SIZE = 128
_DOMAIN = 128
_BATCH = 1024
_ROWS = _BATCH * _SIZE
_NW = 32
_ROWS_W = _ROWS // _NW
_CHUNK = 128
_NCHUNK = _ROWS_W // _CHUNK
_CW = _CHUNK * _DOMAIN
_PAD = _DOMAIN + 1

_LN2 = 0.6931471805599453


def _softlog(s):
    bits = lax.bitcast_convert_type(s, jnp.int32)
    e = (bits >> 23) - 127
    mbits = (bits & jnp.int32(0x007FFFFF)) | jnp.int32(0x3F800000)
    m = lax.bitcast_convert_type(mbits, jnp.float32)
    t = (m - 1.0) / (m + 1.0)
    t2 = t * t
    p = 2.0 * t * (1.0 + t2 * (1.0 / 3.0 + t2 * (0.2 + t2 * (1.0 / 7.0))))
    return e.astype(jnp.float32) * _LN2 + p


def _sc_body(idx_hbm, x_hbm, out_hbm, idx_v,
             ibuf0, ibuf1, obuf0, obuf1, xpad, opad,
             isem0, isem1, osem0, osem1):
    wid = lax.axis_index("s") * 2 + lax.axis_index("c")
    base = wid * (_ROWS_W * _DOMAIN)
    pltpu.sync_copy(idx_hbm, idx_v)
    lane = lax.iota(jnp.int32, 16)
    neg_inf = jnp.full((16,), -jnp.inf, dtype=jnp.float32)
    zero = jnp.zeros((16,), dtype=jnp.float32)

    def in_copy(ci, b):
        return pltpu.make_async_copy(
            x_hbm.at[pl.ds(base + ci * _CW, _CW)],
            ibuf0 if b == 0 else ibuf1,
            isem0 if b == 0 else isem1)

    def out_copy(ci, b):
        return pltpu.make_async_copy(
            obuf0 if b == 0 else obuf1,
            out_hbm.at[pl.ds(base + ci * _CW, _CW)],
            osem0 if b == 0 else osem1)

    in_copy(0, 0).start()
    in_copy(1, 1).start()

    def half(p, b):
        ci = 2 * p + b
        iobuf = ibuf0 if b == 0 else ibuf1
        obuf = obuf0 if b == 0 else obuf1
        in_copy(ci, b).wait()

        @pl.when(p > 0)
        def _():
            out_copy(ci - 2, b).wait()

        def rl_in(r, c0):
            for rr in range(4):
                s = (4 * r + rr) * _DOMAIN
                d = (4 * r + rr) * _PAD
                for k in range(_DOMAIN // 16):
                    xpad[pl.ds(d + 16 * k, 16)] = iobuf[pl.ds(s + 16 * k, 16)]
            return c0

        lax.fori_loop(0, _CHUNK // 4, rl_in, 0)

        def strip_fn(si, c1):
            bvec = lane * _PAD + si * (16 * _PAD)

            def p1(c, ms):
                iv, m0, m1, m2, m3 = ms
                v = [plsc.load_gather(xpad, [iv + k]) for k in range(8)]
                return (iv + 8,
                        jnp.maximum(jnp.maximum(m0, v[0]), v[4]),
                        jnp.maximum(jnp.maximum(m1, v[1]), v[5]),
                        jnp.maximum(jnp.maximum(m2, v[2]), v[6]),
                        jnp.maximum(jnp.maximum(m3, v[3]), v[7]))

            _, m0, m1, m2, m3 = lax.fori_loop(
                0, _DOMAIN // 8, p1,
                (bvec, neg_inf, neg_inf, neg_inf, neg_inf))
            m = jnp.maximum(jnp.maximum(m0, m1), jnp.maximum(m2, m3))

            def p2(c, ss):
                iv = ss[0]
                v = [plsc.load_gather(xpad, [iv + k]) for k in range(8)]
                e = [jnp.exp(vk - m) for vk in v]
                return (iv + 8,) + tuple(ss[1 + k] + e[k] for k in range(8))

            s8 = lax.fori_loop(
                0, _DOMAIN // 8, p2, (bvec,) + (zero,) * 8)[1:]
            s = ((s8[0] + s8[1]) + (s8[2] + s8[3])) + \
                ((s8[4] + s8[5]) + (s8[6] + s8[7]))
            lse = m + _softlog(s)

            def p3(jb, ov):
                vec_i = idx_v[pl.ds(jb * 16, 16)]
                g = [plsc.load_gather(xpad, [bvec + vec_i[q]])
                     for q in range(8)]
                for q in range(8):
                    plsc.store_scatter(opad, [ov + q], g[q] - lse)
                g = [plsc.load_gather(xpad, [bvec + vec_i[8 + q]])
                     for q in range(8)]
                for q in range(8):
                    plsc.store_scatter(opad, [ov + (8 + q)], g[q] - lse)
                return ov + 16

            lax.fori_loop(0, _DOMAIN // 16, p3, bvec)
            return c1

        lax.fori_loop(0, _CHUNK // 16, strip_fn, 0)

        def rl_out(r, c2):
            for rr in range(4):
                s = (4 * r + rr) * _PAD
                d = (4 * r + rr) * _DOMAIN
                for k in range(_DOMAIN // 16):
                    obuf[pl.ds(d + 16 * k, 16)] = opad[pl.ds(s + 16 * k, 16)]
            return c2

        lax.fori_loop(0, _CHUNK // 4, rl_out, 0)
        out_copy(ci, b).start()

        @pl.when(p < _NCHUNK // 2 - 1)
        def _():
            in_copy(ci + 2, b).start()

    def pair_fn(p, carry):
        half(p, 0)
        half(p, 1)
        return carry

    lax.fori_loop(0, _NCHUNK // 2, pair_fn, 0)
    out_copy(_NCHUNK - 2, 0).wait()
    out_copy(_NCHUNK - 1, 1).wait()


def kernel(inputs, log_probs):
    x = log_probs.reshape(_ROWS * _DOMAIN)
    idx = inputs.reshape(_SIZE).astype(jnp.int32)
    mesh = plsc.VectorSubcoreMesh(core_axis_name="c", subcore_axis_name="s")
    run = functools.partial(
        pl.kernel,
        mesh=mesh,
        out_type=jax.ShapeDtypeStruct((_ROWS * _DOMAIN,), jnp.float32),
        scratch_types=[
            pltpu.VMEM((_SIZE,), jnp.int32),
            pltpu.VMEM((_CW,), jnp.float32),
            pltpu.VMEM((_CW,), jnp.float32),
            pltpu.VMEM((_CW,), jnp.float32),
            pltpu.VMEM((_CW,), jnp.float32),
            pltpu.VMEM((_CHUNK * _PAD,), jnp.float32),
            pltpu.VMEM((_CHUNK * _PAD,), jnp.float32),
            pltpu.SemaphoreType.DMA,
            pltpu.SemaphoreType.DMA,
            pltpu.SemaphoreType.DMA,
            pltpu.SemaphoreType.DMA,
        ],
        compiler_params=pltpu.CompilerParams(needs_layout_passes=False),
    )(_sc_body)
    out = run(idx, x)
    return out.reshape(_BATCH, _SIZE, _DOMAIN)

# --- scband reference (transcript-rebuilt; emitter-appended) ---
"""Pipeline reference for scband-categorical-tensor-59442347377428 (READ-ONLY COPY).

The authoritative reference and input builder live on the scoring server;
editing this copy changes nothing except your own understanding.
"""

import jax, jax.numpy as jnp
import numpy as np

SIZE = 128
DOMAIN = 128
BATCH = 1024

def setup_inputs(seed: int = 0) -> dict:
    key = jax.random.key(seed)
    k1, k2 = jax.random.split(key)
    log_probs = jax.random.normal(k1, (BATCH, SIZE * DOMAIN), dtype=jnp.float32)
    inputs = jax.random.randint(k2, (1, SIZE), 0, DOMAIN)
    return {"inputs": inputs, "log_probs": log_probs}

def reference(inputs, log_probs):
    # log_probs.view(-1, size, len(domain))
    lp = log_probs.reshape(-1, SIZE, DOMAIN)
    # torch.log_softmax(log_probs, 2)
    lp = jax.nn.log_softmax(lp, axis=2)
    # inputs.long(); torch.index_select(log_probs, 2, inputs[0])
    idx = inputs[0].astype(jnp.int32)
    out = jnp.take(lp, idx, axis=2)
    return out

if __name__ == "__main__":
    import jax
    _d = setup_inputs()
    print(jax.jit(kernel)(*tuple(_d.values())))

</pallas_src>

<mosaic_0001>
#map = affine_map<(d0, d1) -> (0)>
module attributes {stable_mosaic.version = 14 : i64} {
  func.func @_sc_body(%arg0: i32, %arg1: i32, %arg2: memref<128xi32, #tpu.memory_space<hbm>>, %arg3: memref<16777216xf32, #tpu.memory_space<hbm>>, %arg4: memref<16777216xf32, #tpu.memory_space<hbm>>, %arg5: memref<128xi32, #tpu.memory_space<vmem>>, %arg6: memref<16384xf32, #tpu.memory_space<vmem>>, %arg7: memref<16384xf32, #tpu.memory_space<vmem>>, %arg8: memref<16384xf32, #tpu.memory_space<vmem>>, %arg9: memref<16384xf32, #tpu.memory_space<vmem>>, %arg10: memref<16512xf32, #tpu.memory_space<vmem>>, %arg11: memref<16512xf32, #tpu.memory_space<vmem>>, %arg12: memref<!tpu.dma_semaphore, #tpu.memory_space<semaphore_mem>>, %arg13: memref<!tpu.dma_semaphore, #tpu.memory_space<semaphore_mem>>, %arg14: memref<!tpu.dma_semaphore, #tpu.memory_space<semaphore_mem>>, %arg15: memref<!tpu.dma_semaphore, #tpu.memory_space<semaphore_mem>>) attributes {dimension_semantics = [#tpu.dimension_semantics<core_parallel>, #tpu.dimension_semantics<subcore_parallel>], iteration_bounds = array<i64: 2, 16>, scalar_prefetch = 0 : i64, scratch_operands = 11 : i64, tpu.core_type = #tpu.core_type<sc_vector_subcore>, window_params = [{transform_indices = #map}, {transform_indices = #map}, {transform_indices = #map}]} {
    %mul3A = arith.constant 2 : i32
    %mul3A_0 = arith.muli %arg1, %mul3A : i32
    %add3A = arith.addi %mul3A_0, %arg0 : i32
    %mul3A_1 = arith.constant 524288 : i32
    %mul3A_2 = arith.muli %add3A, %mul3A_1 : i32
    "tpu.region"() ({
      %run_scoped3A = tpu.sem_alloc : memref<!tpu.dma_semaphore, #tpu.memory_space<semaphore_mem>>
      tpu.enqueue_dma source(%arg2 : memref<128xi32, #tpu.memory_space<hbm>>) target(%arg5 : memref<128xi32, #tpu.memory_space<vmem>>) target_semaphore(%run_scoped3A : memref<!tpu.dma_semaphore, #tpu.memory_space<semaphore_mem>>)
      tpu.wait_dma2 semaphore(%run_scoped3A : memref<!tpu.dma_semaphore, #tpu.memory_space<semaphore_mem>>) src(%arg2 : memref<128xi32, #tpu.memory_space<hbm>>) dst(%arg5 : memref<128xi32, #tpu.memory_space<vmem>>)
      tpu.yield
    }) : () -> ()
    %iota3A = tpu.iota {dimensions = array<i32: 0>} : vector<16xi32>
    %broadcast_in_dim3A = arith.constant 0xFF800000 : f32
    %broadcast_in_dim3A_3 = vector.broadcast %broadcast_in_dim3A : f32 to vector<16xf32>
    %broadcast_in_dim3A_4 = arith.constant 0.000000e+00 : f32
    %broadcast_in_dim3A_5 = vector.broadcast %broadcast_in_dim3A_4 : f32 to vector<16xf32>
    %add3A_6 = arith.constant 0 : i32
    %add3A_7 = arith.addi %mul3A_2, %add3A_6 : i32
    %dma_start3A = tpu.memref_slice %arg3[%add3A_7] : memref<16777216xf32, #tpu.memory_space<hbm>> -> memref<16384xf32, #tpu.memory_space<hbm>>
    %dma_start3A_8 = tpu.memref_slice %arg3[%add3A_7] : memref<16777216xf32, #tpu.memory_space<hbm>> -> memref<16384xf32, #tpu.memory_space<hbm>>
    tpu.enqueue_dma source(%dma_start3A_8 : memref<16384xf32, #tpu.memory_space<hbm>>) target(%arg6 : memref<16384xf32, #tpu.memory_space<vmem>>) target_semaphore(%arg12 : memref<!tpu.dma_semaphore, #tpu.memory_space<semaphore_mem>>)
    %add3A_9 = arith.constant 16384 : i32
    %add3A_10 = arith.addi %mul3A_2, %add3A_9 : i32
    %dma_start3A_11 = tpu.memref_slice %arg3[%add3A_10] : memref<16777216xf32, #tpu.memory_space<hbm>> -> memref<16384xf32, #tpu.memory_space<hbm>>
    %dma_start3A_12 = tpu.memref_slice %arg3[%add3A_10] : memref<16777216xf32, #tpu.memory_space<hbm>> -> memref<16384xf32, #tpu.memory_space<hbm>>
    tpu.enqueue_dma source(%dma_start3A_12 : memref<16384xf32, #tpu.memory_space<hbm>>) target(%arg7 : memref<16384xf32, #tpu.memory_space<vmem>>) target_semaphore(%arg13 : memref<!tpu.dma_semaphore, #tpu.memory_space<semaphore_mem>>)
    %scan3A = arith.constant 0 : i32
    %scan3A_13 = arith.constant 0 : i32
    %scan3A_14 = arith.constant 16 : i32
    %scan3A_15 = arith.addi %scan3A_13, %scan3A_14 : i32
    %scan3A_16 = arith.constant 1 : i32
    scf.for %scan3A_25 = %scan3A_13 to %scan3A_15 step %scan3A_16  : i32 {
      %mul3A_26 = arith.constant 2 : i32
      %mul3A_27 = arith.muli %mul3A_26, %scan3A_25 : i32
      %add3A_28 = arith.constant 0 : i32
      %add3A_29 = arith.addi %mul3A_27, %add3A_28 : i32
      %mul3A_30 = arith.constant 16384 : i32
      %mul3A_31 = arith.muli %add3A_29, %mul3A_30 : i32
      %add3A_32 = arith.addi %mul3A_2, %mul3A_31 : i32
      %dma_wait3A_33 = tpu.memref_slice %arg3[%add3A_32] : memref<16777216xf32, #tpu.memory_space<hbm>> -> memref<16384xf32, #tpu.memory_space<hbm>>
      %dma_wait3A_34 = tpu.memref_slice %arg3[%add3A_32] : memref<16777216xf32, #tpu.memory_space<hbm>> -> memref<16384xf32, #tpu.memory_space<hbm>>
      tpu.wait_dma2 semaphore(%arg12 : memref<!tpu.dma_semaphore, #tpu.memory_space<semaphore_mem>>) src(%dma_wait3A_34 : memref<16384xf32, #tpu.memory_space<hbm>>) dst(%arg6 : memref<16384xf32, #tpu.memory_space<vmem>>)
      %gt3A = arith.constant 0 : i32
      %gt3A_35 = arith.cmpi sgt, %scan3A_25, %gt3A : i32
      %convert_element_type3A = arith.extui %gt3A_35 : i1 to i32
      %cond3A = arith.constant 0 : i32
      %cond3A_36 = arith.cmpi ne, %convert_element_type3A, %cond3A : i32
      scf.if %cond3A_36 {
        %sub3A = arith.constant 2 : i32
        %sub3A_106 = arith.subi %add3A_29, %sub3A : i32
        %mul3A_107 = arith.constant 16384 : i32
        %mul3A_108 = arith.muli %sub3A_106, %mul3A_107 : i32
        %add3A_109 = arith.addi %mul3A_2, %mul3A_108 : i32
        %dma_wait3A_110 = tpu.memref_slice %arg4[%add3A_109] : memref<16777216xf32, #tpu.memory_space<hbm>> -> memref<16384xf32, #tpu.memory_space<hbm>>
        %dma_wait3A_111 = tpu.memref_slice %arg4[%add3A_109] : memref<16777216xf32, #tpu.memory_space<hbm>> -> memref<16384xf32, #tpu.memory_space<hbm>>
        tpu.wait_dma2 semaphore(%arg14 : memref<!tpu.dma_semaphore, #tpu.memory_space<semaphore_mem>>) src(%arg8 : memref<16384xf32, #tpu.memory_space<vmem>>) dst(%dma_wait3A_111 : memref<16384xf32, #tpu.memory_space<hbm>>)
      } else {
      }
      %scan3A_37 = arith.constant 0 : i32
      %scan3A_38 = arith.constant 0 : i32
      %scan3A_39 = arith.constant 32 : i32
      %scan3A_40 = arith.addi %scan3A_38, %scan3A_39 : i32
      %scan3A_41 = arith.constant 1 : i32
      scf.for %scan3A_106 = %scan3A_38 to %scan3A_40 step %scan3A_41  : i32 {
        %mul3A_107 = arith.constant 4 : i32
        %mul3A_108 = arith.muli %mul3A_107, %scan3A_106 : i32
        %add3A_109 = arith.constant 0 : i32
        %add3A_110 = arith.addi %mul3A_108, %add3A_109 : i32
        %mul3A_111 = arith.constant 128 : i32
        %mul3A_112 = arith.muli %add3A_110, %mul3A_111 : i32
        %mul3A_113 = arith.constant 4 : i32
        %mul3A_114 = arith.muli %mul3A_113, %scan3A_106 : i32
        %add3A_115 = arith.constant 0 : i32
        %add3A_116 = arith.addi %mul3A_114, %add3A_115 : i32
        %mul3A_117 = arith.constant 129 : i32
        %mul3A_118 = arith.muli %add3A_116, %mul3A_117 : i32
        %add3A_119 = arith.constant 0 : i32
        %add3A_120 = arith.addi %mul3A_112, %add3A_119 : i32
        %get3A = arith.index_cast %add3A_120 : i32 to index
        %get3A_121 = tpu.vector_load %arg6[%get3A] {strides = array<i32>} : memref<16384xf32, #tpu.memory_space<vmem>>, vector<16xf32>,
        %add3A_122 = arith.constant 0 : i32
        %add3A_123 = arith.addi %mul3A_118, %add3A_122 : i32
        %swap3A = arith.index_cast %add3A_123 : i32 to index
        %swap3A_124 = tpu.vector_load %arg10[%swap3A] {strides = array<i32>} : memref<16512xf32, #tpu.memory_space<vmem>>, vector<16xf32>,
        tpu.vector_store %arg10[%swap3A], %get3A_121 {strides = array<i32>} : memref<16512xf32, #tpu.memory_space<vmem>>, vector<16xf32>,
        %add3A_125 = arith.constant 16 : i32
        %add3A_126 = arith.addi %mul3A_112, %add3A_125 : i32
        %get3A_127 = arith.index_cast %add3A_126 : i32 to index
        %get3A_128 = tpu.vector_load %arg6[%get3A_127] {strides = array<i32>} : memref<16384xf32, #tpu.memory_space<vmem>>, vector<16xf32>,
        %add3A_129 = arith.constant 16 : i32
        %add3A_130 = arith.addi %mul3A_118, %add3A_129 : i32
        %swap3A_131 = arith.index_cast %add3A_130 : i32 to index
        %swap3A_132 = tpu.vector_load %arg10[%swap3A_131] {strides = array<i32>} : memref<16512xf32, #tpu.memory_space<vmem>>, vector<16xf32>,
        tpu.vector_store %arg10[%swap3A_131], %get3A_128 {strides = array<i32>} : memref<16512xf32, #tpu.memory_space<vmem>>, vector<16xf32>,
        %add3A_133 = arith.constant 32 : i32
        %add3A_134 = arith.addi %mul3A_112, %add3A_133 : i32
        %get3A_135 = arith.index_cast %add3A_134 : i32 to index
        %get3A_136 = tpu.vector_load %arg6[%get3A_135] {strides = array<i32>} : memref<16384xf32, #tpu.memory_space<vmem>>, vector<16xf32>,
        %add3A_137 = arith.constant 32 : i32
        %add3A_138 = arith.addi %mul3A_118, %add3A_137 : i32
        %swap3A_139 = arith.index_cast %add3A_138 : i32 to index
        %swap3A_140 = tpu.vector_load %arg10[%swap3A_139] {strides = array<i32>} : memref<16512xf32, #tpu.memory_space<vmem>>, vector<16xf32>,
        tpu.vector_store %arg10[%swap3A_139], %get3A_136 {strides = array<i32>} : memref<16512xf32, #tpu.memory_space<vmem>>, vector<16xf32>,
        %add3A_141 = arith.constant 48 : i32
        %add3A_142 = arith.addi %mul3A_112, %add3A_141 : i32
        %get3A_143 = arith.index_cast %add3A_142 : i32 to index
        %get3A_144 = tpu.vector_load %arg6[%get3A_143] {strides = array<i32>} : memref<16384xf32, #tpu.memory_space<vmem>>, vector<16xf32>,
        %add3A_145 = arith.constant 48 : i32
        %add3A_146 = arith.addi %mul3A_118, %add3A_145 : i32
        %swap3A_147 = arith.index_cast %add3A_146 : i32 to index
        %swap3A_148 = tpu.vector_load %arg10[%swap3A_147] {strides = array<i32>} : memref<16512xf32, #tpu.memory_space<vmem>>, vector<16xf32>,
        tpu.vector_store %arg10[%swap3A_147], %get3A_144 {strides = array<i32>} : memref<16512xf32, #tpu.memory_space<vmem>>, vector<16xf32>,
        %add3A_149 = arith.constant 64 : i32
        %add3A_150 = arith.addi %mul3A_112, %add3A_149 : i32
        %get3A_151 = arith.index_cast %add3A_150 : i32 to index
        %get3A_152 = tpu.vector_load %arg6[%get3A_151] {strides = array<i32>} : memref<16384xf32, #tpu.memory_space<vmem>>, vector<16xf32>,
        %add3A_153 = arith.constant 64 : i32
        %add3A_154 = arith.addi %mul3A_118, %add3A_153 : i32
        %swap3A_155 = arith.index_cast %add3A_154 : i32 to index
        %swap3A_156 = tpu.vector_load %arg10[%swap3A_155] {strides = array<i32>} : memref<16512xf32, #tpu.memory_space<vmem>>, vector<16xf32>,
        tpu.vector_store %arg10[%swap3A_155], %get3A_152 {strides = array<i32>} : memref<16512xf32, #tpu.memory_space<vmem>>, vector<16xf32>,
        %add3A_157 = arith.constant 80 : i32
        %add3A_158 = arith.addi %mul3A_112, %add3A_157 : i32
        %get3A_159 = arith.index_cast %add3A_158 : i32 to index
        %get3A_160 = tpu.vector_load %arg6[%get3A_159] {strides = array<i32>} : memref<16384xf32, #tpu.memory_space<vmem>>, vector<16xf32>,
        %add3A_161 = arith.constant 80 : i32
        %add3A_162 = arith.addi %mul3A_118, %add3A_161 : i32
        %swap3A_163 = arith.index_cast %add3A_162 : i32 to index
        %swap3A_164 = tpu.vector_load %arg10[%swap3A_163] {strides = array<i32>} : memref<16512xf32, #tpu.memory_space<vmem>>, vector<16xf32>,
        tpu.vector_store %arg10[%swap3A_163], %get3A_160 {strides = array<i32>} : memref<16512xf32, #tpu.memory_space<vmem>>, vector<16xf32>,
        %add3A_165 = arith.constant 96 : i32
        %add3A_166 = arith.addi %mul3A_112, %add3A_165 : i32
        %get3A_167 = arith.index_cast %add3A_166 : i32 to index
        %get3A_168 = tpu.vector_load %arg6[%get3A_167] {strides = array<i32>} : memref<16384xf32, #tpu.memory_space<vmem>>, vector<16xf32>,
        %add3A_169 = arith.constant 96 : i32
        %add3A_170 = arith.addi %mul3A_118, %add3A_169 : i32
        %swap3A_171 = arith.index_cast %add3A_170 : i32 to index
        %swap3A_172 = tpu.vector_load %arg10[%swap3A_171] {strides = array<i32>} : memref<16512xf32, #tpu.memory_space<vmem>>, vector<16xf32>,
        tpu.vector_store %arg10[%swap3A_171], %get3A_168 {strides = array<i32>} : memref<16512xf32, #tpu.memory_space<vmem>>, vector<16xf32>,
        %add3A_173 = arith.constant 112 : i32
        %add3A_174 = arith.addi %mul3A_112, %add3A_173 : i32
        %get3A_175 = arith.index_cast %add3A_174 : i32 to index
        %get3A_176 = tpu.vector_load %arg6[%get3A_175] {strides = array<i32>} : memref<16384xf32, #tpu.memory_space<vmem>>, vector<16xf32>,
        %add3A_177 = arith.constant 112 : i32
        %add3A_178 = arith.addi %mul3A_118, %add3A_177 : i32
        %swap3A_179 = arith.index_cast %add3A_178 : i32 to index
        %swap3A_180 = tpu.vector_load %arg10[%swap3A_179] {strides = array<i32>} : memref<16512xf32, #tpu.memory_space<vmem>>, vector<16xf32>,
        tpu.vector_store %arg10[%swap3A_179], %get3A_176 {strides = array<i32>} : memref<16512xf32, #tpu.memory_space<vmem>>, vector<16xf32>,
        %mul3A_181 = arith.constant 4 : i32
        %mul3A_182 = arith.muli %mul3A_181, %scan3A_106 : i32
        %add3A_183 = arith.constant 1 : i32
        %add3A_184 = arith.addi %mul3A_182, %add3A_183 : i32
        %mul3A_185 = arith.constant 128 : i32
        %mul3A_186 = arith.muli %add3A_184, %mul3A_185 : i32
        %mul3A_187 = arith.constant 4 : i32
        %mul3A_188 = arith.muli %mul3A_187, %scan3A_106 : i32
        %add3A_189 = arith.constant 1 : i32
        %add3A_190 = arith.addi %mul3A_188, %add3A_189 : i32
        %mul3A_191 = arith.constant 129 : i32
        %mul3A_192 = arith.muli %add3A_190, %mul3A_191 : i32
        %add3A_193 = arith.constant 0 : i32
        %add3A_194 = arith.addi %mul3A_186, %add3A_193 : i32
        %get3A_195 = arith.index_cast %add3A_194 : i32 to index
        %get3A_196 = tpu.vector_load %arg6[%get3A_195] {strides = array<i32>} : memref<16384xf32, #tpu.memory_space<vmem>>, vector<16xf32>,
        %add3A_197 = arith.constant 0 : i32
        %add3A_198 = arith.addi %mul3A_192, %add3A_197 : i32
        %swap3A_199 = arith.index_cast %add3A_198 : i32 to index
        %swap3A_200 = tpu.vector_load %arg10[%swap3A_199] {strides = array<i32>} : memref<16512xf32, #tpu.memory_space<vmem>>, vector<16xf32>,
        tpu.vector_store %arg10[%swap3A_199], %get3A_196 {strides = array<i32>} : memref<16512xf32, #tpu.memory_space<vmem>>, vector<16xf32>,
        %add3A_201 = arith.constant 16 : i32
        %add3A_202 = arith.addi %mul3A_186, %add3A_201 : i32
        %get3A_203 = arith.index_cast %add3A_202 : i32 to index
        %get3A_204 = tpu.vector_load %arg6[%get3A_203] {strides = array<i32>} : memref<16384xf32, #tpu.memory_space<vmem>>, vector<16xf32>,
        %add3A_205 = arith.constant 16 : i32
        %add3A_206 = arith.addi %mul3A_192, %add3A_205 : i32
        %swap3A_207 = arith.index_cast %add3A_206 : i32 to index
        %swap3A_208 = tpu.vector_load %arg10[%swap3A_207] {strides = array<i32>} : memref<16512xf32, #tpu.memory_space<vmem>>, vector<16xf32>,
        tpu.vector_store %arg10[%swap3A_207], %get3A_204 {strides = array<i32>} : memref<16512xf32, #tpu.memory_space<vmem>>, vector<16xf32>,
        %add3A_209 = arith.constant 32 : i32
        %add3A_210 = arith.addi %mul3A_186, %add3A_209 : i32
        %get3A_211 = arith.index_cast %add3A_210 : i32 to index
        %get3A_212 = tpu.vector_load %arg6[%get3A_211] {strides = array<i32>} : memref<16384xf32, #tpu.memory_space<vmem>>, vector<16xf32>,
        %add3A_213 = arith.constant 32 : i32
        %add3A_214 = arith.addi %mul3A_192, %add3A_213 : i32
        %swap3A_215 = arith.index_cast %add3A_214 : i32 to index
        %swap3A_216 = tpu.vector_load %arg10[%swap3A_215] {strides = array<i32>} : memref<16512xf32, #tpu.memory_space<vmem>>, vector<16xf32>,
        tpu.vector_store %arg10[%swap3A_215], %get3A_212 {strides = array<i32>} : memref<16512xf32, #tpu.memory_space<vmem>>, vector<16xf32>,
        %add3A_217 = arith.constant 48 : i32
        %add3A_218 = arith.addi %mul3A_186, %add3A_217 : i32
        %get3A_219 = arith.index_cast %add3A_218 : i32 to index
        %get3A_220 = tpu.vector_load %arg6[%get3A_219] {strides = array<i32>} : memref<16384xf32, #tpu.memory_space<vmem>>, vector<16xf32>,
        %add3A_221 = arith.constant 48 : i32
        %add3A_222 = arith.addi %mul3A_192, %add3A_221 : i32
        %swap3A_223 = arith.index_cast %add3A_222 : i32 to index
        %swap3A_224 = tpu.vector_load %arg10[%swap3A_223] {strides = array<i32>} : memref<16512xf32, #tpu.memory_space<vmem>>, vector<16xf32>,
        tpu.vector_store %arg10[%swap3A_223], %get3A_220 {strides = array<i32>} : memref<16512xf32, #tpu.memory_space<vmem>>, vector<16xf32>,
        %add3A_225 = arith.constant 64 : i32
        %add3A_226 = arith.addi %mul3A_186, %add3A_225 : i32
        %get3A_227 = arith.index_cast %add3A_226 : i32 to index
        %get3A_228 = tpu.vector_load %arg6[%get3A_227] {strides = array<i32>} : memref<16384xf32, #tpu.memory_space<vmem>>, vector<16xf32>,
        %add3A_229 = arith.constant 64 : i32
        %add3A_230 = arith.addi %mul3A_192, %add3A_229 : i32
        %swap3A_231 = arith.index_cast %add3A_230 : i32 to index
        %swap3A_232 = tpu.vector_load %arg10[%swap3A_231] {strides = array<i32>} : memref<16512xf32, #tpu.memory_space<vmem>>, vector<16xf32>,
        tpu.vector_store %arg10[%swap3A_231], %get3A_228 {strides = array<i32>} : memref<16512xf32, #tpu.memory_space<vmem>>, vector<16xf32>,
        %add3A_233 = arith.constant 80 : i32
        %add3A_234 = arith.addi %mul3A_186, %add3A_233 : i32
        %get3A_235 = arith.index_cast %add3A_234 : i32 to index
        %get3A_236 = tpu.vector_load %arg6[%get3A_235] {strides = array<i32>} : memref<16384xf32, #tpu.memory_space<vmem>>, vector<16xf32>,
        %add3A_237 = arith.constant 80 : i32
        %add3A_238 = arith.addi %mul3A_192, %add3A_237 : i32
        %swap3A_239 = arith.index_cast %add3A_238 : i32 to index
        %swap3A_240 = tpu.vector_load %arg10[%swap3A_239] {strides = array<i32>} : memref<16512xf32, #tpu.memory_space<vmem>>, vector<16xf32>,
        tpu.vector_store %arg10[%swap3A_239], %get3A_236 {strides = array<i32>} : memref<16512xf32, #tpu.memory_space<vmem>>, vector<16xf32>,
        %add3A_241 = arith.constant 96 : i32
        %add3A_242 = arith.addi %mul3A_186, %add3A_241 : i32
        %get3A_243 = arith.index_cast %add3A_242 : i32 to index
        %get3A_244 = tpu.vector_load %arg6[%get3A_243] {strides = array<i32>} : memref<16384xf32, #tpu.memory_space<vmem>>, vector<16xf32>,
        %add3A_245 = arith.constant 96 : i32
        %add3A_246 = arith.addi %mul3A_192, %add3A_245 : i32
        %swap3A_247 = arith.index_cast %add3A_246 : i32 to index
        %swap3A_248 = tpu.vector_load %arg10[%swap3A_247] {strides = array<i32>} : memref<16512xf32, #tpu.memory_space<vmem>>, vector<16xf32>,
        tpu.vector_store %arg10[%swap3A_247], %get3A_244 {strides = array<i32>} : memref<16512xf32, #tpu.memory_space<vmem>>, vector<16xf32>,
        %add3A_249 = arith.constant 112 : i32
        %add3A_250 = arith.addi %mul3A_186, %add3A_249 : i32
        %get3A_251 = arith.index_cast %add3A_250 : i32 to index
        %get3A_252 = tpu.vector_load %arg6[%get3A_251] {strides = array<i32>} : memref<16384xf32, #tpu.memory_space<vmem>>, vector<16xf32>,
        %add3A_253 = arith.constant 112 : i32
        %add3A_254 = arith.addi %mul3A_192, %add3A_253 : i32
        %swap3A_255 = arith.index_cast %add3A_254 : i32 to index
        %swap3A_256 = tpu.vector_load %arg10[%swap3A_255] {strides = array<i32>} : memref<16512xf32, #tpu.memory_space<vmem>>, vector<16xf32>,
        tpu.vector_store %arg10[%swap3A_255], %get3A_252 {strides = array<i32>} : memref<16512xf32, #tpu.memory_space<vmem>>, vector<16xf32>,
        %mul3A_257 = arith.constant 4 : i32
        %mul3A_258 = arith.muli %mul3A_257, %scan3A_106 : i32
        %add3A_259 = arith.constant 2 : i32
        %add3A_260 = arith.addi %mul3A_258, %add3A_259 : i32
        %mul3A_261 = arith.constant 128 : i32
        %mul3A_262 = arith.muli %add3A_260, %mul3A_261 : i32
        %mul3A_263 = arith.constant 4 : i32
        %mul3A_264 = arith.muli %mul3A_263, %scan3A_106 : i32
        %add3A_265 = arith.constant 2 : i32
        %add3A_266 = arith.addi %mul3A_264, %add3A_265 : i32
        %mul3A_267 = arith.constant 129 : i32
        %mul3A_268 = arith.muli %add3A_266, %mul3A_267 : i32
        %add3A_269 = arith.constant 0 : i32
        %add3A_270 = arith.addi %mul3A_262, %add3A_269 : i32
        %get3A_271 = arith.index_cast %add3A_270 : i32 to index
        %get3A_272 = tpu.vector_load %arg6[%get3A_271] {strides = array<i32>} : memref<16384xf32, #tpu.memory_space<vmem>>, vector<16xf32>,
        %add3A_273 = arith.constant 0 : i32
        %add3A_274 = arith.addi %mul3A_268, %add3A_273 : i32
        %swap3A_275 = arith.index_cast %add3A_274 : i32 to index
        %swap3A_276 = tpu.vector_load %arg10[%swap3A_275] {strides = array<i32>} : memref<16512xf32, #tpu.memory_space<vmem>>, vector<16xf32>,
        tpu.vector_store %arg10[%swap3A_275], %get3A_272 {strides = array<i32>} : memref<16512xf32, #tpu.memory_space<vmem>>, vector<16xf32>,
        %add3A_277 = arith.constant 16 : i32
        %add3A_278 = arith.addi %mul3A_262, %add3A_277 : i32
        %get3A_279 = arith.index_cast %add3A_278 : i32 to index
        %get3A_280 = tpu.vector_load %arg6[%get3A_279] {strides = array<i32>} : memref<16384xf32, #tpu.memory_space<vmem>>, vector<16xf32>,
        %add3A_281 = arith.constant 16 : i32
        %add3A_282 = arith.addi %mul3A_268, %add3A_281 : i32
        %swap3A_283 = arith.index_cast %add3A_282 : i32 to index
        %swap3A_284 = tpu.vector_load %arg10[%swap3A_283] {strides = array<i32>} : memref<16512xf32, #tpu.memory_space<vmem>>, vector<16xf32>,
        tpu.vector_store %arg10[%swap3A_283], %get3A_280 {strides = array<i32>} : memref<16512xf32, #tpu.memory_space<vmem>>, vector<16xf32>,
        %add3A_285 = arith.constant 32 : i32
        %add3A_286 = arith.addi %mul3A_262, %add3A_285 : i32
        %get3A_287 = arith.index_cast %add3A_286 : i32 to index
        %get3A_288 = tpu.vector_load %arg6[%get3A_287] {strides = array<i32>} : memref<16384xf32, #tpu.memory_space<vmem>>, vector<16xf32>,
        %add3A_289 = arith.constant 32 : i32
        %add3A_290 = arith.addi %mul3A_268, %add3A_289 : i32
        %swap3A_291 = arith.index_cast %add3A_290 : i32 to index
        %swap3A_292 = tpu.vector_load %arg10[%swap3A_291] {strides = array<i32>} : memref<16512xf32, #tpu.memory_space<vmem>>, vector<16xf32>,
        tpu.vector_store %arg10[%swap3A_291], %get3A_288 {strides = array<i32>} : memref<16512xf32, #tpu.memory_space<vmem>>, vector<16xf32>,
        %add3A_293 = arith.constant 48 : i32
        %add3A_294 = arith.addi %mul3A_262, %add3A_293 : i32
        %get3A_295 = arith.index_cast %add3A_294 : i32 to index
        %get3A_296 = tpu.vector_load %arg6[%get3A_295] {strides = array<i32>} : memref<16384xf32, #tpu.memory_space<vmem>>, vector<16xf32>,
        %add3A_297 = arith.constant 48 : i32
        %add3A_298 = arith.addi %mul3A_268, %add3A_297 : i32
        %swap3A_299 = arith.index_cast %add3A_298 : i32 to index
        %swap3A_300 = tpu.vector_load %arg10[%swap3A_299] {strides = array<i32>} : memref<16512xf32, #tpu.memory_space<vmem>>, vector<16xf32>,
        tpu.vector_store %arg10[%swap3A_299], %get3A_296 {strides = array<i32>} : memref<16512xf32, #tpu.memory_space<vmem>>, vector<16xf32>,
        %add3A_301 = arith.constant 64 : i32
        %add3A_302 = arith.addi %mul3A_262, %add3A_301 : i32
        %get3A_303 = arith.index_cast %add3A_302 : i32 to index
        %get3A_304 = tpu.vector_load %arg6[%get3A_303] {strides = array<i32>} : memref<16384xf32, #tpu.memory_space<vmem>>, vector<16xf32>,
        %add3A_305 = arith.constant 64 : i32
        %add3A_306 = arith.addi %mul3A_268, %add3A_305 : i32
        %swap3A_307 = arith.index_cast %add3A_306 : i32 to index
        %swap3A_308 = tpu.vector_load %arg10[%swap3A_307] {strides = array<i32>} : memref<16512xf32, #tpu.memory_space<vmem>>, vector<16xf32>,
        tpu.vector_store %arg10[%swap3A_307], %get3A_304 {strides = array<i32>} : memref<16512xf32, #tpu.memory_space<vmem>>, vector<16xf32>,
        %add3A_309 = arith.constant 80 : i32
        %add3A_310 = arith.addi %mul3A_262, %add3A_309 : i32
        %get3A_311 = arith.index_cast %add3A_310 : i32 to index
        %get3A_312 = tpu.vector_load %arg6[%get3A_311] {strides = array<i32>} : memref<16384xf32, #tpu.memory_space<vmem>>, vector<16xf32>,
        %add3A_313 = arith.constant 80 : i32
        %add3A_314 = arith.addi %mul3A_268, %add3A_313 : i32
        %swap3A_315 = arith.index_cast %add3A_314 : i32 to index
        %swap3A_316 = tpu.vector_load %arg10[%swap3A_315] {strides = array<i32>} : memref<16512xf32, #tpu.memory_space<vmem>>, vector<16xf32>,
        tpu.vector_store %arg10[%swap3A_315], %get3A_312 {strides = array<i32>} : memref<16512xf32, #tpu.memory_space<vmem>>, vector<16xf32>,
        %add3A_317 = arith.constant 96 : i32
        %add3A_318 = arith.addi %mul3A_262, %add3A_317 : i32
        %get3A_319 = arith.index_cast %add3A_318 : i32 to index
        %get3A_320 = tpu.vector_load %arg6[%get3A_319] {strides = array<i32>} : memref<16384xf32, #tpu.memory_space<vmem>>, vector<16xf32>,
        %add3A_321 = arith.constant 96 : i32
        %add3A_322 = arith.addi %mul3A_268, %add3A_321 : i32
        %swap3A_323 = arith.index_cast %add3A_322 : i32 to index
        %swap3A_324 = tpu.vector_load %arg10[%swap3A_323] {strides = array<i32>} : memref<16512xf32, #tpu.memory_space<vmem>>, vector<16xf32>,
        tpu.vector_store %arg10[%swap3A_323], %get3A_320 {strides = array<i32>} : memref<16512xf32, #tpu.memory_space<vmem>>, vector<16xf32>,
        %add3A_325 = arith.constant 112 : i32
        %add3A_326 = arith.addi %mul3A_262, %add3A_325 : i32
        %get3A_327 = arith.index_cast %add3A_326 : i32 to index
        %get3A_328 = tpu.vector_load %arg6[%get3A_327] {strides = array<i32>} : memref<16384xf32, #tpu.memory_space<vmem>>, vector<16xf32>,
        %add3A_329 = arith.constant 112 : i32
        %add3A_330 = arith.addi %mul3A_268, %add3A_329 : i32
        %swap3A_331 = arith.index_cast %add3A_330 : i32 to index
        %swap3A_332 = tpu.vector_load %arg10[%swap3A_331] {strides = array<i32>} : memref<16512xf32, #tpu.memory_space<vmem>>, vector<16xf32>,
        tpu.vector_store %arg10[%swap3A_331], %get3A_328 {strides = array<i32>} : memref<16512xf32, #tpu.memory_space<vmem>>, vector<16xf32>,
        %mul3A_333 = arith.constant 4 : i32
        %mul3A_334 = arith.muli %mul3A_333, %scan3A_106 : i32
        %add3A_335 = arith.constant 3 : i32
        %add3A_336 = arith.addi %mul3A_334, %add3A_335 : i32
        %mul3A_337 = arith.constant 128 : i32
        %mul3A_338 = arith.muli %add3A_336, %mul3A_337 : i32
        %mul3A_339 = arith.constant 4 : i32
        %mul3A_340 = arith.muli %mul3A_339, %scan3A_106 : i32
        %add3A_341 = arith.constant 3 : i32
        %add3A_342 = arith.addi %mul3A_340, %add3A_341 : i32
        %mul3A_343 = arith.constant 129 : i32
        %mul3A_344 = arith.muli %add3A_342, %mul3A_343 : i32
        %add3A_345 = arith.constant 0 : i32
        %add3A_346 = arith.addi %mul3A_338, %add3A_345 : i32
        %get3A_347 = arith.index_cast %add3A_346 : i32 to index
        %get3A_348 = tpu.vector_load %arg6[%get3A_347] {strides = array<i32>} : memref<16384xf32, #tpu.memory_space<vmem>>, vector<16xf32>,
        %add3A_349 = arith.constant 0 : i32
        %add3A_350 = arith.addi %mul3A_344, %add3A_349 : i32
        %swap3A_351 = arith.index_cast %add3A_350 : i32 to index
        %swap3A_352 = tpu.vector_load %arg10[%swap3A_351] {strides = array<i32>} : memref<16512xf32, #tpu.memory_space<vmem>>, vector<16xf32>,
        tpu.vector_store %arg10[%swap3A_351], %get3A_348 {strides = array<i32>} : memref<16512xf32, #tpu.memory_space<vmem>>, vector<16xf32>,
        %add3A_353 = arith.constant 16 : i32
        %add3A_354 = arith.addi %mul3A_338, %add3A_353 : i32
        %get3A_355 = arith.index_cast %add3A_354 : i32 to index
        %get3A_356 = tpu.vector_load %arg6[%get3A_355] {strides = array<i32>} : memref<16384xf32, #tpu.memory_space<vmem>>, vector<16xf32>,
        %add3A_357 = arith.constant 16 : i32
        %add3A_358 = arith.addi %mul3A_344, %add3A_357 : i32
        %swap3A_359 = arith.index_cast %add3A_358 : i32 to index
        %swap3A_360 = tpu.vector_load %arg10[%swap3A_359] {strides = array<i32>} : memref<16512xf32, #tpu.memory_space<vmem>>, vector<16xf32>,
        tpu.vector_store %arg10[%swap3A_359], %get3A_356 {strides = array<i32>} : memref<16512xf32, #tpu.memory_space<vmem>>, vector<16xf32>,
        %add3A_361 = arith.constant 32 : i32
        %add3A_362 = arith.addi %mul3A_338, %add3A_361 : i32
        %get3A_363 = arith.index_cast %add3A_362 : i32 to index
        %get3A_364 = tpu.vector_load %arg6[%get3A_363] {strides = array<i32>} : memref<16384xf32, #tpu.memory_space<vmem>>, vector<16xf32>,
        %add3A_365 = arith.constant 32 : i32
        %add3A_366 = arith.addi %mul3A_344, %add3A_365 : i32
        %swap3A_367 = arith.index_cast %add3A_366 : i32 to index
        %swap3A_368 = tpu.vector_load %arg10[%swap3A_367] {strides = array<i32>} : memref<16512xf32, #tpu.memory_space<vmem>>, vector<16xf32>,
        tpu.vector_store %arg10[%swap3A_367], %get3A_364 {strides = array<i32>} : memref<16512xf32, #tpu.memory_space<vmem>>, vector<16xf32>,
        %add3A_369 = arith.constant 48 : i32
        %add3A_370 = arith.addi %mul3A_338, %add3A_369 : i32
        %get3A_371 = arith.index_cast %add3A_370 : i32 to index
        %get3A_372 = tpu.vector_load %arg6[%get3A_371] {strides = array<i32>} : memref<16384xf32, #tpu.memory_space<vmem>>, vector<16xf32>,
        %add3A_373 = arith.constant 48 : i32
        %add3A_374 = arith.addi %mul3A_344, %add3A_373 : i32
        %swap3A_375 = arith.index_cast %add3A_374 : i32 to index
        %swap3A_376 = tpu.vector_load %arg10[%swap3A_375] {strides = array<i32>} : memref<16512xf32, #tpu.memory_space<vmem>>, vector<16xf32>,
        tpu.vector_store %arg10[%swap3A_375], %get3A_372 {strides = array<i32>} : memref<16512xf32, #tpu.memory_space<vmem>>, vector<16xf32>,
        %add3A_377 = arith.constant 64 : i32
        %add3A_378 = arith.addi %mul3A_338, %add3A_377 : i32
        %get3A_379 = arith.index_cast %add3A_378 : i32 to index
        %get3A_380 = tpu.vector_load %arg6[%get3A_379] {strides = array<i32>} : memref<16384xf32, #tpu.memory_space<vmem>>, vector<16xf32>,
        %add3A_381 = arith.constant 64 : i32
        %add3A_382 = arith.addi %mul3A_344, %add3A_381 : i32
        %swap3A_383 = arith.index_cast %add3A_382 : i32 to index
        %swap3A_384 = tpu.vector_load %arg10[%swap3A_383] {strides = array<i32>} : memref<16512xf32, #tpu.memory_space<vmem>>, vector<16xf32>,
        tpu.vector_store %arg10[%swap3A_383], %get3A_380 {strides = array<i32>} : memref<16512xf32, #tpu.memory_space<vmem>>, vector<16xf32>,
        %add3A_385 = arith.constant 80 : i32
        %add3A_386 = arith.addi %mul3A_338, %add3A_385 : i32
        %get3A_387 = arith.index_cast %add3A_386 : i32 to index
        %get3A_388 = tpu.vector_load %arg6[%get3A_387] {strides = array<i32>} : memref<16384xf32, #tpu.memory_space<vmem>>, vector<16xf32>,
        %add3A_389 = arith.constant 80 : i32
        %add3A_390 = arith.addi %mul3A_344, %add3A_389 : i32
        %swap3A_391 = arith.index_cast %add3A_390 : i32 to index
        %swap3A_392 = tpu.vector_load %arg10[%swap3A_391] {strides = array<i32>} : memref<16512xf32, #tpu.memory_space<vmem>>, vector<16xf32>,
        tpu.vector_store %arg10[%swap3A_391], %get3A_388 {strides = array<i32>} : memref<16512xf32, #tpu.memory_space<vmem>>, vector<16xf32>,
        %add3A_393 = arith.constant 96 : i32
        %add3A_394 = arith.addi %mul3A_338, %add3A_393 : i32
        %get3A_395 = arith.index_cast %add3A_394 : i32 to index
        %get3A_396 = tpu.vector_load %arg6[%get3A_395] {strides = array<i32>} : memref<16384xf32, #tpu.memory_space<vmem>>, vector<16xf32>,
        %add3A_397 = arith.constant 96 : i32
        %add3A_398 = arith.addi %mul3A_344, %add3A_397 : i32
        %swap3A_399 = arith.index_cast %add3A_398 : i32 to index
        %swap3A_400 = tpu.vector_load %arg10[%swap3A_399] {strides = array<i32>} : memref<16512xf32, #tpu.memory_space<vmem>>, vector<16xf32>,
        tpu.vector_store %arg10[%swap3A_399], %get3A_396 {strides = array<i32>} : memref<16512xf32, #tpu.memory_space<vmem>>, vector<16xf32>,
        %add3A_401 = arith.constant 112 : i32
        %add3A_402 = arith.addi %mul3A_338, %add3A_401 : i32
        %get3A_403 = arith.index_cast %add3A_402 : i32 to index
        %get3A_404 = tpu.vector_load %arg6[%get3A_403] {strides = array<i32>} : memref<16384xf32, #tpu.memory_space<vmem>>, vector<16xf32>,
        %add3A_405 = arith.constant 112 : i32
        %add3A_406 = arith.addi %mul3A_344, %add3A_405 : i32
        %swap3A_407 = arith.index_cast %add3A_406 : i32 to index
        %swap3A_408 = tpu.vector_load %arg10[%swap3A_407] {strides = array<i32>} : memref<16512xf32, #tpu.memory_space<vmem>>, vector<16xf32>,
        tpu.vector_store %arg10[%swap3A_407], %get3A_404 {strides = array<i32>} : memref<16512xf32, #tpu.memory_space<vmem>>, vector<16xf32>,
      }
      %scan3A_42 = arith.constant 32 : i32
      %scan3A_43 = arith.constant 0 : i32
      %scan3A_44 = arith.constant 0 : i32
      %scan3A_45 = arith.constant 8 : i32
      %scan3A_46 = arith.addi %scan3A_44, %scan3A_45 : i32
      %scan3A_47 = arith.constant 1 : i32
      scf.for %scan3A_106 = %scan3A_44 to %scan3A_46 step %scan3A_47  : i32 {
        %mul3A_107 = arith.constant 129 : i32
        %mul3A_108 = vector.broadcast %mul3A_107 : i32 to vector<16xi32>
        %mul3A_109 = arith.muli %iota3A, %mul3A_108 : vector<16xi32>
        %mul3A_110 = arith.constant 2064 : i32
        %mul3A_111 = arith.muli %scan3A_106, %mul3A_110 : i32
        %add3A_112 = vector.broadcast %mul3A_111 : i32 to vector<16xi32>
        %add3A_113 = arith.addi %mul3A_109, %add3A_112 : vector<16xi32>
        %scan3A_114 = arith.constant 0 : i32
        %scan3A_115 = arith.constant 16 : i32
        %scan3A_116 = arith.addi %scan3A_114, %scan3A_115 : i32
        %scan3A_117 = arith.constant 1 : i32
        %scan3A_118:5 = scf.for %scan3A_181 = %scan3A_114 to %scan3A_116 step %scan3A_117 iter_args(%scan3A_182 = %add3A_113, %scan3A_183 = %broadcast_in_dim3A_3, %scan3A_184 = %broadcast_in_dim3A_3, %scan3A_185 = %broadcast_in_dim3A_3, %scan3A_186 = %broadcast_in_dim3A_3) -> (vector<16xi32>, vector<16xf32>, vector<16xf32>, vector<16xf32>, vector<16xf32>)  : i32 {
          %add3A_187 = arith.constant 0 : i32
          %add3A_188 = vector.broadcast %add3A_187 : i32 to vector<16xi32>
          %add3A_189 = arith.addi %scan3A_182, %add3A_188 : vector<16xi32>
          %gather3A = tpu.vector_load_idx %arg10[%add3A_189] : memref<16512xf32, #tpu.memory_space<vmem>>[vector<16xi32>], vector<16xf32>,
          %add3A_190 = arith.constant 1 : i32
          %add3A_191 = vector.broadcast %add3A_190 : i32 to vector<16xi32>
          %add3A_192 = arith.addi %scan3A_182, %add3A_191 : vector<16xi32>
          %gather3A_193 = tpu.vector_load_idx %arg10[%add3A_192] : memref<16512xf32, #tpu.memory_space<vmem>>[vector<16xi32>], vector<16xf32>,
          %add3A_194 = arith.constant 2 : i32
          %add3A_195 = vector.broadcast %add3A_194 : i32 to vector<16xi32>
          %add3A_196 = arith.addi %scan3A_182, %add3A_195 : vector<16xi32>
          %gather3A_197 = tpu.vector_load_idx %arg10[%add3A_196] : memref<16512xf32, #tpu.memory_space<vmem>>[vector<16xi32>], vector<16xf32>,
          %add3A_198 = arith.constant 3 : i32
          %add3A_199 = vector.broadcast %add3A_198 : i32 to vector<16xi32>
          %add3A_200 = arith.addi %scan3A_182, %add3A_199 : vector<16xi32>
          %gather3A_201 = tpu.vector_load_idx %arg10[%add3A_200] : memref<16512xf32, #tpu.memory_space<vmem>>[vector<16xi32>], vector<16xf32>,
          %add3A_202 = arith.constant 4 : i32
          %add3A_203 = vector.broadcast %add3A_202 : i32 to vector<16xi32>
          %add3A_204 = arith.addi %scan3A_182, %add3A_203 : vector<16xi32>
          %gather3A_205 = tpu.vector_load_idx %arg10[%add3A_204] : memref<16512xf32, #tpu.memory_space<vmem>>[vector<16xi32>], vector<16xf32>,
          %add3A_206 = arith.constant 5 : i32
          %add3A_207 = vector.broadcast %add3A_206 : i32 to vector<16xi32>
          %add3A_208 = arith.addi %scan3A_182, %add3A_207 : vector<16xi32>
          %gather3A_209 = tpu.vector_load_idx %arg10[%add3A_208] : memref<16512xf32, #tpu.memory_space<vmem>>[vector<16xi32>], vector<16xf32>,
          %add3A_210 = arith.constant 6 : i32
          %add3A_211 = vector.broadcast %add3A_210 : i32 to vector<16xi32>
          %add3A_212 = arith.addi %scan3A_182, %add3A_211 : vector<16xi32>
          %gather3A_213 = tpu.vector_load_idx %arg10[%add3A_212] : memref<16512xf32, #tpu.memory_space<vmem>>[vector<16xi32>], vector<16xf32>,
          %add3A_214 = arith.constant 7 : i32
          %add3A_215 = vector.broadcast %add3A_214 : i32 to vector<16xi32>
          %add3A_216 = arith.addi %scan3A_182, %add3A_215 : vector<16xi32>
          %gather3A_217 = tpu.vector_load_idx %arg10[%add3A_216] : memref<16512xf32, #tpu.memory_space<vmem>>[vector<16xi32>], vector<16xf32>,
          %add3A_218 = arith.constant 8 : i32
          %add3A_219 = vector.broadcast %add3A_218 : i32 to vector<16xi32>
          %add3A_220 = arith.addi %scan3A_182, %add3A_219 : vector<16xi32>
          %max3A_221 = arith.maximumf %scan3A_183, %gather3A : vector<16xf32>
          %max3A_222 = arith.maximumf %max3A_221, %gather3A_205 : vector<16xf32>
          %max3A_223 = arith.maximumf %scan3A_184, %gather3A_193 : vector<16xf32>
          %max3A_224 = arith.maximumf %max3A_223, %gather3A_209 : vector<16xf32>
          %max3A_225 = arith.maximumf %scan3A_185, %gather3A_197 : vector<16xf32>
          %max3A_226 = arith.maximumf %max3A_225, %gather3A_213 : vector<16xf32>
          %max3A_227 = arith.maximumf %scan3A_186, %gather3A_201 : vector<16xf32>
          %max3A_228 = arith.maximumf %max3A_227, %gather3A_217 : vector<16xf32>
          scf.yield %add3A_220, %max3A_222, %max3A_224, %max3A_226, %max3A_228 : vector<16xi32>, vector<16xf32>, vector<16xf32>, vector<16xf32>, vector<16xf32>
        }
        %scan3A_119 = arith.constant 16 : i32
        %max3A = arith.maximumf %scan3A_118#1, %scan3A_118#2 : vector<16xf32>
        %max3A_120 = arith.maximumf %scan3A_118#3, %scan3A_118#4 : vector<16xf32>
        %max3A_121 = arith.maximumf %max3A, %max3A_120 : vector<16xf32>
        %scan3A_122 = arith.constant 0 : i32
        %scan3A_123 = arith.constant 16 : i32
        %scan3A_124 = arith.addi %scan3A_122, %scan3A_123 : i32
        %scan3A_125 = arith.constant 1 : i32
        %scan3A_126:9 = scf.for %scan3A_181 = %scan3A_122 to %scan3A_124 step %scan3A_125 iter_args(%scan3A_182 = %add3A_113, %scan3A_183 = %broadcast_in_dim3A_5, %scan3A_184 = %broadcast_in_dim3A_5, %scan3A_185 = %broadcast_in_dim3A_5, %scan3A_186 = %broadcast_in_dim3A_5, %scan3A_187 = %broadcast_in_dim3A_5, %scan3A_188 = %broadcast_in_dim3A_5, %scan3A_189 = %broadcast_in_dim3A_5, %scan3A_190 = %broadcast_in_dim3A_5) -> (vector<16xi32>, vector<16xf32>, vector<16xf32>, vector<16xf32>, vector<16xf32>, vector<16xf32>, vector<16xf32>, vector<16xf32>, vector<16xf32>)  : i32 {
          %add3A_191 = arith.constant 0 : i32
          %add3A_192 = vector.broadcast %add3A_191 : i32 to vector<16xi32>
          %add3A_193 = arith.addi %scan3A_182, %add3A_192 : vector<16xi32>
          %gather3A = tpu.vector_load_idx %arg10[%add3A_193] : memref<16512xf32, #tpu.memory_space<vmem>>[vector<16xi32>], vector<16xf32>,
          %add3A_194 = arith.constant 1 : i32
          %add3A_195 = vector.broadcast %add3A_194 : i32 to vector<16xi32>
          %add3A_196 = arith.addi %scan3A_182, %add3A_195 : vector<16xi32>
          %gather3A_197 = tpu.vector_load_idx %arg10[%add3A_196] : memref<16512xf32, #tpu.memory_space<vmem>>[vector<16xi32>], vector<16xf32>,
          %add3A_198 = arith.constant 2 : i32
          %add3A_199 = vector.broadcast %add3A_198 : i32 to vector<16xi32>
          %add3A_200 = arith.addi %scan3A_182, %add3A_199 : vector<16xi32>
          %gather3A_201 = tpu.vector_load_idx %arg10[%add3A_200] : memref<16512xf32, #tpu.memory_space<vmem>>[vector<16xi32>], vector<16xf32>,
          %add3A_202 = arith.constant 3 : i32
          %add3A_203 = vector.broadcast %add3A_202 : i32 to vector<16xi32>
          %add3A_204 = arith.addi %scan3A_182, %add3A_203 : vector<16xi32>
          %gather3A_205 = tpu.vector_load_idx %arg10[%add3A_204] : memref<16512xf32, #tpu.memory_space<vmem>>[vector<16xi32>], vector<16xf32>,
          %add3A_206 = arith.constant 4 : i32
          %add3A_207 = vector.broadcast %add3A_206 : i32 to vector<16xi32>
          %add3A_208 = arith.addi %scan3A_182, %add3A_207 : vector<16xi32>
          %gather3A_209 = tpu.vector_load_idx %arg10[%add3A_208] : memref<16512xf32, #tpu.memory_space<vmem>>[vector<16xi32>], vector<16xf32>,
          %add3A_210 = arith.constant 5 : i32
          %add3A_211 = vector.broadcast %add3A_210 : i32 to vector<16xi32>
          %add3A_212 = arith.addi %scan3A_182, %add3A_211 : vector<16xi32>
          %gather3A_213 = tpu.vector_load_idx %arg10[%add3A_212] : memref<16512xf32, #tpu.memory_space<vmem>>[vector<16xi32>], vector<16xf32>,
          %add3A_214 = arith.constant 6 : i32
          %add3A_215 = vector.broadcast %add3A_214 : i32 to vector<16xi32>
          %add3A_216 = arith.addi %scan3A_182, %add3A_215 : vector<16xi32>
          %gather3A_217 = tpu.vector_load_idx %arg10[%add3A_216] : memref<16512xf32, #tpu.memory_space<vmem>>[vector<16xi32>], vector<16xf32>,
          %add3A_218 = arith.constant 7 : i32
          %add3A_219 = vector.broadcast %add3A_218 : i32 to vector<16xi32>
          %add3A_220 = arith.addi %scan3A_182, %add3A_219 : vector<16xi32>
          %gather3A_221 = tpu.vector_load_idx %arg10[%add3A_220] : memref<16512xf32, #tpu.memory_space<vmem>>[vector<16xi32>], vector<16xf32>,
          %sub3A_222 = arith.subf %gather3A, %max3A_121 : vector<16xf32>
          %exp3A = math.exp %sub3A_222 : vector<16xf32>
          %sub3A_223 = arith.subf %gather3A_197, %max3A_121 : vector<16xf32>
          %exp3A_224 = math.exp %sub3A_223 : vector<16xf32>
          %sub3A_225 = arith.subf %gather3A_201, %max3A_121 : vector<16xf32>
          %exp3A_226 = math.exp %sub3A_225 : vector<16xf32>
          %sub3A_227 = arith.subf %gather3A_205, %max3A_121 : vector<16xf32>
          %exp3A_228 = math.exp %sub3A_227 : vector<16xf32>
          %sub3A_229 = arith.subf %gather3A_209, %max3A_121 : vector<16xf32>
          %exp3A_230 = math.exp %sub3A_229 : vector<16xf32>
          %sub3A_231 = arith.subf %gather3A_213, %max3A_121 : vector<16xf32>
          %exp3A_232 = math.exp %sub3A_231 : vector<16xf32>
          %sub3A_233 = arith.subf %gather3A_217, %max3A_121 : vector<16xf32>
          %exp3A_234 = math.exp %sub3A_233 : vector<16xf32>
          %sub3A_235 = arith.subf %gather3A_221, %max3A_121 : vector<16xf32>
          %exp3A_236 = math.exp %sub3A_235 : vector<16xf32>
          %add3A_237 = arith.constant 8 : i32
          %add3A_238 = vector.broadcast %add3A_237 : i32 to vector<16xi32>
          %add3A_239 = arith.addi %scan3A_182, %add3A_238 : vector<16xi32>
          %add3A_240 = arith.addf %scan3A_183, %exp3A : vector<16xf32>
          %add3A_241 = arith.addf %scan3A_184, %exp3A_224 : vector<16xf32>
          %add3A_242 = arith.addf %scan3A_185, %exp3A_226 : vector<16xf32>
          %add3A_243 = arith.addf %scan3A_186, %exp3A_228 : vector<16xf32>
          %add3A_244 = arith.addf %scan3A_187, %exp3A_230 : vector<16xf32>
          %add3A_245 = arith.addf %scan3A_188, %exp3A_232 : vector<16xf32>
          %add3A_246 = arith.addf %scan3A_189, %exp3A_234 : vector<16xf32>
          %add3A_247 = arith.addf %scan3A_190, %exp3A_236 : vector<16xf32>
          scf.yield %add3A_239, %add3A_240, %add3A_241, %add3A_242, %add3A_243, %add3A_244, %add3A_245, %add3A_246, %add3A_247 : vector<16xi32>, vector<16xf32>, vector<16xf32>, vector<16xf32>, vector<16xf32>, vector<16xf32>, vector<16xf32>, vector<16xf32>, vector<16xf32>
        }
        %scan3A_127 = arith.constant 16 : i32
        %add3A_128 = arith.addf %scan3A_126#1, %scan3A_126#2 : vector<16xf32>
        %add3A_129 = arith.addf %scan3A_126#3, %scan3A_126#4 : vector<16xf32>
        %add3A_130 = arith.addf %add3A_128, %add3A_129 : vector<16xf32>
        %add3A_131 = arith.addf %scan3A_126#5, %scan3A_126#6 : vector<16xf32>
        %add3A_132 = arith.addf %scan3A_126#7, %scan3A_126#8 : vector<16xf32>
        %add3A_133 = arith.addf %add3A_131, %add3A_132 : vector<16xf32>
        %add3A_134 = arith.addf %add3A_130, %add3A_133 : vector<16xf32>
        %bitcast_convert_type3A = tpu.bitcast %add3A_134 : vector<16xf32> -> vector<16xi32>
        %shift_right_arithmetic3A = arith.constant 23 : i32
        %shift_right_arithmetic3A_135 = vector.broadcast %shift_right_arithmetic3A : i32 to vector<16xi32>
        %shift_right_arithmetic3A_136 = arith.shrsi %bitcast_convert_type3A, %shift_right_arithmetic3A_135 : vector<16xi32>
        %sub3A = arith.constant 127 : i32
        %sub3A_137 = vector.broadcast %sub3A : i32 to vector<16xi32>
        %sub3A_138 = arith.subi %shift_right_arithmetic3A_136, %sub3A_137 : vector<16xi32>
        %and3A = arith.constant 8388607 : i32
        %and3A_139 = vector.broadcast %and3A : i32 to vector<16xi32>
        %and3A_140 = arith.andi %bitcast_convert_type3A, %and3A_139 : vector<16xi32>
        %or3A = arith.constant 1065353216 : i32
        %or3A_141 = vector.broadcast %or3A : i32 to vector<16xi32>
        %or3A_142 = arith.ori %and3A_140, %or3A_141 : vector<16xi32>
        %bitcast_convert_type3A_143 = tpu.bitcast %or3A_142 : vector<16xi32> -> vector<16xf32>
        %sub3A_144 = arith.constant 1.000000e+00 : f32
        %sub3A_145 = vector.broadcast %sub3A_144 : f32 to vector<16xf32>
        %sub3A_146 = arith.subf %bitcast_convert_type3A_143, %sub3A_145 : vector<16xf32>
        %add3A_147 = arith.constant 1.000000e+00 : f32
        %add3A_148 = vector.broadcast %add3A_147 : f32 to vector<16xf32>
        %add3A_149 = arith.addf %bitcast_convert_type3A_143, %add3A_148 : vector<16xf32>
        %div3A = arith.divf %sub3A_146, %add3A_149 : vector<16xf32>
        %mul3A_150 = arith.mulf %div3A, %div3A : vector<16xf32>
        %mul3A_151 = arith.constant 2.000000e+00 : f32
        %mul3A_152 = vector.broadcast %mul3A_151 : f32 to vector<16xf32>
        %mul3A_153 = arith.mulf %mul3A_152, %div3A : vector<16xf32>
        %mul3A_154 = arith.constant 0.142857149 : f32
        %mul3A_155 = vector.broadcast %mul3A_154 : f32 to vector<16xf32>
        %mul3A_156 = arith.mulf %mul3A_150, %mul3A_155 : vector<16xf32>
        %add3A_157 = arith.constant 2.000000e-01 : f32
        %add3A_158 = vector.broadcast %add3A_157 : f32 to vector<16xf32>
        %add3A_159 = arith.addf %add3A_158, %mul3A_156 : vector<16xf32>
        %mul3A_160 = arith.mulf %mul3A_150, %add3A_159 : vector<16xf32>
        %add3A_161 = arith.constant 0.333333343 : f32
        %add3A_162 = vector.broadcast %add3A_161 : f32 to vector<16xf32>
        %add3A_163 = arith.addf %add3A_162, %mul3A_160 : vector<16xf32>
        %mul3A_164 = arith.mulf %mul3A_150, %add3A_163 : vector<16xf32>
        %add3A_165 = arith.constant 1.000000e+00 : f32
        %add3A_166 = vector.broadcast %add3A_165 : f32 to vector<16xf32>
        %add3A_167 = arith.addf %add3A_166, %mul3A_164 : vector<16xf32>
        %mul3A_168 = arith.mulf %mul3A_153, %add3A_167 : vector<16xf32>
        %convert_element_type3A_169 = arith.sitofp %sub3A_138 : vector<16xi32> to vector<16xf32>
        %mul3A_170 = arith.constant 0.693147182 : f32
        %mul3A_171 = vector.broadcast %mul3A_170 : f32 to vector<16xf32>
        %mul3A_172 = arith.mulf %convert_element_type3A_169, %mul3A_171 : vector<16xf32>
        %add3A_173 = arith.addf %mul3A_172, %mul3A_168 : vector<16xf32>
        %add3A_174 = arith.addf %max3A_121, %add3A_173 : vector<16xf32>
        %scan3A_175 = arith.constant 0 : i32
        %scan3A_176 = arith.constant 8 : i32
        %scan3A_177 = arith.addi %scan3A_175, %scan3A_176 : i32
        %scan3A_178 = arith.constant 1 : i32
        %scan3A_179 = scf.for %scan3A_181 = %scan3A_175 to %scan3A_177 step %scan3A_178 iter_args(%scan3A_182 = %add3A_113) -> (vector<16xi32>)  : i32 {
          %mul3A_183 = arith.constant 16 : i32
          %mul3A_184 = arith.muli %scan3A_181, %mul3A_183 : i32
          %get3A = arith.index_cast %mul3A_184 : i32 to index
          %get3A_185 = tpu.vector_load %arg5[%get3A] {strides = array<i32>} : memref<128xi32, #tpu.memory_space<vmem>>, vector<16xi32>,
          %slice3A = vector.extract_strided_slice %get3A_185 {offsets = [0], sizes = [1], strides = [1]} : vector<16xi32> to vector<1xi32>
          %squeeze3A = vector.extract %slice3A[0] : i32 from vector<1xi32>
          %add3A_186 = vector.broadcast %squeeze3A : i32 to vector<16xi32>
          %add3A_187 = arith.addi %add3A_113, %add3A_186 : vector<16xi32>
          %gather3A = tpu.vector_load_idx %arg10[%add3A_187] : memref<16512xf32, #tpu.memory_space<vmem>>[vector<16xi32>], vector<16xf32>,
          %slice3A_188 = vector.extract_strided_slice %get3A_185 {offsets = [1], sizes = [1], strides = [1]} : vector<16xi32> to vector<1xi32>
          %squeeze3A_189 = vector.extract %slice3A_188[0] : i32 from vector<1xi32>
          %add3A_190 = vector.broadcast %squeeze3A_189 : i32 to vector<16xi32>
          %add3A_191 = arith.addi %add3A_113, %add3A_190 : vector<16xi32>
          %gather3A_192 = tpu.vector_load_idx %arg10[%add3A_191] : memref<16512xf32, #tpu.memory_space<vmem>>[vector<16xi32>], vector<16xf32>,
          %slice3A_193 = vector.extract_strided_slice %get3A_185 {offsets = [2], sizes = [1], strides = [1]} : vector<16xi32> to vector<1xi32>
          %squeeze3A_194 = vector.extract %slice3A_193[0] : i32 from vector<1xi32>
          %add3A_195 = vector.broadcast %squeeze3A_194 : i32 to vector<16xi32>
          %add3A_196 = arith.addi %add3A_113, %add3A_195 : vector<16xi32>
          %gather3A_197 = tpu.vector_load_idx %arg10[%add3A_196] : memref<16512xf32, #tpu.memory_space<vmem>>[vector<16xi32>], vector<16xf32>,
          %slice3A_198 = vector.extract_strided_slice %get3A_185 {offsets = [3], sizes = [1], strides = [1]} : vector<16xi32> to vector<1xi32>
          %squeeze3A_199 = vector.extract %slice3A_198[0] : i32 from vector<1xi32>
          %add3A_200 = vector.broadcast %squeeze3A_199 : i32 to vector<16xi32>
          %add3A_201 = arith.addi %add3A_113, %add3A_200 : vector<16xi32>
          %gather3A_202 = tpu.vector_load_idx %arg10[%add3A_201] : memref<16512xf32, #tpu.memory_space<vmem>>[vector<16xi32>], vector<16xf32>,
          %slice3A_203 = vector.extract_strided_slice %get3A_185 {offsets = [4], sizes = [1], strides = [1]} : vector<16xi32> to vector<1xi32>
          %squeeze3A_204 = vector.extract %slice3A_203[0] : i32 from vector<1xi32>
          %add3A_205 = vector.broadcast %squeeze3A_204 : i32 to vector<16xi32>
          %add3A_206 = arith.addi %add3A_113, %add3A_205 : vector<16xi32>
          %gather3A_207 = tpu.vector_load_idx %arg10[%add3A_206] : memref<16512xf32, #tpu.memory_space<vmem>>[vector<16xi32>], vector<16xf32>,
          %slice3A_208 = vector.extract_strided_slice %get3A_185 {offsets = [5], sizes = [1], strides = [1]} : vector<16xi32> to vector<1xi32>
          %squeeze3A_209 = vector.extract %slice3A_208[0] : i32 from vector<1xi32>
          %add3A_210 = vector.broadcast %squeeze3A_209 : i32 to vector<16xi32>
          %add3A_211 = arith.addi %add3A_113, %add3A_210 : vector<16xi32>
          %gather3A_212 = tpu.vector_load_idx %arg10[%add3A_211] : memref<16512xf32, #tpu.memory_space<vmem>>[vector<16xi32>], vector<16xf32>,
          %slice3A_213 = vector.extract_strided_slice %get3A_185 {offsets = [6], sizes = [1], strides = [1]} : vector<16xi32> to vector<1xi32>
          %squeeze3A_214 = vector.extract %slice3A_213[0] : i32 from vector<1xi32>
          %add3A_215 = vector.broadcast %squeeze3A_214 : i32 to vector<16xi32>
          %add3A_216 = arith.addi %add3A_113, %add3A_215 : vector<16xi32>
          %gather3A_217 = tpu.vector_load_idx %arg10[%add3A_216] : memref<16512xf32, #tpu.memory_space<vmem>>[vector<16xi32>], vector<16xf32>,
          %slice3A_218 = vector.extract_strided_slice %get3A_185 {offsets = [7], sizes = [1], strides = [1]} : vector<16xi32> to vector<1xi32>
          %squeeze3A_219 = vector.extract %slice3A_218[0] : i32 from vector<1xi32>
          %add3A_220 = vector.broadcast %squeeze3A_219 : i32 to vector<16xi32>
          %add3A_221 = arith.addi %add3A_113, %add3A_220 : vector<16xi32>
          %gather3A_222 = tpu.vector_load_idx %arg10[%add3A_221] : memref<16512xf32, #tpu.memory_space<vmem>>[vector<16xi32>], vector<16xf32>,
          %add3A_223 = arith.constant 0 : i32
          %add3A_224 = vector.broadcast %add3A_223 : i32 to vector<16xi32>
          %add3A_225 = arith.addi %scan3A_182, %add3A_224 : vector<16xi32>
          %sub3A_226 = arith.subf %gather3A, %add3A_174 : vector<16xf32>
          tpu.vector_store_idx %arg11[%add3A_225], %sub3A_226 : memref<16512xf32, #tpu.memory_space<vmem>>[vector<16xi32>], vector<16xf32>,
          %add3A_227 = arith.constant 1 : i32
          %add3A_228 = vector.broadcast %add3A_227 : i32 to vector<16xi32>
          %add3A_229 = arith.addi %scan3A_182, %add3A_228 : vector<16xi32>
          %sub3A_230 = arith.subf %gather3A_192, %add3A_174 : vector<16xf32>
          tpu.vector_store_idx %arg11[%add3A_229], %sub3A_230 : memref<16512xf32, #tpu.memory_space<vmem>>[vector<16xi32>], vector<16xf32>,
          %add3A_231 = arith.constant 2 : i32
          %add3A_232 = vector.broadcast %add3A_231 : i32 to vector<16xi32>
          %add3A_233 = arith.addi %scan3A_182, %add3A_232 : vector<16xi32>
          %sub3A_234 = arith.subf %gather3A_197, %add3A_174 : vector<16xf32>
          tpu.vector_store_idx %arg11[%add3A_233], %sub3A_234 : memref<16512xf32, #tpu.memory_space<vmem>>[vector<16xi32>], vector<16xf32>,
          %add3A_235 = arith.constant 3 : i32
          %add3A_236 = vector.broadcast %add3A_235 : i32 to vector<16xi32>
          %add3A_237 = arith.addi %scan3A_182, %add3A_236 : vector<16xi32>
          %sub3A_238 = arith.subf %gather3A_202, %add3A_174 : vector<16xf32>
          tpu.vector_store_idx %arg11[%add3A_237], %sub3A_238 : memref<16512xf32, #tpu.memory_space<vmem>>[vector<16xi32>], vector<16xf32>,
          %add3A_239 = arith.constant 4 : i32
          %add3A_240 = vector.broadcast %add3A_239 : i32 to vector<16xi32>
          %add3A_241 = arith.addi %scan3A_182, %add3A_240 : vector<16xi32>
          %sub3A_242 = arith.subf %gather3A_207, %add3A_174 : vector<16xf32>
          tpu.vector_store_idx %arg11[%add3A_241], %sub3A_242 : memref<16512xf32, #tpu.memory_space<vmem>>[vector<16xi32>], vector<16xf32>,
          %add3A_243 = arith.constant 5 : i32
          %add3A_244 = vector.broadcast %add3A_243 : i32 to vector<16xi32>
          %add3A_245 = arith.addi %scan3A_182, %add3A_244 : vector<16xi32>
          %sub3A_246 = arith.subf %gather3A_212, %add3A_174 : vector<16xf32>
          tpu.vector_store_idx %arg11[%add3A_245], %sub3A_246 : memref<16512xf32, #tpu.memory_space<vmem>>[vector<16xi32>], vector<16xf32>,
          %add3A_247 = arith.constant 6 : i32
          %add3A_248 = vector.broadcast %add3A_247 : i32 to vector<16xi32>
          %add3A_249 = arith.addi %scan3A_182, %add3A_248 : vector<16xi32>
          %sub3A_250 = arith.subf %gather3A_217, %add3A_174 : vector<16xf32>
          tpu.vector_store_idx %arg11[%add3A_249], %sub3A_250 : memref<16512xf32, #tpu.memory_space<vmem>>[vector<16xi32>], vector<16xf32>,
          %add3A_251 = arith.constant 7 : i32
          %add3A_252 = vector.broadcast %add3A_251 : i32 to vector<16xi32>
          %add3A_253 = arith.addi %scan3A_182, %add3A_252 : vector<16xi32>
          %sub3A_254 = arith.subf %gather3A_222, %add3A_174 : vector<16xf32>
          tpu.vector_store_idx %arg11[%add3A_253], %sub3A_254 : memref<16512xf32, #tpu.memory_space<vmem>>[vector<16xi32>], vector<16xf32>,
          %slice3A_255 = vector.extract_strided_slice %get3A_185 {offsets = [8], sizes = [1], strides = [1]} : vector<16xi32> to vector<1xi32>
          %squeeze3A_256 = vector.extract %slice3A_255[0] : i32 from vector<1xi32>
          %add3A_257 = vector.broadcast %squeeze3A_256 : i32 to vector<16xi32>
          %add3A_258 = arith.addi %add3A_113, %add3A_257 : vector<16xi32>
          %gather3A_259 = tpu.vector_load_idx %arg10[%add3A_258] : memref<16512xf32, #tpu.memory_space<vmem>>[vector<16xi32>], vector<16xf32>,
          %slice3A_260 = vector.extract_strided_slice %get3A_185 {offsets = [9], sizes = [1], strides = [1]} : vector<16xi32> to vector<1xi32>
          %squeeze3A_261 = vector.extract %slice3A_260[0] : i32 from vector<1xi32>
          %add3A_262 = vector.broadcast %squeeze3A_261 : i32 to vector<16xi32>
          %add3A_263 = arith.addi %add3A_113, %add3A_262 : vector<16xi32>
          %gather3A_264 = tpu.vector_load_idx %arg10[%add3A_263] : memref<16512xf32, #tpu.memory_space<vmem>>[vector<16xi32>], vector<16xf32>,
          %slice3A_265 = vector.extract_strided_slice %get3A_185 {offsets = [10], sizes = [1], strides = [1]} : vector<16xi32> to vector<1xi32>
          %squeeze3A_266 = vector.extract %slice3A_265[0] : i32 from vector<1xi32>
          %add3A_267 = vector.broadcast %squeeze3A_266 : i32 to vector<16xi32>
          %add3A_268 = arith.addi %add3A_113, %add3A_267 : vector<16xi32>
          %gather3A_269 = tpu.vector_load_idx %arg10[%add3A_268] : memref<16512xf32, #tpu.memory_space<vmem>>[vector<16xi32>], vector<16xf32>,
          %slice3A_270 = vector.extract_strided_slice %get3A_185 {offsets = [11], sizes = [1], strides = [1]} : vector<16xi32> to vector<1xi32>
          %squeeze3A_271 = vector.extract %slice3A_270[0] : i32 from vector<1xi32>
          %add3A_272 = vector.broadcast %squeeze3A_271 : i32 to vector<16xi32>
          %add3A_273 = arith.addi %add3A_113, %add3A_272 : vector<16xi32>
          %gather3A_274 = tpu.vector_load_idx %arg10[%add3A_273] : memref<16512xf32, #tpu.memory_space<vmem>>[vector<16xi32>], vector<16xf32>,
          %slice3A_275 = vector.extract_strided_slice %get3A_185 {offsets = [12], sizes = [1], strides = [1]} : vector<16xi32> to vector<1xi32>
          %squeeze3A_276 = vector.extract %slice3A_275[0] : i32 from vector<1xi32>
          %add3A_277 = vector.broadcast %squeeze3A_276 : i32 to vector<16xi32>
          %add3A_278 = arith.addi %add3A_113, %add3A_277 : vector<16xi32>
          %gather3A_279 = tpu.vector_load_idx %arg10[%add3A_278] : memref<16512xf32, #tpu.memory_space<vmem>>[vector<16xi32>], vector<16xf32>,
          %slice3A_280 = vector.extract_strided_slice %get3A_185 {offsets = [13], sizes = [1], strides = [1]} : vector<16xi32> to vector<1xi32>
          %squeeze3A_281 = vector.extract %slice3A_280[0] : i32 from vector<1xi32>
          %add3A_282 = vector.broadcast %squeeze3A_281 : i32 to vector<16xi32>
          %add3A_283 = arith.addi %add3A_113, %add3A_282 : vector<16xi32>
          %gather3A_284 = tpu.vector_load_idx %arg10[%add3A_283] : memref<16512xf32, #tpu.memory_space<vmem>>[vector<16xi32>], vector<16xf32>,
          %slice3A_285 = vector.extract_strided_slice %get3A_185 {offsets = [14], sizes = [1], strides = [1]} : vector<16xi32> to vector<1xi32>
          %squeeze3A_286 = vector.extract %slice3A_285[0] : i32 from vector<1xi32>
          %add3A_287 = vector.broadcast %squeeze3A_286 : i32 to vector<16xi32>
          %add3A_288 = arith.addi %add3A_113, %add3A_287 : vector<16xi32>
          %gather3A_289 = tpu.vector_load_idx %arg10[%add3A_288] : memref<16512xf32, #tpu.memory_space<vmem>>[vector<16xi32>], vector<16xf32>,
          %slice3A_290 = vector.extract_strided_slice %get3A_185 {offsets = [15], sizes = [1], strides = [1]} : vector<16xi32> to vector<1xi32>
          %squeeze3A_291 = vector.extract %slice3A_290[0] : i32 from vector<1xi32>
          %add3A_292 = vector.broadcast %squeeze3A_291 : i32 to vector<16xi32>
          %add3A_293 = arith.addi %add3A_113, %add3A_292 : vector<16xi32>
          %gather3A_294 = tpu.vector_load_idx %arg10[%add3A_293] : memref<16512xf32, #tpu.memory_space<vmem>>[vector<16xi32>], vector<16xf32>,
          %add3A_295 = arith.constant 8 : i32
          %add3A_296 = vector.broadcast %add3A_295 : i32 to vector<16xi32>
          %add3A_297 = arith.addi %scan3A_182, %add3A_296 : vector<16xi32>
          %sub3A_298 = arith.subf %gather3A_259, %add3A_174 : vector<16xf32>
          tpu.vector_store_idx %arg11[%add3A_297], %sub3A_298 : memref<16512xf32, #tpu.memory_space<vmem>>[vector<16xi32>], vector<16xf32>,
          %add3A_299 = arith.constant 9 : i32
          %add3A_300 = vector.broadcast %add3A_299 : i32 to vector<16xi32>
          %add3A_301 = arith.addi %scan3A_182, %add3A_300 : vector<16xi32>
          %sub3A_302 = arith.subf %gather3A_264, %add3A_174 : vector<16xf32>
          tpu.vector_store_idx %arg11[%add3A_301], %sub3A_302 : memref<16512xf32, #tpu.memory_space<vmem>>[vector<16xi32>], vector<16xf32>,
          %add3A_303 = arith.constant 10 : i32
          %add3A_304 = vector.broadcast %add3A_303 : i32 to vector<16xi32>
          %add3A_305 = arith.addi %scan3A_182, %add3A_304 : vector<16xi32>
          %sub3A_306 = arith.subf %gather3A_269, %add3A_174 : vector<16xf32>
          tpu.vector_store_idx %arg11[%add3A_305], %sub3A_306 : memref<16512xf32, #tpu.memory_space<vmem>>[vector<16xi32>], vector<16xf32>,
          %add3A_307 = arith.constant 11 : i32
          %add3A_308 = vector.broadcast %add3A_307 : i32 to vector<16xi32>
          %add3A_309 = arith.addi %scan3A_182, %add3A_308 : vector<16xi32>
          %sub3A_310 = arith.subf %gather3A_274, %add3A_174 : vector<16xf32>
          tpu.vector_store_idx %arg11[%add3A_309], %sub3A_310 : memref<16512xf32, #tpu.memory_space<vmem>>[vector<16xi32>], vector<16xf32>,
          %add3A_311 = arith.constant 12 : i32
          %add3A_312 = vector.broadcast %add3A_311 : i32 to vector<16xi32>
          %add3A_313 = arith.addi %scan3A_182, %add3A_312 : vector<16xi32>
          %sub3A_314 = arith.subf %gather3A_279, %add3A_174 : vector<16xf32>
          tpu.vector_store_idx %arg11[%add3A_313], %sub3A_314 : memref<16512xf32, #tpu.memory_space<vmem>>[vector<16xi32>], vector<16xf32>,
          %add3A_315 = arith.constant 13 : i32
          %add3A_316 = vector.broadcast %add3A_315 : i32 to vector<16xi32>
          %add3A_317 = arith.addi %scan3A_182, %add3A_316 : vector<16xi32>
          %sub3A_318 = arith.subf %gather3A_284, %add3A_174 : vector<16xf32>
          tpu.vector_store_idx %arg11[%add3A_317], %sub3A_318 : memref<16512xf32, #tpu.memory_space<vmem>>[vector<16xi32>], vector<16xf32>,
          %add3A_319 = arith.constant 14 : i32
          %add3A_320 = vector.broadcast %add3A_319 : i32 to vector<16xi32>
          %add3A_321 = arith.addi %scan3A_182, %add3A_320 : vector<16xi32>
          %sub3A_322 = arith.subf %gather3A_289, %add3A_174 : vector<16xf32>
          tpu.vector_store_idx %arg11[%add3A_321], %sub3A_322 : memref<16512xf32, #tpu.memory_space<vmem>>[vector<16xi32>], vector<16xf32>,
          %add3A_323 = arith.constant 15 : i32
          %add3A_324 = vector.broadcast %add3A_323 : i32 to vector<16xi32>
          %add3A_325 = arith.addi %scan3A_182, %add3A_324 : vector<16xi32>
          %sub3A_326 = arith.subf %gather3A_294, %add3A_174 : vector<16xf32>
          tpu.vector_store_idx %arg11[%add3A_325], %sub3A_326 : memref<16512xf32, #tpu.memory_space<vmem>>[vector<16xi32>], vector<16xf32>,
          %add3A_327 = arith.constant 16 : i32
          %add3A_328 = vector.broadcast %add3A_327 : i32 to vector<16xi32>
          %add3A_329 = arith.addi %scan3A_182, %add3A_328 : vector<16xi32>
          scf.yield %add3A_329 : vector<16xi32>
        }
        %scan3A_180 = arith.constant 8 : i32
      }
      %scan3A_48 = arith.constant 8 : i32
      %scan3A_49 = arith.constant 0 : i32
      %scan3A_50 = arith.constant 0 : i32
      %scan3A_51 = arith.constant 32 : i32
      %scan3A_52 = arith.addi %scan3A_50, %scan3A_51 : i32
      %scan3A_53 = arith.constant 1 : i32
      scf.for %scan3A_106 = %scan3A_50 to %scan3A_52 step %scan3A_53  : i32 {
        %mul3A_107 = arith.constant 4 : i32
        %mul3A_108 = arith.muli %mul3A_107, %scan3A_106 : i32
        %add3A_109 = arith.constant 0 : i32
        %add3A_110 = arith.addi %mul3A_108, %add3A_109 : i32
        %mul3A_111 = arith.constant 129 : i32
        %mul3A_112 = arith.muli %add3A_110, %mul3A_111 : i32
        %mul3A_113 = arith.constant 4 : i32
        %mul3A_114 = arith.muli %mul3A_113, %scan3A_106 : i32
        %add3A_115 = arith.constant 0 : i32
        %add3A_116 = arith.addi %mul3A_114, %add3A_115 : i32
        %mul3A_117 = arith.constant 128 : i32
        %mul3A_118 = arith.muli %add3A_116, %mul3A_117 : i32
        %add3A_119 = arith.constant 0 : i32
        %add3A_120 = arith.addi %mul3A_112, %add3A_119 : i32
        %get3A = arith.index_cast %add3A_120 : i32 to index
        %get3A_121 = tpu.vector_load %arg11[%get3A] {strides = array<i32>} : memref<16512xf32, #tpu.memory_space<vmem>>, vector<16xf32>,
        %add3A_122 = arith.constant 0 : i32
        %add3A_123 = arith.addi %mul3A_118, %add3A_122 : i32
        %swap3A = arith.index_cast %add3A_123 : i32 to index
        %swap3A_124 = tpu.vector_load %arg8[%swap3A] {strides = array<i32>} : memref<16384xf32, #tpu.memory_space<vmem>>, vector<16xf32>,
        tpu.vector_store %arg8[%swap3A], %get3A_121 {strides = array<i32>} : memref<16384xf32, #tpu.memory_space<vmem>>, vector<16xf32>,
        %add3A_125 = arith.constant 16 : i32
        %add3A_126 = arith.addi %mul3A_112, %add3A_125 : i32
        %get3A_127 = arith.index_cast %add3A_126 : i32 to index
        %get3A_128 = tpu.vector_load %arg11[%get3A_127] {strides = array<i32>} : memref<16512xf32, #tpu.memory_space<vmem>>, vector<16xf32>,
        %add3A_129 = arith.constant 16 : i32
        %add3A_130 = arith.addi %mul3A_118, %add3A_129 : i32
        %swap3A_131 = arith.index_cast %add3A_130 : i32 to index
        %swap3A_132 = tpu.vector_load %arg8[%swap3A_131] {strides = array<i32>} : memref<16384xf32, #tpu.memory_space<vmem>>, vector<16xf32>,
        tpu.vector_store %arg8[%swap3A_131], %get3A_128 {strides = array<i32>} : memref<16384xf32, #tpu.memory_space<vmem>>, vector<16xf32>,
        %add3A_133 = arith.constant 32 : i32
        %add3A_134 = arith.addi %mul3A_112, %add3A_133 : i32
        %get3A_135 = arith.index_cast %add3A_134 : i32 to index
        %get3A_136 = tpu.vector_load %arg11[%get3A_135] {strides = array<i32>} : memref<16512xf32, #tpu.memory_space<vmem>>, vector<16xf32>,
        %add3A_137 = arith.constant 32 : i32
        %add3A_138 = arith.addi %mul3A_118, %add3A_137 : i32
        %swap3A_139 = arith.index_cast %add3A_138 : i32 to index
        %swap3A_140 = tpu.vector_load %arg8[%swap3A_139] {strides = array<i32>} : memref<16384xf32, #tpu.memory_space<vmem>>, vector<16xf32>,
        tpu.vector_store %arg8[%swap3A_139], %get3A_136 {strides = array<i32>} : memref<16384xf32, #tpu.memory_space<vmem>>, vector<16xf32>,
        %add3A_141 = arith.constant 48 : i32
        %add3A_142 = arith.addi %mul3A_112, %add3A_141 : i32
        %get3A_143 = arith.index_cast %add3A_142 : i32 to index
        %get3A_144 = tpu.vector_load %arg11[%get3A_143] {strides = array<i32>} : memref<16512xf32, #tpu.memory_space<vmem>>, vector<16xf32>,
        %add3A_145 = arith.constant 48 : i32
        %add3A_146 = arith.addi %mul3A_118, %add3A_145 : i32
        %swap3A_147 = arith.index_cast %add3A_146 : i32 to index
        %swap3A_148 = tpu.vector_load %arg8[%swap3A_147] {strides = array<i32>} : memref<16384xf32, #tpu.memory_space<vmem>>, vector<16xf32>,
        tpu.vector_store %arg8[%swap3A_147], %get3A_144 {strides = array<i32>} : memref<16384xf32, #tpu.memory_space<vmem>>, vector<16xf32>,
        %add3A_149 = arith.constant 64 : i32
        %add3A_150 = arith.addi %mul3A_112, %add3A_149 : i32
        %get3A_151 = arith.index_cast %add3A_150 : i32 to index
        %get3A_152 = tpu.vector_load %arg11[%get3A_151] {strides = array<i32>} : memref<16512xf32, #tpu.memory_space<vmem>>, vector<16xf32>,
        %add3A_153 = arith.constant 64 : i32
        %add3A_154 = arith.addi %mul3A_118, %add3A_153 : i32
        %swap3A_155 = arith.index_cast %add3A_154 : i32 to index
        %swap3A_156 = tpu.vector_load %arg8[%swap3A_155] {strides = array<i32>} : memref<16384xf32, #tpu.memory_space<vmem>>, vector<16xf32>,
        tpu.vector_store %arg8[%swap3A_155], %get3A_152 {strides = array<i32>} : memref<16384xf32, #tpu.memory_space<vmem>>, vector<16xf32>,
        %add3A_157 = arith.constant 80 : i32
        %add3A_158 = arith.addi %mul3A_112, %add3A_157 : i32
        %get3A_159 = arith.index_cast %add3A_158 : i32 to index
        %get3A_160 = tpu.vector_load %arg11[%get3A_159] {strides = array<i32>} : memref<16512xf32, #tpu.memory_space<vmem>>, vector<16xf32>,
        %add3A_161 = arith.constant 80 : i32
        %add3A_162 = arith.addi %mul3A_118, %add3A_161 : i32
        %swap3A_163 = arith.index_cast %add3A_162 : i32 to index
        %swap3A_164 = tpu.vector_load %arg8[%swap3A_163] {strides = array<i32>} : memref<16384xf32, #tpu.memory_space<vmem>>, vector<16xf32>,
        tpu.vector_store %arg8[%swap3A_163], %get3A_160 {strides = array<i32>} : memref<16384xf32, #tpu.memory_space<vmem>>, vector<16xf32>,
        %add3A_165 = arith.constant 96 : i32
        %add3A_166 = arith.addi %mul3A_112, %add3A_165 : i32
        %get3A_167 = arith.index_cast %add3A_166 : i32 to index
        %get3A_168 = tpu.vector_load %arg11[%get3A_167] {strides = array<i32>} : memref<16512xf32, #tpu.memory_space<vmem>>, vector<16xf32>,
        %add3A_169 = arith.constant 96 : i32
        %add3A_170 = arith.addi %mul3A_118, %add3A_169 : i32
        %swap3A_171 = arith.index_cast %add3A_170 : i32 to index
        %swap3A_172 = tpu.vector_load %arg8[%swap3A_171] {strides = array<i32>} : memref<16384xf32, #tpu.memory_space<vmem>>, vector<16xf32>,
        tpu.vector_store %arg8[%swap3A_171], %get3A_168 {strides = array<i32>} : memref<16384xf32, #tpu.memory_space<vmem>>, vector<16xf32>,
        %add3A_173 = arith.constant 112 : i32
        %add3A_174 = arith.addi %mul3A_112, %add3A_173 : i32
        %get3A_175 = arith.index_cast %add3A_174 : i32 to index
        %get3A_176 = tpu.vector_load %arg11[%get3A_175] {strides = array<i32>} : memref<16512xf32, #tpu.memory_space<vmem>>, vector<16xf32>,
        %add3A_177 = arith.constant 112 : i32
        %add3A_178 = arith.addi %mul3A_118, %add3A_177 : i32
        %swap3A_179 = arith.index_cast %add3A_178 : i32 to index
        %swap3A_180 = tpu.vector_load %arg8[%swap3A_179] {strides = array<i32>} : memref<16384xf32, #tpu.memory_space<vmem>>, vector<16xf32>,
        tpu.vector_store %arg8[%swap3A_179], %get3A_176 {strides = array<i32>} : memref<16384xf32, #tpu.memory_space<vmem>>, vector<16xf32>,
        %mul3A_181 = arith.constant 4 : i32
        %mul3A_182 = arith.muli %mul3A_181, %scan3A_106 : i32
        %add3A_183 = arith.constant 1 : i32
        %add3A_184 = arith.addi %mul3A_182, %add3A_183 : i32
        %mul3A_185 = arith.constant 129 : i32
        %mul3A_186 = arith.muli %add3A_184, %mul3A_185 : i32
        %mul3A_187 = arith.constant 4 : i32
        %mul3A_188 = arith.muli %mul3A_187, %scan3A_106 : i32
        %add3A_189 = arith.constant 1 : i32
        %add3A_190 = arith.addi %mul3A_188, %add3A_189 : i32
        %mul3A_191 = arith.constant 128 : i32
        %mul3A_192 = arith.muli %add3A_190, %mul3A_191 : i32
        %add3A_193 = arith.constant 0 : i32
        %add3A_194 = arith.addi %mul3A_186, %add3A_193 : i32
        %get3A_195 = arith.index_cast %add3A_194 : i32 to index
        %get3A_196 = tpu.vector_load %arg11[%get3A_195] {strides = array<i32>} : memref<16512xf32, #tpu.memory_space<vmem>>, vector<16xf32>,
        %add3A_197 = arith.constant 0 : i32
        %add3A_198 = arith.addi %mul3A_192, %add3A_197 : i32
        %swap3A_199 = arith.index_cast %add3A_198 : i32 to index
        %swap3A_200 = tpu.vector_load %arg8[%swap3A_199] {strides = array<i32>} : memref<16384xf32, #tpu.memory_space<vmem>>, vector<16xf32>,
        tpu.vector_store %arg8[%swap3A_199], %get3A_196 {strides = array<i32>} : memref<16384xf32, #tpu.memory_space<vmem>>, vector<16xf32>,
        %add3A_201 = arith.constant 16 : i32
        %add3A_202 = arith.addi %mul3A_186, %add3A_201 : i32
        %get3A_203 = arith.index_cast %add3A_202 : i32 to index
        %get3A_204 = tpu.vector_load %arg11[%get3A_203] {strides = array<i32>} : memref<16512xf32, #tpu.memory_space<vmem>>, vector<16xf32>,
        %add3A_205 = arith.constant 16 : i32
        %add3A_206 = arith.addi %mul3A_192, %add3A_205 : i32
        %swap3A_207 = arith.index_cast %add3A_206 : i32 to index
        %swap3A_208 = tpu.vector_load %arg8[%swap3A_207] {strides = array<i32>} : memref<16384xf32, #tpu.memory_space<vmem>>, vector<16xf32>,
        tpu.vector_store %arg8[%swap3A_207], %get3A_204 {strides = array<i32>} : memref<16384xf32, #tpu.memory_space<vmem>>, vector<16xf32>,
        %add3A_209 = arith.constant 32 : i32
        %add3A_210 = arith.addi %mul3A_186, %add3A_209 : i32
        %get3A_211 = arith.index_cast %add3A_210 : i32 to index
        %get3A_212 = tpu.vector_load %arg11[%get3A_211] {strides = array<i32>} : memref<16512xf32, #tpu.memory_space<vmem>>, vector<16xf32>,
        %add3A_213 = arith.constant 32 : i32
        %add3A_214 = arith.addi %mul3A_192, %add3A_213 : i32
        %swap3A_215 = arith.index_cast %add3A_214 : i32 to index
        %swap3A_216 = tpu.vector_load %arg8[%swap3A_215] {strides = array<i32>} : memref<16384xf32, #tpu.memory_space<vmem>>, vector<16xf32>,
        tpu.vector_store %arg8[%swap3A_215], %get3A_212 {strides = array<i32>} : memref<16384xf32, #tpu.memory_space<vmem>>, vector<16xf32>,
        %add3A_217 = arith.constant 48 : i32
        %add3A_218 = arith.addi %mul3A_186, %add3A_217 : i32
        %get3A_219 = arith.index_cast %add3A_218 : i32 to index
        %get3A_220 = tpu.vector_load %arg11[%get3A_219] {strides = array<i32>} : memref<16512xf32, #tpu.memory_space<vmem>>, vector<16xf32>,
        %add3A_221 = arith.constant 48 : i32
        %add3A_222 = arith.addi %mul3A_192, %add3A_221 : i32
        %swap3A_223 = arith.index_cast %add3A_222 : i32 to index
        %swap3A_224 = tpu.vector_load %arg8[%swap3A_223] {strides = array<i32>} : memref<16384xf32, #tpu.memory_space<vmem>>, vector<16xf32>,
        tpu.vector_store %arg8[%swap3A_223], %get3A_220 {strides = array<i32>} : memref<16384xf32, #tpu.memory_space<vmem>>, vector<16xf32>,
        %add3A_225 = arith.constant 64 : i32
        %add3A_226 = arith.addi %mul3A_186, %add3A_225 : i32
        %get3A_227 = arith.index_cast %add3A_226 : i32 to index
        %get3A_228 = tpu.vector_load %arg11[%get3A_227] {strides = array<i32>} : memref<16512xf32, #tpu.memory_space<vmem>>, vector<16xf32>,
        %add3A_229 = arith.constant 64 : i32
        %add3A_230 = arith.addi %mul3A_192, %add3A_229 : i32
        %swap3A_231 = arith.index_cast %add3A_230 : i32 to index
        %swap3A_232 = tpu.vector_load %arg8[%swap3A_231] {strides = array<i32>} : memref<16384xf32, #tpu.memory_space<vmem>>, vector<16xf32>,
        tpu.vector_store %arg8[%swap3A_231], %get3A_228 {strides = array<i32>} : memref<16384xf32, #tpu.memory_space<vmem>>, vector<16xf32>,
        %add3A_233 = arith.constant 80 : i32
        %add3A_234 = arith.addi %mul3A_186, %add3A_233 : i32
        %get3A_235 = arith.index_cast %add3A_234 : i32 to index
        %get3A_236 = tpu.vector_load %arg11[%get3A_235] {strides = array<i32>} : memref<16512xf32, #tpu.memory_space<vmem>>, vector<16xf32>,
        %add3A_237 = arith.constant 80 : i32
        %add3A_238 = arith.addi %mul3A_192, %add3A_237 : i32
        %swap3A_239 = arith.index_cast %add3A_238 : i32 to index
        %swap3A_240 = tpu.vector_load %arg8[%swap3A_239] {strides = array<i32>} : memref<16384xf32, #tpu.memory_space<vmem>>, vector<16xf32>,
        tpu.vector_store %arg8[%swap3A_239], %get3A_236 {strides = array<i32>} : memref<16384xf32, #tpu.memory_space<vmem>>, vector<16xf32>,
        %add3A_241 = arith.constant 96 : i32
        %add3A_242 = arith.addi %mul3A_186, %add3A_241 : i32
        %get3A_243 = arith.index_cast %add3A_242 : i32 to index
        %get3A_244 = tpu.vector_load %arg11[%get3A_243] {strides = array<i32>} : memref<16512xf32, #tpu.memory_space<vmem>>, vector<16xf32>,
        %add3A_245 = arith.constant 96 : i32
        %add3A_246 = arith.addi %mul3A_192, %add3A_245 : i32
        %swap3A_247 = arith.index_cast %add3A_246 : i32 to index
        %swap3A_248 = tpu.vector_load %arg8[%swap3A_247] {strides = array<i32>} : memref<16384xf32, #tpu.memory_space<vmem>>, vector<16xf32>,
        tpu.vector_store %arg8[%swap3A_247], %get3A_244 {strides = array<i32>} : memref<16384xf32, #tpu.memory_space<vmem>>, vector<16xf32>,
        %add3A_249 = arith.constant 112 : i32
        %add3A_250 = arith.addi %mul3A_186, %add3A_249 : i32
        %get3A_251 = arith.index_cast %add3A_250 : i32 to index
        %get3A_252 = tpu.vector_load %arg11[%get3A_251] {strides = array<i32>} : memref<16512xf32, #tpu.memory_space<vmem>>, vector<16xf32>,
        %add3A_253 = arith.constant 112 : i32
        %add3A_254 = arith.addi %mul3A_192, %add3A_253 : i32
        %swap3A_255 = arith.index_cast %add3A_254 : i32 to index
        %swap3A_256 = tpu.vector_load %arg8[%swap3A_255] {strides = array<i32>} : memref<16384xf32, #tpu.memory_space<vmem>>, vector<16xf32>,
        tpu.vector_store %arg8[%swap3A_255], %get3A_252 {strides = array<i32>} : memref<16384xf32, #tpu.memory_space<vmem>>, vector<16xf32>,
        %mul3A_257 = arith.constant 4 : i32
        %mul3A_258 = arith.muli %mul3A_257, %scan3A_106 : i32
        %add3A_259 = arith.constant 2 : i32
        %add3A_260 = arith.addi %mul3A_258, %add3A_259 : i32
        %mul3A_261 = arith.constant 129 : i32
        %mul3A_262 = arith.muli %add3A_260, %mul3A_261 : i32
        %mul3A_263 = arith.constant 4 : i32
        %mul3A_264 = arith.muli %mul3A_263, %scan3A_106 : i32
        %add3A_265 = arith.constant 2 : i32
        %add3A_266 = arith.addi %mul3A_264, %add3A_265 : i32
        %mul3A_267 = arith.constant 128 : i32
        %mul3A_268 = arith.muli %add3A_266, %mul3A_267 : i32
        %add3A_269 = arith.constant 0 : i32
        %add3A_270 = arith.addi %mul3A_262, %add3A_269 : i32
        %get3A_271 = arith.index_cast %add3A_270 : i32 to index
        %get3A_272 = tpu.vector_load %arg11[%get3A_271] {strides = array<i32>} : memref<16512xf32, #tpu.memory_space<vmem>>, vector<16xf32>,
        %add3A_273 = arith.constant 0 : i32
        %add3A_274 = arith.addi %mul3A_268, %add3A_273 : i32
        %swap3A_275 = arith.index_cast %add3A_274 : i32 to index
        %swap3A_276 = tpu.vector_load %arg8[%swap3A_275] {strides = array<i32>} : memref<16384xf32, #tpu.memory_space<vmem>>, vector<16xf32>,
        tpu.vector_store %arg8[%swap3A_275], %get3A_272 {strides = array<i32>} : memref<16384xf32, #tpu.memory_space<vmem>>, vector<16xf32>,
        %add3A_277 = arith.constant 16 : i32
        %add3A_278 = arith.addi %mul3A_262, %add3A_277 : i32
        %get3A_279 = arith.index_cast %add3A_278 : i32 to index
        %get3A_280 = tpu.vector_load %arg11[%get3A_279] {strides = array<i32>} : memref<16512xf32, #tpu.memory_space<vmem>>, vector<16xf32>,
        %add3A_281 = arith.constant 16 : i32
        %add3A_282 = arith.addi %mul3A_268, %add3A_281 : i32
        %swap3A_283 = arith.index_cast %add3A_282 : i32 to index
        %swap3A_284 = tpu.vector_load %arg8[%swap3A_283] {strides = array<i32>} : memref<16384xf32, #tpu.memory_space<vmem>>, vector<16xf32>,
        tpu.vector_store %arg8[%swap3A_283], %get3A_280 {strides = array<i32>} : memref<16384xf32, #tpu.memory_space<vmem>>, vector<16xf32>,
        %add3A_285 = arith.constant 32 : i32
        %add3A_286 = arith.addi %mul3A_262, %add3A_285 : i32
        %get3A_287 = arith.index_cast %add3A_286 : i32 to index
        %get3A_288 = tpu.vector_load %arg11[%get3A_287] {strides = array<i32>} : memref<16512xf32, #tpu.memory_space<vmem>>, vector<16xf32>,
        %add3A_289 = arith.constant 32 : i32
        %add3A_290 = arith.addi %mul3A_268, %add3A_289 : i32
        %swap3A_291 = arith.index_cast %add3A_290 : i32 to index
        %swap3A_292 = tpu.vector_load %arg8[%swap3A_291] {strides = array<i32>} : memref<16384xf32, #tpu.memory_space<vmem>>, vector<16xf32>,
        tpu.vector_store %arg8[%swap3A_291], %get3A_288 {strides = array<i32>} : memref<16384xf32, #tpu.memory_space<vmem>>, vector<16xf32>,
        %add3A_293 = arith.constant 48 : i32
        %add3A_294 = arith.addi %mul3A_262, %add3A_293 : i32
        %get3A_295 = arith.index_cast %add3A_294 : i32 to index
        %get3A_296 = tpu.vector_load %arg11[%get3A_295] {strides = array<i32>} : memref<16512xf32, #tpu.memory_space<vmem>>, vector<16xf32>,
        %add3A_297 = arith.constant 48 : i32
        %add3A_298 = arith.addi %mul3A_268, %add3A_297 : i32
        %swap3A_299 = arith.index_cast %add3A_298 : i32 to index
        %swap3A_300 = tpu.vector_load %arg8[%swap3A_299] {strides = array<i32>} : memref<16384xf32, #tpu.memory_space<vmem>>, vector<16xf32>,
        tpu.vector_store %arg8[%swap3A_299], %get3A_296 {strides = array<i32>} : memref<16384xf32, #tpu.memory_space<vmem>>, vector<16xf32>,
        %add3A_301 = arith.constant 64 : i32
        %add3A_302 = arith.addi %mul3A_262, %add3A_301 : i32
        %get3A_303 = arith.index_cast %add3A_302 : i32 to index
        %get3A_304 = tpu.vector_load %arg11[%get3A_303] {strides = array<i32>} : memref<16512xf32, #tpu.memory_space<vmem>>, vector<16xf32>,
        %add3A_305 = arith.constant 64 : i32
        %add3A_306 = arith.addi %mul3A_268, %add3A_305 : i32
        %swap3A_307 = arith.index_cast %add3A_306 : i32 to index
        %swap3A_308 = tpu.vector_load %arg8[%swap3A_307] {strides = array<i32>} : memref<16384xf32, #tpu.memory_space<vmem>>, vector<16xf32>,
        tpu.vector_store %arg8[%swap3A_307], %get3A_304 {strides = array<i32>} : memref<16384xf32, #tpu.memory_space<vmem>>, vector<16xf32>,
        %add3A_309 = arith.constant 80 : i32
        %add3A_310 = arith.addi %mul3A_262, %add3A_309 : i32
        %get3A_311 = arith.index_cast %add3A_310 : i32 to index
        %get3A_312 = tpu.vector_load %arg11[%get3A_311] {strides = array<i32>} : memref<16512xf32, #tpu.memory_space<vmem>>, vector<16xf32>,
        %add3A_313 = arith.constant 80 : i32
        %add3A_314 = arith.addi %mul3A_268, %add3A_313 : i32
        %swap3A_315 = arith.index_cast %add3A_314 : i32 to index
        %swap3A_316 = tpu.vector_load %arg8[%swap3A_315] {strides = array<i32>} : memref<16384xf32, #tpu.memory_space<vmem>>, vector<16xf32>,
        tpu.vector_store %arg8[%swap3A_315], %get3A_312 {strides = array<i32>} : memref<16384xf32, #tpu.memory_space<vmem>>, vector<16xf32>,
        %add3A_317 = arith.constant 96 : i32
        %add3A_318 = arith.addi %mul3A_262, %add3A_317 : i32
        %get3A_319 = arith.index_cast %add3A_318 : i32 to index
        %get3A_320 = tpu.vector_load %arg11[%get3A_319] {strides = array<i32>} : memref<16512xf32, #tpu.memory_space<vmem>>, vector<16xf32>,
        %add3A_321 = arith.constant 96 : i32
        %add3A_322 = arith.addi %mul3A_268, %add3A_321 : i32
        %swap3A_323 = arith.index_cast %add3A_322 : i32 to index
        %swap3A_324 = tpu.vector_load %arg8[%swap3A_323] {strides = array<i32>} : memref<16384xf32, #tpu.memory_space<vmem>>, vector<16xf32>,
        tpu.vector_store %arg8[%swap3A_323], %get3A_320 {strides = array<i32>} : memref<16384xf32, #tpu.memory_space<vmem>>, vector<16xf32>,
        %add3A_325 = arith.constant 112 : i32
        %add3A_326 = arith.addi %mul3A_262, %add3A_325 : i32
        %get3A_327 = arith.index_cast %add3A_326 : i32 to index
        %get3A_328 = tpu.vector_load %arg11[%get3A_327] {strides = array<i32>} : memref<16512xf32, #tpu.memory_space<vmem>>, vector<16xf32>,
        %add3A_329 = arith.constant 112 : i32
        %add3A_330 = arith.addi %mul3A_268, %add3A_329 : i32
        %swap3A_331 = arith.index_cast %add3A_330 : i32 to index
        %swap3A_332 = tpu.vector_load %arg8[%swap3A_331] {strides = array<i32>} : memref<16384xf32, #tpu.memory_space<vmem>>, vector<16xf32>,
        tpu.vector_store %arg8[%swap3A_331], %get3A_328 {strides = array<i32>} : memref<16384xf32, #tpu.memory_space<vmem>>, vector<16xf32>,
        %mul3A_333 = arith.constant 4 : i32
        %mul3A_334 = arith.muli %mul3A_333, %scan3A_106 : i32
        %add3A_335 = arith.constant 3 : i32
        %add3A_336 = arith.addi %mul3A_334, %add3A_335 : i32
        %mul3A_337 = arith.constant 129 : i32
        %mul3A_338 = arith.muli %add3A_336, %mul3A_337 : i32
        %mul3A_339 = arith.constant 4 : i32
        %mul3A_340 = arith.muli %mul3A_339, %scan3A_106 : i32
        %add3A_341 = arith.constant 3 : i32
        %add3A_342 = arith.addi %mul3A_340, %add3A_341 : i32
        %mul3A_343 = arith.constant 128 : i32
        %mul3A_344 = arith.muli %add3A_342, %mul3A_343 : i32
        %add3A_345 = arith.constant 0 : i32
        %add3A_346 = arith.addi %mul3A_338, %add3A_345 : i32
        %get3A_347 = arith.index_cast %add3A_346 : i32 to index
        %get3A_348 = tpu.vector_load %arg11[%get3A_347] {strides = array<i32>} : memref<16512xf32, #tpu.memory_space<vmem>>, vector<16xf32>,
        %add3A_349 = arith.constant 0 : i32
        %add3A_350 = arith.addi %mul3A_344, %add3A_349 : i32
        %swap3A_351 = arith.index_cast %add3A_350 : i32 to index
        %swap3A_352 = tpu.vector_load %arg8[%swap3A_351] {strides = array<i32>} : memref<16384xf32, #tpu.memory_space<vmem>>, vector<16xf32>,
        tpu.vector_store %arg8[%swap3A_351], %get3A_348 {strides = array<i32>} : memref<16384xf32, #tpu.memory_space<vmem>>, vector<16xf32>,
        %add3A_353 = arith.constant 16 : i32
        %add3A_354 = arith.addi %mul3A_338, %add3A_353 : i32
        %get3A_355 = arith.index_cast %add3A_354 : i32 to index
        %get3A_356 = tpu.vector_load %arg11[%get3A_355] {strides = array<i32>} : memref<16512xf32, #tpu.memory_space<vmem>>, vector<16xf32>,
        %add3A_357 = arith.constant 16 : i32
        %add3A_358 = arith.addi %mul3A_344, %add3A_357 : i32
        %swap3A_359 = arith.index_cast %add3A_358 : i32 to index
        %swap3A_360 = tpu.vector_load %arg8[%swap3A_359] {strides = array<i32>} : memref<16384xf32, #tpu.memory_space<vmem>>, vector<16xf32>,
        tpu.vector_store %arg8[%swap3A_359], %get3A_356 {strides = array<i32>} : memref<16384xf32, #tpu.memory_space<vmem>>, vector<16xf32>,
        %add3A_361 = arith.constant 32 : i32
        %add3A_362 = arith.addi %mul3A_338, %add3A_361 : i32
        %get3A_363 = arith.index_cast %add3A_362 : i32 to index
        %get3A_364 = tpu.vector_load %arg11[%get3A_363] {strides = array<i32>} : memref<16512xf32, #tpu.memory_space<vmem>>, vector<16xf32>,
        %add3A_365 = arith.constant 32 : i32
        %add3A_366 = arith.addi %mul3A_344, %add3A_365 : i32
        %swap3A_367 = arith.index_cast %add3A_366 : i32 to index
        %swap3A_368 = tpu.vector_load %arg8[%swap3A_367] {strides = array<i32>} : memref<16384xf32, #tpu.memory_space<vmem>>, vector<16xf32>,
        tpu.vector_store %arg8[%swap3A_367], %get3A_364 {strides = array<i32>} : memref<16384xf32, #tpu.memory_space<vmem>>, vector<16xf32>,
        %add3A_369 = arith.constant 48 : i32
        %add3A_370 = arith.addi %mul3A_338, %add3A_369 : i32
        %get3A_371 = arith.index_cast %add3A_370 : i32 to index
        %get3A_372 = tpu.vector_load %arg11[%get3A_371] {strides = array<i32>} : memref<16512xf32, #tpu.memory_space<vmem>>, vector<16xf32>,
        %add3A_373 = arith.constant 48 : i32
        %add3A_374 = arith.addi %mul3A_344, %add3A_373 : i32
        %swap3A_375 = arith.index_cast %add3A_374 : i32 to index
        %swap3A_376 = tpu.vector_load %arg8[%swap3A_375] {strides = array<i32>} : memref<16384xf32, #tpu.memory_space<vmem>>, vector<16xf32>,
        tpu.vector_store %arg8[%swap3A_375], %get3A_372 {strides = array<i32>} : memref<16384xf32, #tpu.memory_space<vmem>>, vector<16xf32>,
        %add3A_377 = arith.constant 64 : i32
        %add3A_378 = arith.addi %mul3A_338, %add3A_377 : i32
        %get3A_379 = arith.index_cast %add3A_378 : i32 to index
        %get3A_380 = tpu.vector_load %arg11[%get3A_379] {strides = array<i32>} : memref<16512xf32, #tpu.memory_space<vmem>>, vector<16xf32>,
        %add3A_381 = arith.constant 64 : i32
        %add3A_382 = arith.addi %mul3A_344, %add3A_381 : i32
        %swap3A_383 = arith.index_cast %add3A_382 : i32 to index
        %swap3A_384 = tpu.vector_load %arg8[%swap3A_383] {strides = array<i32>} : memref<16384xf32, #tpu.memory_space<vmem>>, vector<16xf32>,
        tpu.vector_store %arg8[%swap3A_383], %get3A_380 {strides = array<i32>} : memref<16384xf32, #tpu.memory_space<vmem>>, vector<16xf32>,
        %add3A_385 = arith.constant 80 : i32
        %add3A_386 = arith.addi %mul3A_338, %add3A_385 : i32
        %get3A_387 = arith.index_cast %add3A_386 : i32 to index
        %get3A_388 = tpu.vector_load %arg11[%get3A_387] {strides = array<i32>} : memref<16512xf32, #tpu.memory_space<vmem>>, vector<16xf32>,
        %add3A_389 = arith.constant 80 : i32
        %add3A_390 = arith.addi %mul3A_344, %add3A_389 : i32
        %swap3A_391 = arith.index_cast %add3A_390 : i32 to index
        %swap3A_392 = tpu.vector_load %arg8[%swap3A_391] {strides = array<i32>} : memref<16384xf32, #tpu.memory_space<vmem>>, vector<16xf32>,
        tpu.vector_store %arg8[%swap3A_391], %get3A_388 {strides = array<i32>} : memref<16384xf32, #tpu.memory_space<vmem>>, vector<16xf32>,
        %add3A_393 = arith.constant 96 : i32
        %add3A_394 = arith.addi %mul3A_338, %add3A_393 : i32
        %get3A_395 = arith.index_cast %add3A_394 : i32 to index
        %get3A_396 = tpu.vector_load %arg11[%get3A_395] {strides = array<i32>} : memref<16512xf32, #tpu.memory_space<vmem>>, vector<16xf32>,
        %add3A_397 = arith.constant 96 : i32
        %add3A_398 = arith.addi %mul3A_344, %add3A_397 : i32
        %swap3A_399 = arith.index_cast %add3A_398 : i32 to index
        %swap3A_400 = tpu.vector_load %arg8[%swap3A_399] {strides = array<i32>} : memref<16384xf32, #tpu.memory_space<vmem>>, vector<16xf32>,
        tpu.vector_store %arg8[%swap3A_399], %get3A_396 {strides = array<i32>} : memref<16384xf32, #tpu.memory_space<vmem>>, vector<16xf32>,
        %add3A_401 = arith.constant 112 : i32
        %add3A_402 = arith.addi %mul3A_338, %add3A_401 : i32
        %get3A_403 = arith.index_cast %add3A_402 : i32 to index
        %get3A_404 = tpu.vector_load %arg11[%get3A_403] {strides = array<i32>} : memref<16512xf32, #tpu.memory_space<vmem>>, vector<16xf32>,
        %add3A_405 = arith.constant 112 : i32
        %add3A_406 = arith.addi %mul3A_344, %add3A_405 : i32
        %swap3A_407 = arith.index_cast %add3A_406 : i32 to index
        %swap3A_408 = tpu.vector_load %arg8[%swap3A_407] {strides = array<i32>} : memref<16384xf32, #tpu.memory_space<vmem>>, vector<16xf32>,
        tpu.vector_store %arg8[%swap3A_407], %get3A_404 {strides = array<i32>} : memref<16384xf32, #tpu.memory_space<vmem>>, vector<16xf32>,
      }
      %scan3A_54 = arith.constant 32 : i32
      %mul3A_55 = arith.constant 16384 : i32
      %mul3A_56 = arith.muli %add3A_29, %mul3A_55 : i32
      %add3A_57 = arith.addi %mul3A_2, %mul3A_56 : i32
      %dma_start3A_58 = tpu.memref_slice %arg4[%add3A_57] : memref<16777216xf32, #tpu.memory_space<hbm>> -> memref<16384xf32, #tpu.memory_space<hbm>>
      %dma_start3A_59 = tpu.memref_slice %arg4[%add3A_57] : memref<16777216xf32, #tpu.memory_space<hbm>> -> memref<16384xf32, #tpu.memory_space<hbm>>
      tpu.enqueue_dma source(%arg8 : memref<16384xf32, #tpu.memory_space<vmem>>) target(%dma_start3A_59 : memref<16384xf32, #tpu.memory_space<hbm>>) target_semaphore(%arg14 : memref<!tpu.dma_semaphore, #tpu.memory_space<semaphore_mem>>)
      %lt3A = arith.constant 15 : i32
      %lt3A_60 = arith.cmpi slt, %scan3A_25, %lt3A : i32
      %convert_element_type3A_61 = arith.extui %lt3A_60 : i1 to i32
      %cond3A_62 = arith.constant 0 : i32
      %cond3A_63 = arith.cmpi ne, %convert_element_type3A_61, %cond3A_62 : i32
      scf.if %cond3A_63 {
        %add3A_106 = arith.constant 2 : i32
        %add3A_107 = arith.addi %add3A_29, %add3A_106 : i32
        %mul3A_108 = arith.constant 16384 : i32
        %mul3A_109 = arith.muli %add3A_107, %mul3A_108 : i32
        %add3A_110 = arith.addi %mul3A_2, %mul3A_109 : i32
        %dma_start3A_111 = tpu.memref_slice %arg3[%add3A_110] : memref<16777216xf32, #tpu.memory_space<hbm>> -> memref<16384xf32, #tpu.memory_space<hbm>>
        %dma_start3A_112 = tpu.memref_slice %arg3[%add3A_110] : memref<16777216xf32, #tpu.memory_space<hbm>> -> memref<16384xf32, #tpu.memory_space<hbm>>
        tpu.enqueue_dma source(%dma_start3A_112 : memref<16384xf32, #tpu.memory_space<hbm>>) target(%arg6 : memref<16384xf32, #tpu.memory_space<vmem>>) target_semaphore(%arg12 : memref<!tpu.dma_semaphore, #tpu.memory_space<semaphore_mem>>)
      } else {
      }
      %mul3A_64 = arith.constant 2 : i32
      %mul3A_65 = arith.muli %mul3A_64, %scan3A_25 : i32
      %add3A_66 = arith.constant 1 : i32
      %add3A_67 = arith.addi %mul3A_65, %add3A_66 : i32
      %mul3A_68 = arith.constant 16384 : i32
      %mul3A_69 = arith.muli %add3A_67, %mul3A_68 : i32
      %add3A_70 = arith.addi %mul3A_2, %mul3A_69 : i32
      %dma_wait3A_71 = tpu.memref_slice %arg3[%add3A_70] : memref<16777216xf32, #tpu.memory_space<hbm>> -> memref<16384xf32, #tpu.memory_space<hbm>>
      %dma_wait3A_72 = tpu.memref_slice %arg3[%add3A_70] : memref<16777216xf32, #tpu.memory_space<hbm>> -> memref<16384xf32, #tpu.memory_space<hbm>>
      tpu.wait_dma2 semaphore(%arg13 : memref<!tpu.dma_semaphore, #tpu.memory_space<semaphore_mem>>) src(%dma_wait3A_72 : memref<16384xf32, #tpu.memory_space<hbm>>) dst(%arg7 : memref<16384xf32, #tpu.memory_space<vmem>>)
      %gt3A_73 = arith.constant 0 : i32
      %gt3A_74 = arith.cmpi sgt, %scan3A_25, %gt3A_73 : i32
      %convert_element_type3A_75 = arith.extui %gt3A_74 : i1 to i32
      %cond3A_76 = arith.constant 0 : i32
      %cond3A_77 = arith.cmpi ne, %convert_element_type3A_75, %cond3A_76 : i32
      scf.if %cond3A_77 {
        %sub3A = arith.constant 2 : i32
        %sub3A_106 = arith.subi %add3A_67, %sub3A : i32
        %mul3A_107 = arith.constant 16384 : i32
        %mul3A_108 = arith.muli %sub3A_106, %mul3A_107 : i32
        %add3A_109 = arith.addi %mul3A_2, %mul3A_108 : i32
        %dma_wait3A_110 = tpu.memref_slice %arg4[%add3A_109] : memref<16777216xf32, #tpu.memory_space<hbm>> -> memref<16384xf32, #tpu.memory_space<hbm>>
        %dma_wait3A_111 = tpu.memref_slice %arg4[%add3A_109] : memref<16777216xf32, #tpu.memory_space<hbm>> -> memref<16384xf32, #tpu.memory_space<hbm>>
        tpu.wait_dma2 semaphore(%arg15 : memref<!tpu.dma_semaphore, #tpu.memory_space<semaphore_mem>>) src(%arg9 : memref<16384xf32, #tpu.memory_space<vmem>>) dst(%dma_wait3A_111 : memref<16384xf32, #tpu.memory_space<hbm>>)
      } else {
      }
      %scan3A_78 = arith.constant 0 : i32
      %scan3A_79 = arith.constant 0 : i32
      %scan3A_80 = arith.constant 32 : i32
      %scan3A_81 = arith.addi %scan3A_79, %scan3A_80 : i32
      %scan3A_82 = arith.constant 1 : i32
      scf.for %scan3A_106 = %scan3A_79 to %scan3A_81 step %scan3A_82  : i32 {
        %mul3A_107 = arith.constant 4 : i32
        %mul3A_108 = arith.muli %mul3A_107, %scan3A_106 : i32
        %add3A_109 = arith.constant 0 : i32
        %add3A_110 = arith.addi %mul3A_108, %add3A_109 : i32
        %mul3A_111 = arith.constant 128 : i32
        %mul3A_112 = arith.muli %add3A_110, %mul3A_111 : i32
        %mul3A_113 = arith.constant 4 : i32
        %mul3A_114 = arith.muli %mul3A_113, %scan3A_106 : i32
        %add3A_115 = arith.constant 0 : i32
        %add3A_116 = arith.addi %mul3A_114, %add3A_115 : i32
        %mul3A_117 = arith.constant 129 : i32
        %mul3A_118 = arith.muli %add3A_116, %mul3A_117 : i32
        %add3A_119 = arith.constant 0 : i32
        %add3A_120 = arith.addi %mul3A_112, %add3A_119 : i32
        %get3A = arith.index_cast %add3A_120 : i32 to index
        %get3A_121 = tpu.vector_load %arg7[%get3A] {strides = array<i32>} : memref<16384xf32, #tpu.memory_space<vmem>>, vector<16xf32>,
        %add3A_122 = arith.constant 0 : i32
        %add3A_123 = arith.addi %mul3A_118, %add3A_122 : i32
        %swap3A = arith.index_cast %add3A_123 : i32 to index
        %swap3A_124 = tpu.vector_load %arg10[%swap3A] {strides = array<i32>} : memref<16512xf32, #tpu.memory_space<vmem>>, vector<16xf32>,
        tpu.vector_store %arg10[%swap3A], %get3A_121 {strides = array<i32>} : memref<16512xf32, #tpu.memory_space<vmem>>, vector<16xf32>,
        %add3A_125 = arith.constant 16 : i32
        %add3A_126 = arith.addi %mul3A_112, %add3A_125 : i32
        %get3A_127 = arith.index_cast %add3A_126 : i32 to index
        %get3A_128 = tpu.vector_load %arg7[%get3A_127] {strides = array<i32>} : memref<16384xf32, #tpu.memory_space<vmem>>, vector<16xf32>,
        %add3A_129 = arith.constant 16 : i32
        %add3A_130 = arith.addi %mul3A_118, %add3A_129 : i32
        %swap3A_131 = arith.index_cast %add3A_130 : i32 to index
        %swap3A_132 = tpu.vector_load %arg10[%swap3A_131] {strides = array<i32>} : memref<16512xf32, #tpu.memory_space<vmem>>, vector<16xf32>,
        tpu.vector_store %arg10[%swap3A_131], %get3A_128 {strides = array<i32>} : memref<16512xf32, #tpu.memory_space<vmem>>, vector<16xf32>,
        %add3A_133 = arith.constant 32 : i32
        %add3A_134 = arith.addi %mul3A_112, %add3A_133 : i32
        %get3A_135 = arith.index_cast %add3A_134 : i32 to index
        %get3A_136 = tpu.vector_load %arg7[%get3A_135] {strides = array<i32>} : memref<16384xf32, #tpu.memory_space<vmem>>, vector<16xf32>,
        %add3A_137 = arith.constant 32 : i32
        %add3A_138 = arith.addi %mul3A_118, %add3A_137 : i32
        %swap3A_139 = arith.index_cast %add3A_138 : i32 to index
        %swap3A_140 = tpu.vector_load %arg10[%swap3A_139] {strides = array<i32>} : memref<16512xf32, #tpu.memory_space<vmem>>, vector<16xf32>,
        tpu.vector_store %arg10[%swap3A_139], %get3A_136 {strides = array<i32>} : memref<16512xf32, #tpu.memory_space<vmem>>, vector<16xf32>,
        %add3A_141 = arith.constant 48 : i32
        %add3A_142 = arith.addi %mul3A_112, %add3A_141 : i32
        %get3A_143 = arith.index_cast %add3A_142 : i32 to index
        %get3A_144 = tpu.vector_load %arg7[%get3A_143] {strides = array<i32>} : memref<16384xf32, #tpu.memory_space<vmem>>, vector<16xf32>,
        %add3A_145 = arith.constant 48 : i32
        %add3A_146 = arith.addi %mul3A_118, %add3A_145 : i32
        %swap3A_147 = arith.index_cast %add3A_146 : i32 to index
        %swap3A_148 = tpu.vector_load %arg10[%swap3A_147] {strides = array<i32>} : memref<16512xf32, #tpu.memory_space<vmem>>, vector<16xf32>,
        tpu.vector_store %arg10[%swap3A_147], %get3A_144 {strides = array<i32>} : memref<16512xf32, #tpu.memory_space<vmem>>, vector<16xf32>,
        %add3A_149 = arith.constant 64 : i32
        %add3A_150 = arith.addi %mul3A_112, %add3A_149 : i32
        %get3A_151 = arith.index_cast %add3A_150 : i32 to index
        %get3A_152 = tpu.vector_load %arg7[%get3A_151] {strides = array<i32>} : memref<16384xf32, #tpu.memory_space<vmem>>, vector<16xf32>,
        %add3A_153 = arith.constant 64 : i32
        %add3A_154 = arith.addi %mul3A_118, %add3A_153 : i32
        %swap3A_155 = arith.index_cast %add3A_154 : i32 to index
        %swap3A_156 = tpu.vector_load %arg10[%swap3A_155] {strides = array<i32>} : memref<16512xf32, #tpu.memory_space<vmem>>, vector<16xf32>,
        tpu.vector_store %arg10[%swap3A_155], %get3A_152 {strides = array<i32>} : memref<16512xf32, #tpu.memory_space<vmem>>, vector<16xf32>,
        %add3A_157 = arith.constant 80 : i32
        %add3A_158 = arith.addi %mul3A_112, %add3A_157 : i32
        %get3A_159 = arith.index_cast %add3A_158 : i32 to index
        %get3A_160 = tpu.vector_load %arg7[%get3A_159] {strides = array<i32>} : memref<16384xf32, #tpu.memory_space<vmem>>, vector<16xf32>,
        %add3A_161 = arith.constant 80 : i32
        %add3A_162 = arith.addi %mul3A_118, %add3A_161 : i32
        %swap3A_163 = arith.index_cast %add3A_162 : i32 to index
        %swap3A_164 = tpu.vector_load %arg10[%swap3A_163] {strides = array<i32>} : memref<16512xf32, #tpu.memory_space<vmem>>, vector<16xf32>,
        tpu.vector_store %arg10[%swap3A_163], %get3A_160 {strides = array<i32>} : memref<16512xf32, #tpu.memory_space<vmem>>, vector<16xf32>,
        %add3A_165 = arith.constant 96 : i32
        %add3A_166 = arith.addi %mul3A_112, %add3A_165 : i32
        %get3A_167 = arith.index_cast %add3A_166 : i32 to index
        %get3A_168 = tpu.vector_load %arg7[%get3A_167] {strides = array<i32>} : memref<16384xf32, #tpu.memory_space<vmem>>, vector<16xf32>,
        %add3A_169 = arith.constant 96 : i32
        %add3A_170 = arith.addi %mul3A_118, %add3A_169 : i32
        %swap3A_171 = arith.index_cast %add3A_170 : i32 to index
        %swap3A_172 = tpu.vector_load %arg10[%swap3A_171] {strides = array<i32>} : memref<16512xf32, #tpu.memory_space<vmem>>, vector<16xf32>,
        tpu.vector_store %arg10[%swap3A_171], %get3A_168 {strides = array<i32>} : memref<16512xf32, #tpu.memory_space<vmem>>, vector<16xf32>,
        %add3A_173 = arith.constant 112 : i32
        %add3A_174 = arith.addi %mul3A_112, %add3A_173 : i32
        %get3A_175 = arith.index_cast %add3A_174 : i32 to index
        %get3A_176 = tpu.vector_load %arg7[%get3A_175] {strides = array<i32>} : memref<16384xf32, #tpu.memory_space<vmem>>, vector<16xf32>,
        %add3A_177 = arith.constant 112 : i32
        %add3A_178 = arith.addi %mul3A_118, %add3A_177 : i32
        %swap3A_179 = arith.index_cast %add3A_178 : i32 to index
        %swap3A_180 = tpu.vector_load %arg10[%swap3A_179] {strides = array<i32>} : memref<16512xf32, #tpu.memory_space<vmem>>, vector<16xf32>,
        tpu.vector_store %arg10[%swap3A_179], %get3A_176 {strides = array<i32>} : memref<16512xf32, #tpu.memory_space<vmem>>, vector<16xf32>,
        %mul3A_181 = arith.constant 4 : i32
        %mul3A_182 = arith.muli %mul3A_181, %scan3A_106 : i32
        %add3A_183 = arith.constant 1 : i32
        %add3A_184 = arith.addi %mul3A_182, %add3A_183 : i32
        %mul3A_185 = arith.constant 128 : i32
        %mul3A_186 = arith.muli %add3A_184, %mul3A_185 : i32
        %mul3A_187 = arith.constant 4 : i32
        %mul3A_188 = arith.muli %mul3A_187, %scan3A_106 : i32
        %add3A_189 = arith.constant 1 : i32
        %add3A_190 = arith.addi %mul3A_188, %add3A_189 : i32
        %mul3A_191 = arith.constant 129 : i32
        %mul3A_192 = arith.muli %add3A_190, %mul3A_191 : i32
        %add3A_193 = arith.constant 0 : i32
        %add3A_194 = arith.addi %mul3A_186, %add3A_193 : i32
        %get3A_195 = arith.index_cast %add3A_194 : i32 to index
        %get3A_196 = tpu.vector_load %arg7[%get3A_195] {strides = array<i32>} : memref<16384xf32, #tpu.memory_space<vmem>>, vector<16xf32>,
        %add3A_197 = arith.constant 0 : i32
        %add3A_198 = arith.addi %mul3A_192, %add3A_197 : i32
        %swap3A_199 = arith.index_cast %add3A_198 : i32 to index
        %swap3A_200 = tpu.vector_load %arg10[%swap3A_199] {strides = array<i32>} : memref<16512xf32, #tpu.memory_space<vmem>>, vector<16xf32>,
        tpu.vector_store %arg10[%swap3A_199], %get3A_196 {strides = array<i32>} : memref<16512xf32, #tpu.memory_space<vmem>>, vector<16xf32>,
        %add3A_201 = arith.constant 16 : i32
        %add3A_202 = arith.addi %mul3A_186, %add3A_201 : i32
        %get3A_203 = arith.index_cast %add3A_202 : i32 to index
        %get3A_204 = tpu.vector_load %arg7[%get3A_203] {strides = array<i32>} : memref<16384xf32, #tpu.memory_space<vmem>>, vector<16xf32>,
        %add3A_205 = arith.constant 16 : i32
        %add3A_206 = arith.addi %mul3A_192, %add3A_205 : i32
        %swap3A_207 = arith.index_cast %add3A_206 : i32 to index
        %swap3A_208 = tpu.vector_load %arg10[%swap3A_207] {strides = array<i32>} : memref<16512xf32, #tpu.memory_space<vmem>>, vector<16xf32>,
        tpu.vector_store %arg10[%swap3A_207], %get3A_204 {strides = array<i32>} : memref<16512xf32, #tpu.memory_space<vmem>>, vector<16xf32>,
        %add3A_209 = arith.constant 32 : i32
        %add3A_210 = arith.addi %mul3A_186, %add3A_209 : i32
        %get3A_211 = arith.index_cast %add3A_210 : i32 to index
        %get3A_212 = tpu.vector_load %arg7[%get3A_211] {strides = array<i32>} : memref<16384xf32, #tpu.memory_space<vmem>>, vector<16xf32>,
        %add3A_213 = arith.constant 32 : i32
        %add3A_214 = arith.addi %mul3A_192, %add3A_213 : i32
        %swap3A_215 = arith.index_cast %add3A_214 : i32 to index
        %swap3A_216 = tpu.vector_load %arg10[%swap3A_215] {strides = array<i32>} : memref<16512xf32, #tpu.memory_space<vmem>>, vector<16xf32>,
        tpu.vector_store %arg10[%swap3A_215], %get3A_212 {strides = array<i32>} : memref<16512xf32, #tpu.memory_space<vmem>>, vector<16xf32>,
        %add3A_217 = arith.constant 48 : i32
        %add3A_218 = arith.addi %mul3A_186, %add3A_217 : i32
        %get3A_219 = arith.index_cast %add3A_218 : i32 to index
        %get3A_220 = tpu.vector_load %arg7[%get3A_219] {strides = array<i32>} : memref<16384xf32, #tpu.memory_space<vmem>>, vector<16xf32>,
        %add3A_221 = arith.constant 48 : i32
        %add3A_222 = arith.addi %mul3A_192, %add3A_221 : i32
        %swap3A_223 = arith.index_cast %add3A_222 : i32 to index
        %swap3A_224 = tpu.vector_load %arg10[%swap3A_223] {strides = array<i32>} : memref<16512xf32, #tpu.memory_space<vmem>>, vector<16xf32>,
        tpu.vector_store %arg10[%swap3A_223], %get3A_220 {strides = array<i32>} : memref<16512xf32, #tpu.memory_space<vmem>>, vector<16xf32>,
        %add3A_225 = arith.constant 64 : i32
        %add3A_226 = arith.addi %mul3A_186, %add3A_225 : i32
        %get3A_227 = arith.index_cast %add3A_226 : i32 to index
        %get3A_228 = tpu.vector_load %arg7[%get3A_227] {strides = array<i32>} : memref<16384xf32, #tpu.memory_space<vmem>>, vector<16xf32>,
        %add3A_229 = arith.constant 64 : i32
        %add3A_230 = arith.addi %mul3A_192, %add3A_229 : i32
        %swap3A_231 = arith.index_cast %add3A_230 : i32 to index
        %swap3A_232 = tpu.vector_load %arg10[%swap3A_231] {strides = array<i32>} : memref<16512xf32, #tpu.memory_space<vmem>>, vector<16xf32>,
        tpu.vector_store %arg10[%swap3A_231], %get3A_228 {strides = array<i32>} : memref<16512xf32, #tpu.memory_space<vmem>>, vector<16xf32>,
        %add3A_233 = arith.constant 80 : i32
        %add3A_234 = arith.addi %mul3A_186, %add3A_233 : i32
        %get3A_235 = arith.index_cast %add3A_234 : i32 to index
        %get3A_236 = tpu.vector_load %arg7[%get3A_235] {strides = array<i32>} : memref<16384xf32, #tpu.memory_space<vmem>>, vector<16xf32>,
        %add3A_237 = arith.constant 80 : i32
        %add3A_238 = arith.addi %mul3A_192, %add3A_237 : i32
        %swap3A_239 = arith.index_cast %add3A_238 : i32 to index
        %swap3A_240 = tpu.vector_load %arg10[%swap3A_239] {strides = array<i32>} : memref<16512xf32, #tpu.memory_space<vmem>>, vector<16xf32>,
        tpu.vector_store %arg10[%swap3A_239], %get3A_236 {strides = array<i32>} : memref<16512xf32, #tpu.memory_space<vmem>>, vector<16xf32>,
        %add3A_241 = arith.constant 96 : i32
        %add3A_242 = arith.addi %mul3A_186, %add3A_241 : i32
        %get3A_243 = arith.index_cast %add3A_242 : i32 to index
        %get3A_244 = tpu.vector_load %arg7[%get3A_243] {strides = array<i32>} : memref<16384xf32, #tpu.memory_space<vmem>>, vector<16xf32>,
        %add3A_245 = arith.constant 96 : i32
        %add3A_246 = arith.addi %mul3A_192, %add3A_245 : i32
        %swap3A_247 = arith.index_cast %add3A_246 : i32 to index
        %swap3A_248 = tpu.vector_load %arg10[%swap3A_247] {strides = array<i32>} : memref<16512xf32, #tpu.memory_space<vmem>>, vector<16xf32>,
        tpu.vector_store %arg10[%swap3A_247], %get3A_244 {strides = array<i32>} : memref<16512xf32, #tpu.memory_space<vmem>>, vector<16xf32>,
        %add3A_249 = arith.constant 112 : i32
        %add3A_250 = arith.addi %mul3A_186, %add3A_249 : i32
        %get3A_251 = arith.index_cast %add3A_250 : i32 to index
        %get3A_252 = tpu.vector_load %arg7[%get3A_251] {strides = array<i32>} : memref<16384xf32, #tpu.memory_space<vmem>>, vector<16xf32>,
        %add3A_253 = arith.constant 112 : i32
        %add3A_254 = arith.addi %mul3A_192, %add3A_253 : i32
        %swap3A_255 = arith.index_cast %add3A_254 : i32 to index
        %swap3A_256 = tpu.vector_load %arg10[%swap3A_255] {strides = array<i32>} : memref<16512xf32, #tpu.memory_space<vmem>>, vector<16xf32>,
        tpu.vector_store %arg10[%swap3A_255], %get3A_252 {strides = array<i32>} : memref<16512xf32, #tpu.memory_space<vmem>>, vector<16xf32>,
        %mul3A_257 = arith.constant 4 : i32
        %mul3A_258 = arith.muli %mul3A_257, %scan3A_106 : i32
        %add3A_259 = arith.constant 2 : i32
        %add3A_260 = arith.addi %mul3A_258, %add3A_259 : i32
        %mul3A_261 = arith.constant 128 : i32
        %mul3A_262 = arith.muli %add3A_260, %mul3A_261 : i32
        %mul3A_263 = arith.constant 4 : i32
        %mul3A_264 = arith.muli %mul3A_263, %scan3A_106 : i32
        %add3A_265 = arith.constant 2 : i32
        %add3A_266 = arith.addi %mul3A_264, %add3A_265 : i32
        %mul3A_267 = arith.constant 129 : i32
        %mul3A_268 = arith.muli %add3A_266, %mul3A_267 : i32
        %add3A_269 = arith.constant 0 : i32
        %add3A_270 = arith.addi %mul3A_262, %add3A_269 : i32
        %get3A_271 = arith.index_cast %add3A_270 : i32 to index
        %get3A_272 = tpu.vector_load %arg7[%get3A_271] {strides = array<i32>} : memref<16384xf32, #tpu.memory_space<vmem>>, vector<16xf32>,
        %add3A_273 = arith.constant 0 : i32
        %add3A_274 = arith.addi %mul3A_268, %add3A_273 : i32
        %swap3A_275 = arith.index_cast %add3A_274 : i32 to index
        %swap3A_276 = tpu.vector_load %arg10[%swap3A_275] {strides = array<i32>} : memref<16512xf32, #tpu.memory_space<vmem>>, vector<16xf32>,
        tpu.vector_store %arg10[%swap3A_275], %get3A_272 {strides = array<i32>} : memref<16512xf32, #tpu.memory_space<vmem>>, vector<16xf32>,
        %add3A_277 = arith.constant 16 : i32
        %add3A_278 = arith.addi %mul3A_262, %add3A_277 : i32
        %get3A_279 = arith.index_cast %add3A_278 : i32 to index
        %get3A_280 = tpu.vector_load %arg7[%get3A_279] {strides = array<i32>} : memref<16384xf32, #tpu.memory_space<vmem>>, vector<16xf32>,
        %add3A_281 = arith.constant 16 : i32
        %add3A_282 = arith.addi %mul3A_268, %add3A_281 : i32
        %swap3A_283 = arith.index_cast %add3A_282 : i32 to index
        %swap3A_284 = tpu.vector_load %arg10[%swap3A_283] {strides = array<i32>} : memref<16512xf32, #tpu.memory_space<vmem>>, vector<16xf32>,
        tpu.vector_store %arg10[%swap3A_283], %get3A_280 {strides = array<i32>} : memref<16512xf32, #tpu.memory_space<vmem>>, vector<16xf32>,
        %add3A_285 = arith.constant 32 : i32
        %add3A_286 = arith.addi %mul3A_262, %add3A_285 : i32
        %get3A_287 = arith.index_cast %add3A_286 : i32 to index
        %get3A_288 = tpu.vector_load %arg7[%get3A_287] {strides = array<i32>} : memref<16384xf32, #tpu.memory_space<vmem>>, vector<16xf32>,
        %add3A_289 = arith.constant 32 : i32
        %add3A_290 = arith.addi %mul3A_268, %add3A_289 : i32
        %swap3A_291 = arith.index_cast %add3A_290 : i32 to index
        %swap3A_292 = tpu.vector_load %arg10[%swap3A_291] {strides = array<i32>} : memref<16512xf32, #tpu.memory_space<vmem>>, vector<16xf32>,
        tpu.vector_store %arg10[%swap3A_291], %get3A_288 {strides = array<i32>} : memref<16512xf32, #tpu.memory_space<vmem>>, vector<16xf32>,
        %add3A_293 = arith.constant 48 : i32
        %add3A_294 = arith.addi %mul3A_262, %add3A_293 : i32
        %get3A_295 = arith.index_cast %add3A_294 : i32 to index
        %get3A_296 = tpu.vector_load %arg7[%get3A_295] {strides = array<i32>} : memref<16384xf32, #tpu.memory_space<vmem>>, vector<16xf32>,
        %add3A_297 = arith.constant 48 : i32
        %add3A_298 = arith.addi %mul3A_268, %add3A_297 : i32
        %swap3A_299 = arith.index_cast %add3A_298 : i32 to index
        %swap3A_300 = tpu.vector_load %arg10[%swap3A_299] {strides = array<i32>} : memref<16512xf32, #tpu.memory_space<vmem>>, vector<16xf32>,
        tpu.vector_store %arg10[%swap3A_299], %get3A_296 {strides = array<i32>} : memref<16512xf32, #tpu.memory_space<vmem>>, vector<16xf32>,
        %add3A_301 = arith.constant 64 : i32
        %add3A_302 = arith.addi %mul3A_262, %add3A_301 : i32
        %get3A_303 = arith.index_cast %add3A_302 : i32 to index
        %get3A_304 = tpu.vector_load %arg7[%get3A_303] {strides = array<i32>} : memref<16384xf32, #tpu.memory_space<vmem>>, vector<16xf32>,
        %add3A_305 = arith.constant 64 : i32
        %add3A_306 = arith.addi %mul3A_268, %add3A_305 : i32
        %swap3A_307 = arith.index_cast %add3A_306 : i32 to index
        %swap3A_308 = tpu.vector_load %arg10[%swap3A_307] {strides = array<i32>} : memref<16512xf32, #tpu.memory_space<vmem>>, vector<16xf32>,
        tpu.vector_store %arg10[%swap3A_307], %get3A_304 {strides = array<i32>} : memref<16512xf32, #tpu.memory_space<vmem>>, vector<16xf32>,
        %add3A_309 = arith.constant 80 : i32
        %add3A_310 = arith.addi %mul3A_262, %add3A_309 : i32
        %get3A_311 = arith.index_cast %add3A_310 : i32 to index
        %get3A_312 = tpu.vector_load %arg7[%get3A_311] {strides = array<i32>} : memref<16384xf32, #tpu.memory_space<vmem>>, vector<16xf32>,
        %add3A_313 = arith.constant 80 : i32
        %add3A_314 = arith.addi %mul3A_268, %add3A_313 : i32
        %swap3A_315 = arith.index_cast %add3A_314 : i32 to index
        %swap3A_316 = tpu.vector_load %arg10[%swap3A_315] {strides = array<i32>} : memref<16512xf32, #tpu.memory_space<vmem>>, vector<16xf32>,
        tpu.vector_store %arg10[%swap3A_315], %get3A_312 {strides = array<i32>} : memref<16512xf32, #tpu.memory_space<vmem>>, vector<16xf32>,
        %add3A_317 = arith.constant 96 : i32
        %add3A_318 = arith.addi %mul3A_262, %add3A_317 : i32
        %get3A_319 = arith.index_cast %add3A_318 : i32 to index
        %get3A_320 = tpu.vector_load %arg7[%get3A_319] {strides = array<i32>} : memref<16384xf32, #tpu.memory_space<vmem>>, vector<16xf32>,
        %add3A_321 = arith.constant 96 : i32
        %add3A_322 = arith.addi %mul3A_268, %add3A_321 : i32
        %swap3A_323 = arith.index_cast %add3A_322 : i32 to index
        %swap3A_324 = tpu.vector_load %arg10[%swap3A_323] {strides = array<i32>} : memref<16512xf32, #tpu.memory_space<vmem>>, vector<16xf32>,
        tpu.vector_store %arg10[%swap3A_323], %get3A_320 {strides = array<i32>} : memref<16512xf32, #tpu.memory_space<vmem>>, vector<16xf32>,
        %add3A_325 = arith.constant 112 : i32
        %add3A_326 = arith.addi %mul3A_262, %add3A_325 : i32
        %get3A_327 = arith.index_cast %add3A_326 : i32 to index
        %get3A_328 = tpu.vector_load %arg7[%get3A_327] {strides = array<i32>} : memref<16384xf32, #tpu.memory_space<vmem>>, vector<16xf32>,
        %add3A_329 = arith.constant 112 : i32
        %add3A_330 = arith.addi %mul3A_268, %add3A_329 : i32
        %swap3A_331 = arith.index_cast %add3A_330 : i32 to index
        %swap3A_332 = tpu.vector_load %arg10[%swap3A_331] {strides = array<i32>} : memref<16512xf32, #tpu.memory_space<vmem>>, vector<16xf32>,
        tpu.vector_store %arg10[%swap3A_331], %get3A_328 {strides = array<i32>} : memref<16512xf32, #tpu.memory_space<vmem>>, vector<16xf32>,
        %mul3A_333 = arith.constant 4 : i32
        %mul3A_334 = arith.muli %mul3A_333, %scan3A_106 : i32
        %add3A_335 = arith.constant 3 : i32
        %add3A_336 = arith.addi %mul3A_334, %add3A_335 : i32
        %mul3A_337 = arith.constant 128 : i32
        %mul3A_338 = arith.muli %add3A_336, %mul3A_337 : i32
        %mul3A_339 = arith.constant 4 : i32
        %mul3A_340 = arith.muli %mul3A_339, %scan3A_106 : i32
        %add3A_341 = arith.constant 3 : i32
        %add3A_342 = arith.addi %mul3A_340, %add3A_341 : i32
        %mul3A_343 = arith.constant 129 : i32
        %mul3A_344 = arith.muli %add3A_342, %mul3A_343 : i32
        %add3A_345 = arith.constant 0 : i32
        %add3A_346 = arith.addi %mul3A_338, %add3A_345 : i32
        %get3A_347 = arith.index_cast %add3A_346 : i32 to index
        %get3A_348 = tpu.vector_load %arg7[%get3A_347] {strides = array<i32>} : memref<16384xf32, #tpu.memory_space<vmem>>, vector<16xf32>,
        %add3A_349 = arith.constant 0 : i32
        %add3A_350 = arith.addi %mul3A_344, %add3A_349 : i32
        %swap3A_351 = arith.index_cast %add3A_350 : i32 to index
        %swap3A_352 = tpu.vector_load %arg10[%swap3A_351] {strides = array<i32>} : memref<16512xf32, #tpu.memory_space<vmem>>, vector<16xf32>,
        tpu.vector_store %arg10[%swap3A_351], %get3A_348 {strides = array<i32>} : memref<16512xf32, #tpu.memory_space<vmem>>, vector<16xf32>,
        %add3A_353 = arith.constant 16 : i32
        %add3A_354 = arith.addi %mul3A_338, %add3A_353 : i32
        %get3A_355 = arith.index_cast %add3A_354 : i32 to index
        %get3A_356 = tpu.vector_load %arg7[%get3A_355] {strides = array<i32>} : memref<16384xf32, #tpu.memory_space<vmem>>, vector<16xf32>,
        %add3A_357 = arith.constant 16 : i32
        %add3A_358 = arith.addi %mul3A_344, %add3A_357 : i32
        %swap3A_359 = arith.index_cast %add3A_358 : i32 to index
        %swap3A_360 = tpu.vector_load %arg10[%swap3A_359] {strides = array<i32>} : memref<16512xf32, #tpu.memory_space<vmem>>, vector<16xf32>,
        tpu.vector_store %arg10[%swap3A_359], %get3A_356 {strides = array<i32>} : memref<16512xf32, #tpu.memory_space<vmem>>, vector<16xf32>,
        %add3A_361 = arith.constant 32 : i32
        %add3A_362 = arith.addi %mul3A_338, %add3A_361 : i32
        %get3A_363 = arith.index_cast %add3A_362 : i32 to index
        %get3A_364 = tpu.vector_load %arg7[%get3A_363] {strides = array<i32>} : memref<16384xf32, #tpu.memory_space<vmem>>, vector<16xf32>,
        %add3A_365 = arith.constant 32 : i32
        %add3A_366 = arith.addi %mul3A_344, %add3A_365 : i32
        %swap3A_367 = arith.index_cast %add3A_366 : i32 to index
        %swap3A_368 = tpu.vector_load %arg10[%swap3A_367] {strides = array<i32>} : memref<16512xf32, #tpu.memory_space<vmem>>, vector<16xf32>,
        tpu.vector_store %arg10[%swap3A_367], %get3A_364 {strides = array<i32>} : memref<16512xf32, #tpu.memory_space<vmem>>, vector<16xf32>,
        %add3A_369 = arith.constant 48 : i32
        %add3A_370 = arith.addi %mul3A_338, %add3A_369 : i32
        %get3A_371 = arith.index_cast %add3A_370 : i32 to index
        %get3A_372 = tpu.vector_load %arg7[%get3A_371] {strides = array<i32>} : memref<16384xf32, #tpu.memory_space<vmem>>, vector<16xf32>,
        %add3A_373 = arith.constant 48 : i32
        %add3A_374 = arith.addi %mul3A_344, %add3A_373 : i32
        %swap3A_375 = arith.index_cast %add3A_374 : i32 to index
        %swap3A_376 = tpu.vector_load %arg10[%swap3A_375] {strides = array<i32>} : memref<16512xf32, #tpu.memory_space<vmem>>, vector<16xf32>,
        tpu.vector_store %arg10[%swap3A_375], %get3A_372 {strides = array<i32>} : memref<16512xf32, #tpu.memory_space<vmem>>, vector<16xf32>,
        %add3A_377 = arith.constant 64 : i32
        %add3A_378 = arith.addi %mul3A_338, %add3A_377 : i32
        %get3A_379 = arith.index_cast %add3A_378 : i32 to index
        %get3A_380 = tpu.vector_load %arg7[%get3A_379] {strides = array<i32>} : memref<16384xf32, #tpu.memory_space<vmem>>, vector<16xf32>,
        %add3A_381 = arith.constant 64 : i32
        %add3A_382 = arith.addi %mul3A_344, %add3A_381 : i32
        %swap3A_383 = arith.index_cast %add3A_382 : i32 to index
        %swap3A_384 = tpu.vector_load %arg10[%swap3A_383] {strides = array<i32>} : memref<16512xf32, #tpu.memory_space<vmem>>, vector<16xf32>,
        tpu.vector_store %arg10[%swap3A_383], %get3A_380 {strides = array<i32>} : memref<16512xf32, #tpu.memory_space<vmem>>, vector<16xf32>,
        %add3A_385 = arith.constant 80 : i32
        %add3A_386 = arith.addi %mul3A_338, %add3A_385 : i32
        %get3A_387 = arith.index_cast %add3A_386 : i32 to index
        %get3A_388 = tpu.vector_load %arg7[%get3A_387] {strides = array<i32>} : memref<16384xf32, #tpu.memory_space<vmem>>, vector<16xf32>,
        %add3A_389 = arith.constant 80 : i32
        %add3A_390 = arith.addi %mul3A_344, %add3A_389 : i32
        %swap3A_391 = arith.index_cast %add3A_390 : i32 to index
        %swap3A_392 = tpu.vector_load %arg10[%swap3A_391] {strides = array<i32>} : memref<16512xf32, #tpu.memory_space<vmem>>, vector<16xf32>,
        tpu.vector_store %arg10[%swap3A_391], %get3A_388 {strides = array<i32>} : memref<16512xf32, #tpu.memory_space<vmem>>, vector<16xf32>,
        %add3A_393 = arith.constant 96 : i32
        %add3A_394 = arith.addi %mul3A_338, %add3A_393 : i32
        %get3A_395 = arith.index_cast %add3A_394 : i32 to index
        %get3A_396 = tpu.vector_load %arg7[%get3A_395] {strides = array<i32>} : memref<16384xf32, #tpu.memory_space<vmem>>, vector<16xf32>,
        %add3A_397 = arith.constant 96 : i32
        %add3A_398 = arith.addi %mul3A_344, %add3A_397 : i32
        %swap3A_399 = arith.index_cast %add3A_398 : i32 to index
        %swap3A_400 = tpu.vector_load %arg10[%swap3A_399] {strides = array<i32>} : memref<16512xf32, #tpu.memory_space<vmem>>, vector<16xf32>,
        tpu.vector_store %arg10[%swap3A_399], %get3A_396 {strides = array<i32>} : memref<16512xf32, #tpu.memory_space<vmem>>, vector<16xf32>,
        %add3A_401 = arith.constant 112 : i32
        %add3A_402 = arith.addi %mul3A_338, %add3A_401 : i32
        %get3A_403 = arith.index_cast %add3A_402 : i32 to index
        %get3A_404 = tpu.vector_load %arg7[%get3A_403] {strides = array<i32>} : memref<16384xf32, #tpu.memory_space<vmem>>, vector<16xf32>,
        %add3A_405 = arith.constant 112 : i32
        %add3A_406 = arith.addi %mul3A_344, %add3A_405 : i32
        %swap3A_407 = arith.index_cast %add3A_406 : i32 to index
        %swap3A_408 = tpu.vector_load %arg10[%swap3A_407] {strides = array<i32>} : memref<16512xf32, #tpu.memory_space<vmem>>, vector<16xf32>,
        tpu.vector_store %arg10[%swap3A_407], %get3A_404 {strides = array<i32>} : memref<16512xf32, #tpu.memory_space<vmem>>, vector<16xf32>,
      }
      %scan3A_83 = arith.constant 32 : i32
      %scan3A_84 = arith.constant 0 : i32
      %scan3A_85 = arith.constant 0 : i32
      %scan3A_86 = arith.constant 8 : i32
      %scan3A_87 = arith.addi %scan3A_85, %scan3A_86 : i32
      %scan3A_88 = arith.constant 1 : i32
      scf.for %scan3A_106 = %scan3A_85 to %scan3A_87 step %scan3A_88  : i32 {
        %mul3A_107 = arith.constant 129 : i32
        %mul3A_108 = vector.broadcast %mul3A_107 : i32 to vector<16xi32>
        %mul3A_109 = arith.muli %iota3A, %mul3A_108 : vector<16xi32>
        %mul3A_110 = arith.constant 2064 : i32
        %mul3A_111 = arith.muli %scan3A_106, %mul3A_110 : i32
        %add3A_112 = vector.broadcast %mul3A_111 : i32 to vector<16xi32>
        %add3A_113 = arith.addi %mul3A_109, %add3A_112 : vector<16xi32>
        %scan3A_114 = arith.constant 0 : i32
        %scan3A_115 = arith.constant 16 : i32
        %scan3A_116 = arith.addi %scan3A_114, %scan3A_115 : i32
        %scan3A_117 = arith.constant 1 : i32
        %scan3A_118:5 = scf.for %scan3A_181 = %scan3A_114 to %scan3A_116 step %scan3A_117 iter_args(%scan3A_182 = %add3A_113, %scan3A_183 = %broadcast_in_dim3A_3, %scan3A_184 = %broadcast_in_dim3A_3, %scan3A_185 = %broadcast_in_dim3A_3, %scan3A_186 = %broadcast_in_dim3A_3) -> (vector<16xi32>, vector<16xf32>, vector<16xf32>, vector<16xf32>, vector<16xf32>)  : i32 {
          %add3A_187 = arith.constant 0 : i32
          %add3A_188 = vector.broadcast %add3A_187 : i32 to vector<16xi32>
          %add3A_189 = arith.addi %scan3A_182, %add3A_188 : vector<16xi32>
          %gather3A = tpu.vector_load_idx %arg10[%add3A_189] : memref<16512xf32, #tpu.memory_space<vmem>>[vector<16xi32>], vector<16xf32>,
          %add3A_190 = arith.constant 1 : i32
          %add3A_191 = vector.broadcast %add3A_190 : i32 to vector<16xi32>
          %add3A_192 = arith.addi %scan3A_182, %add3A_191 : vector<16xi32>
          %gather3A_193 = tpu.vector_load_idx %arg10[%add3A_192] : memref<16512xf32, #tpu.memory_space<vmem>>[vector<16xi32>], vector<16xf32>,
          %add3A_194 = arith.constant 2 : i32
          %add3A_195 = vector.broadcast %add3A_194 : i32 to vector<16xi32>
          %add3A_196 = arith.addi %scan3A_182, %add3A_195 : vector<16xi32>
          %gather3A_197 = tpu.vector_load_idx %arg10[%add3A_196] : memref<16512xf32, #tpu.memory_space<vmem>>[vector<16xi32>], vector<16xf32>,
          %add3A_198 = arith.constant 3 : i32
          %add3A_199 = vector.broadcast %add3A_198 : i32 to vector<16xi32>
          %add3A_200 = arith.addi %scan3A_182, %add3A_199 : vector<16xi32>
          %gather3A_201 = tpu.vector_load_idx %arg10[%add3A_200] : memref<16512xf32, #tpu.memory_space<vmem>>[vector<16xi32>], vector<16xf32>,
          %add3A_202 = arith.constant 4 : i32
          %add3A_203 = vector.broadcast %add3A_202 : i32 to vector<16xi32>
          %add3A_204 = arith.addi %scan3A_182, %add3A_203 : vector<16xi32>
          %gather3A_205 = tpu.vector_load_idx %arg10[%add3A_204] : memref<16512xf32, #tpu.memory_space<vmem>>[vector<16xi32>], vector<16xf32>,
          %add3A_206 = arith.constant 5 : i32
          %add3A_207 = vector.broadcast %add3A_206 : i32 to vector<16xi32>
          %add3A_208 = arith.addi %scan3A_182, %add3A_207 : vector<16xi32>
          %gather3A_209 = tpu.vector_load_idx %arg10[%add3A_208] : memref<16512xf32, #tpu.memory_space<vmem>>[vector<16xi32>], vector<16xf32>,
          %add3A_210 = arith.constant 6 : i32
          %add3A_211 = vector.broadcast %add3A_210 : i32 to vector<16xi32>
          %add3A_212 = arith.addi %scan3A_182, %add3A_211 : vector<16xi32>
          %gather3A_213 = tpu.vector_load_idx %arg10[%add3A_212] : memref<16512xf32, #tpu.memory_space<vmem>>[vector<16xi32>], vector<16xf32>,
          %add3A_214 = arith.constant 7 : i32
          %add3A_215 = vector.broadcast %add3A_214 : i32 to vector<16xi32>
          %add3A_216 = arith.addi %scan3A_182, %add3A_215 : vector<16xi32>
          %gather3A_217 = tpu.vector_load_idx %arg10[%add3A_216] : memref<16512xf32, #tpu.memory_space<vmem>>[vector<16xi32>], vector<16xf32>,
          %add3A_218 = arith.constant 8 : i32
          %add3A_219 = vector.broadcast %add3A_218 : i32 to vector<16xi32>
          %add3A_220 = arith.addi %scan3A_182, %add3A_219 : vector<16xi32>
          %max3A_221 = arith.maximumf %scan3A_183, %gather3A : vector<16xf32>
          %max3A_222 = arith.maximumf %max3A_221, %gather3A_205 : vector<16xf32>
          %max3A_223 = arith.maximumf %scan3A_184, %gather3A_193 : vector<16xf32>
          %max3A_224 = arith.maximumf %max3A_223, %gather3A_209 : vector<16xf32>
          %max3A_225 = arith.maximumf %scan3A_185, %gather3A_197 : vector<16xf32>
          %max3A_226 = arith.maximumf %max3A_225, %gather3A_213 : vector<16xf32>
          %max3A_227 = arith.maximumf %scan3A_186, %gather3A_201 : vector<16xf32>
          %max3A_228 = arith.maximumf %max3A_227, %gather3A_217 : vector<16xf32>
          scf.yield %add3A_220, %max3A_222, %max3A_224, %max3A_226, %max3A_228 : vector<16xi32>, vector<16xf32>, vector<16xf32>, vector<16xf32>, vector<16xf32>
        }
        %scan3A_119 = arith.constant 16 : i32
        %max3A = arith.maximumf %scan3A_118#1, %scan3A_118#2 : vector<16xf32>
        %max3A_120 = arith.maximumf %scan3A_118#3, %scan3A_118#4 : vector<16xf32>
        %max3A_121 = arith.maximumf %max3A, %max3A_120 : vector<16xf32>
        %scan3A_122 = arith.constant 0 : i32
        %scan3A_123 = arith.constant 16 : i32
        %scan3A_124 = arith.addi %scan3A_122, %scan3A_123 : i32
        %scan3A_125 = arith.constant 1 : i32
        %scan3A_126:9 = scf.for %scan3A_181 = %scan3A_122 to %scan3A_124 step %scan3A_125 iter_args(%scan3A_182 = %add3A_113, %scan3A_183 = %broadcast_in_dim3A_5, %scan3A_184 = %broadcast_in_dim3A_5, %scan3A_185 = %broadcast_in_dim3A_5, %scan3A_186 = %broadcast_in_dim3A_5, %scan3A_187 = %broadcast_in_dim3A_5, %scan3A_188 = %broadcast_in_dim3A_5, %scan3A_189 = %broadcast_in_dim3A_5, %scan3A_190 = %broadcast_in_dim3A_5) -> (vector<16xi32>, vector<16xf32>, vector<16xf32>, vector<16xf32>, vector<16xf32>, vector<16xf32>, vector<16xf32>, vector<16xf32>, vector<16xf32>)  : i32 {
          %add3A_191 = arith.constant 0 : i32
          %add3A_192 = vector.broadcast %add3A_191 : i32 to vector<16xi32>
          %add3A_193 = arith.addi %scan3A_182, %add3A_192 : vector<16xi32>
          %gather3A = tpu.vector_load_idx %arg10[%add3A_193] : memref<16512xf32, #tpu.memory_space<vmem>>[vector<16xi32>], vector<16xf32>,
          %add3A_194 = arith.constant 1 : i32
          %add3A_195 = vector.broadcast %add3A_194 : i32 to vector<16xi32>
          %add3A_196 = arith.addi %scan3A_182, %add3A_195 : vector<16xi32>
          %gather3A_197 = tpu.vector_load_idx %arg10[%add3A_196] : memref<16512xf32, #tpu.memory_space<vmem>>[vector<16xi32>], vector<16xf32>,
          %add3A_198 = arith.constant 2 : i32
          %add3A_199 = vector.broadcast %add3A_198 : i32 to vector<16xi32>
          %add3A_200 = arith.addi %scan3A_182, %add3A_199 : vector<16xi32>
          %gather3A_201 = tpu.vector_load_idx %arg10[%add3A_200] : memref<16512xf32, #tpu.memory_space<vmem>>[vector<16xi32>], vector<16xf32>,
          %add3A_202 = arith.constant 3 : i32
          %add3A_203 = vector.broadcast %add3A_202 : i32 to vector<16xi32>
          %add3A_204 = arith.addi %scan3A_182, %add3A_203 : vector<16xi32>
          %gather3A_205 = tpu.vector_load_idx %arg10[%add3A_204] : memref<16512xf32, #tpu.memory_space<vmem>>[vector<16xi32>], vector<16xf32>,
          %add3A_206 = arith.constant 4 : i32
          %add3A_207 = vector.broadcast %add3A_206 : i32 to vector<16xi32>
          %add3A_208 = arith.addi %scan3A_182, %add3A_207 : vector<16xi32>
          %gather3A_209 = tpu.vector_load_idx %arg10[%add3A_208] : memref<16512xf32, #tpu.memory_space<vmem>>[vector<16xi32>], vector<16xf32>,
          %add3A_210 = arith.constant 5 : i32
          %add3A_211 = vector.broadcast %add3A_210 : i32 to vector<16xi32>
          %add3A_212 = arith.addi %scan3A_182, %add3A_211 : vector<16xi32>
          %gather3A_213 = tpu.vector_load_idx %arg10[%add3A_212] : memref<16512xf32, #tpu.memory_space<vmem>>[vector<16xi32>], vector<16xf32>,
          %add3A_214 = arith.constant 6 : i32
          %add3A_215 = vector.broadcast %add3A_214 : i32 to vector<16xi32>
          %add3A_216 = arith.addi %scan3A_182, %add3A_215 : vector<16xi32>
          %gather3A_217 = tpu.vector_load_idx %arg10[%add3A_216] : memref<16512xf32, #tpu.memory_space<vmem>>[vector<16xi32>], vector<16xf32>,
          %add3A_218 = arith.constant 7 : i32
          %add3A_219 = vector.broadcast %add3A_218 : i32 to vector<16xi32>
          %add3A_220 = arith.addi %scan3A_182, %add3A_219 : vector<16xi32>
          %gather3A_221 = tpu.vector_load_idx %arg10[%add3A_220] : memref<16512xf32, #tpu.memory_space<vmem>>[vector<16xi32>], vector<16xf32>,
          %sub3A_222 = arith.subf %gather3A, %max3A_121 : vector<16xf32>
          %exp3A = math.exp %sub3A_222 : vector<16xf32>
          %sub3A_223 = arith.subf %gather3A_197, %max3A_121 : vector<16xf32>
          %exp3A_224 = math.exp %sub3A_223 : vector<16xf32>
          %sub3A_225 = arith.subf %gather3A_201, %max3A_121 : vector<16xf32>
          %exp3A_226 = math.exp %sub3A_225 : vector<16xf32>
          %sub3A_227 = arith.subf %gather3A_205, %max3A_121 : vector<16xf32>
          %exp3A_228 = math.exp %sub3A_227 : vector<16xf32>
          %sub3A_229 = arith.subf %gather3A_209, %max3A_121 : vector<16xf32>
          %exp3A_230 = math.exp %sub3A_229 : vector<16xf32>
          %sub3A_231 = arith.subf %gather3A_213, %max3A_121 : vector<16xf32>
          %exp3A_232 = math.exp %sub3A_231 : vector<16xf32>
          %sub3A_233 = arith.subf %gather3A_217, %max3A_121 : vector<16xf32>
          %exp3A_234 = math.exp %sub3A_233 : vector<16xf32>
          %sub3A_235 = arith.subf %gather3A_221, %max3A_121 : vector<16xf32>
          %exp3A_236 = math.exp %sub3A_235 : vector<16xf32>
          %add3A_237 = arith.constant 8 : i32
          %add3A_238 = vector.broadcast %add3A_237 : i32 to vector<16xi32>
          %add3A_239 = arith.addi %scan3A_182, %add3A_238 : vector<16xi32>
          %add3A_240 = arith.addf %scan3A_183, %exp3A : vector<16xf32>
          %add3A_241 = arith.addf %scan3A_184, %exp3A_224 : vector<16xf32>
          %add3A_242 = arith.addf %scan3A_185, %exp3A_226 : vector<16xf32>
          %add3A_243 = arith.addf %scan3A_186, %exp3A_228 : vector<16xf32>
          %add3A_244 = arith.addf %scan3A_187, %exp3A_230 : vector<16xf32>
          %add3A_245 = arith.addf %scan3A_188, %exp3A_232 : vector<16xf32>
          %add3A_246 = arith.addf %scan3A_189, %exp3A_234 : vector<16xf32>
          %add3A_247 = arith.addf %scan3A_190, %exp3A_236 : vector<16xf32>
          scf.yield %add3A_239, %add3A_240, %add3A_241, %add3A_242, %add3A_243, %add3A_244, %add3A_245, %add3A_246, %add3A_247 : vector<16xi32>, vector<16xf32>, vector<16xf32>, vector<16xf32>, vector<16xf32>, vector<16xf32>, vector<16xf32>, vector<16xf32>, vector<16xf32>
        }
        %scan3A_127 = arith.constant 16 : i32
        %add3A_128 = arith.addf %scan3A_126#1, %scan3A_126#2 : vector<16xf32>
        %add3A_129 = arith.addf %scan3A_126#3, %scan3A_126#4 : vector<16xf32>
        %add3A_130 = arith.addf %add3A_128, %add3A_129 : vector<16xf32>
        %add3A_131 = arith.addf %scan3A_126#5, %scan3A_126#6 : vector<16xf32>
        %add3A_132 = arith.addf %scan3A_126#7, %scan3A_126#8 : vector<16xf32>
        %add3A_133 = arith.addf %add3A_131, %add3A_132 : vector<16xf32>
        %add3A_134 = arith.addf %add3A_130, %add3A_133 : vector<16xf32>
        %bitcast_convert_type3A = tpu.bitcast %add3A_134 : vector<16xf32> -> vector<16xi32>
        %shift_right_arithmetic3A = arith.constant 23 : i32
        %shift_right_arithmetic3A_135 = vector.broadcast %shift_right_arithmetic3A : i32 to vector<16xi32>
        %shift_right_arithmetic3A_136 = arith.shrsi %bitcast_convert_type3A, %shift_right_arithmetic3A_135 : vector<16xi32>
        %sub3A = arith.constant 127 : i32
        %sub3A_137 = vector.broadcast %sub3A : i32 to vector<16xi32>
        %sub3A_138 = arith.subi %shift_right_arithmetic3A_136, %sub3A_137 : vector<16xi32>
        %and3A = arith.constant 8388607 : i32
        %and3A_139 = vector.broadcast %and3A : i32 to vector<16xi32>
        %and3A_140 = arith.andi %bitcast_convert_type3A, %and3A_139 : vector<16xi32>
        %or3A = arith.constant 1065353216 : i32
        %or3A_141 = vector.broadcast %or3A : i32 to vector<16xi32>
        %or3A_142 = arith.ori %and3A_140, %or3A_141 : vector<16xi32>
        %bitcast_convert_type3A_143 = tpu.bitcast %or3A_142 : vector<16xi32> -> vector<16xf32>
        %sub3A_144 = arith.constant 1.000000e+00 : f32
        %sub3A_145 = vector.broadcast %sub3A_144 : f32 to vector<16xf32>
        %sub3A_146 = arith.subf %bitcast_convert_type3A_143, %sub3A_145 : vector<16xf32>
        %add3A_147 = arith.constant 1.000000e+00 : f32
        %add3A_148 = vector.broadcast %add3A_147 : f32 to vector<16xf32>
        %add3A_149 = arith.addf %bitcast_convert_type3A_143, %add3A_148 : vector<16xf32>
        %div3A = arith.divf %sub3A_146, %add3A_149 : vector<16xf32>
        %mul3A_150 = arith.mulf %div3A, %div3A : vector<16xf32>
        %mul3A_151 = arith.constant 2.000000e+00 : f32
        %mul3A_152 = vector.broadcast %mul3A_151 : f32 to vector<16xf32>
        %mul3A_153 = arith.mulf %mul3A_152, %div3A : vector<16xf32>
        %mul3A_154 = arith.constant 0.142857149 : f32
        %mul3A_155 = vector.broadcast %mul3A_154 : f32 to vector<16xf32>
        %mul3A_156 = arith.mulf %mul3A_150, %mul3A_155 : vector<16xf32>
        %add3A_157 = arith.constant 2.000000e-01 : f32
        %add3A_158 = vector.broadcast %add3A_157 : f32 to vector<16xf32>
        %add3A_159 = arith.addf %add3A_158, %mul3A_156 : vector<16xf32>
        %mul3A_160 = arith.mulf %mul3A_150, %add3A_159 : vector<16xf32>
        %add3A_161 = arith.constant 0.333333343 : f32
        %add3A_162 = vector.broadcast %add3A_161 : f32 to vector<16xf32>
        %add3A_163 = arith.addf %add3A_162, %mul3A_160 : vector<16xf32>
        %mul3A_164 = arith.mulf %mul3A_150, %add3A_163 : vector<16xf32>
        %add3A_165 = arith.constant 1.000000e+00 : f32
        %add3A_166 = vector.broadcast %add3A_165 : f32 to vector<16xf32>
        %add3A_167 = arith.addf %add3A_166, %mul3A_164 : vector<16xf32>
        %mul3A_168 = arith.mulf %mul3A_153, %add3A_167 : vector<16xf32>
        %convert_element_type3A_169 = arith.sitofp %sub3A_138 : vector<16xi32> to vector<16xf32>
        %mul3A_170 = arith.constant 0.693147182 : f32
        %mul3A_171 = vector.broadcast %mul3A_170 : f32 to vector<16xf32>
        %mul3A_172 = arith.mulf %convert_element_type3A_169, %mul3A_171 : vector<16xf32>
        %add3A_173 = arith.addf %mul3A_172, %mul3A_168 : vector<16xf32>
        %add3A_174 = arith.addf %max3A_121, %add3A_173 : vector<16xf32>
        %scan3A_175 = arith.constant 0 : i32
        %scan3A_176 = arith.constant 8 : i32
        %scan3A_177 = arith.addi %scan3A_175, %scan3A_176 : i32
        %scan3A_178 = arith.constant 1 : i32
        %scan3A_179 = scf.for %scan3A_181 = %scan3A_175 to %scan3A_177 step %scan3A_178 iter_args(%scan3A_182 = %add3A_113) -> (vector<16xi32>)  : i32 {
          %mul3A_183 = arith.constant 16 : i32
          %mul3A_184 = arith.muli %scan3A_181, %mul3A_183 : i32
          %get3A = arith.index_cast %mul3A_184 : i32 to index
          %get3A_185 = tpu.vector_load %arg5[%get3A] {strides = array<i32>} : memref<128xi32, #tpu.memory_space<vmem>>, vector<16xi32>,
          %slice3A = vector.extract_strided_slice %get3A_185 {offsets = [0], sizes = [1], strides = [1]} : vector<16xi32> to vector<1xi32>
          %squeeze3A = vector.extract %slice3A[0] : i32 from vector<1xi32>
          %add3A_186 = vector.broadcast %squeeze3A : i32 to vector<16xi32>
          %add3A_187 = arith.addi %add3A_113, %add3A_186 : vector<16xi32>
          %gather3A = tpu.vector_load_idx %arg10[%add3A_187] : memref<16512xf32, #tpu.memory_space<vmem>>[vector<16xi32>], vector<16xf32>,
          %slice3A_188 = vector.extract_strided_slice %get3A_185 {offsets = [1], sizes = [1], strides = [1]} : vector<16xi32> to vector<1xi32>
          %squeeze3A_189 = vector.extract %slice3A_188[0] : i32 from vector<1xi32>
          %add3A_190 = vector.broadcast %squeeze3A_189 : i32 to vector<16xi32>
          %add3A_191 = arith.addi %add3A_113, %add3A_190 : vector<16xi32>
          %gather3A_192 = tpu.vector_load_idx %arg10[%add3A_191] : memref<16512xf32, #tpu.memory_space<vmem>>[vector<16xi32>], vector<16xf32>,
          %slice3A_193 = vector.extract_strided_slice %get3A_185 {offsets = [2], sizes = [1], strides = [1]} : vector<16xi32> to vector<1xi32>
          %squeeze3A_194 = vector.extract %slice3A_193[0] : i32 from vector<1xi32>
          %add3A_195 = vector.broadcast %squeeze3A_194 : i32 to vector<16xi32>
          %add3A_196 = arith.addi %add3A_113, %add3A_195 : vector<16xi32>
          %gather3A_197 = tpu.vector_load_idx %arg10[%add3A_196] : memref<16512xf32, #tpu.memory_space<vmem>>[vector<16xi32>], vector<16xf32>,
          %slice3A_198 = vector.extract_strided_slice %get3A_185 {offsets = [3], sizes = [1], strides = [1]} : vector<16xi32> to vector<1xi32>
          %squeeze3A_199 = vector.extract %slice3A_198[0] : i32 from vector<1xi32>
          %add3A_200 = vector.broadcast %squeeze3A_199 : i32 to vector<16xi32>
          %add3A_201 = arith.addi %add3A_113, %add3A_200 : vector<16xi32>
          %gather3A_202 = tpu.vector_load_idx %arg10[%add3A_201] : memref<16512xf32, #tpu.memory_space<vmem>>[vector<16xi32>], vector<16xf32>,
          %slice3A_203 = vector.extract_strided_slice %get3A_185 {offsets = [4], sizes = [1], strides = [1]} : vector<16xi32> to vector<1xi32>
          %squeeze3A_204 = vector.extract %slice3A_203[0] : i32 from vector<1xi32>
          %add3A_205 = vector.broadcast %squeeze3A_204 : i32 to vector<16xi32>
          %add3A_206 = arith.addi %add3A_113, %add3A_205 : vector<16xi32>
          %gather3A_207 = tpu.vector_load_idx %arg10[%add3A_206] : memref<16512xf32, #tpu.memory_space<vmem>>[vector<16xi32>], vector<16xf32>,
          %slice3A_208 = vector.extract_strided_slice %get3A_185 {offsets = [5], sizes = [1], strides = [1]} : vector<16xi32> to vector<1xi32>
          %squeeze3A_209 = vector.extract %slice3A_208[0] : i32 from vector<1xi32>
          %add3A_210 = vector.broadcast %squeeze3A_209 : i32 to vector<16xi32>
          %add3A_211 = arith.addi %add3A_113, %add3A_210 : vector<16xi32>
          %gather3A_212 = tpu.vector_load_idx %arg10[%add3A_211] : memref<16512xf32, #tpu.memory_space<vmem>>[vector<16xi32>], vector<16xf32>,
          %slice3A_213 = vector.extract_strided_slice %get3A_185 {offsets = [6], sizes = [1], strides = [1]} : vector<16xi32> to vector<1xi32>
          %squeeze3A_214 = vector.extract %slice3A_213[0] : i32 from vector<1xi32>
          %add3A_215 = vector.broadcast %squeeze3A_214 : i32 to vector<16xi32>
          %add3A_216 = arith.addi %add3A_113, %add3A_215 : vector<16xi32>
          %gather3A_217 = tpu.vector_load_idx %arg10[%add3A_216] : memref<16512xf32, #tpu.memory_space<vmem>>[vector<16xi32>], vector<16xf32>,
          %slice3A_218 = vector.extract_strided_slice %get3A_185 {offsets = [7], sizes = [1], strides = [1]} : vector<16xi32> to vector<1xi32>
          %squeeze3A_219 = vector.extract %slice3A_218[0] : i32 from vector<1xi32>
          %add3A_220 = vector.broadcast %squeeze3A_219 : i32 to vector<16xi32>
          %add3A_221 = arith.addi %add3A_113, %add3A_220 : vector<16xi32>
          %gather3A_222 = tpu.vector_load_idx %arg10[%add3A_221] : memref<16512xf32, #tpu.memory_space<vmem>>[vector<16xi32>], vector<16xf32>,
          %add3A_223 = arith.constant 0 : i32
          %add3A_224 = vector.broadcast %add3A_223 : i32 to vector<16xi32>
          %add3A_225 = arith.addi %scan3A_182, %add3A_224 : vector<16xi32>
          %sub3A_226 = arith.subf %gather3A, %add3A_174 : vector<16xf32>
          tpu.vector_store_idx %arg11[%add3A_225], %sub3A_226 : memref<16512xf32, #tpu.memory_space<vmem>>[vector<16xi32>], vector<16xf32>,
          %add3A_227 = arith.constant 1 : i32
          %add3A_228 = vector.broadcast %add3A_227 : i32 to vector<16xi32>
          %add3A_229 = arith.addi %scan3A_182, %add3A_228 : vector<16xi32>
          %sub3A_230 = arith.subf %gather3A_192, %add3A_174 : vector<16xf32>
          tpu.vector_store_idx %arg11[%add3A_229], %sub3A_230 : memref<16512xf32, #tpu.memory_space<vmem>>[vector<16xi32>], vector<16xf32>,
          %add3A_231 = arith.constant 2 : i32
          %add3A_232 = vector.broadcast %add3A_231 : i32 to vector<16xi32>
          %add3A_233 = arith.addi %scan3A_182, %add3A_232 : vector<16xi32>
          %sub3A_234 = arith.subf %gather3A_197, %add3A_174 : vector<16xf32>
          tpu.vector_store_idx %arg11[%add3A_233], %sub3A_234 : memref<16512xf32, #tpu.memory_space<vmem>>[vector<16xi32>], vector<16xf32>,
          %add3A_235 = arith.constant 3 : i32
          %add3A_236 = vector.broadcast %add3A_235 : i32 to vector<16xi32>
          %add3A_237 = arith.addi %scan3A_182, %add3A_236 : vector<16xi32>
          %sub3A_238 = arith.subf %gather3A_202, %add3A_174 : vector<16xf32>
          tpu.vector_store_idx %arg11[%add3A_237], %sub3A_238 : memref<16512xf32, #tpu.memory_space<vmem>>[vector<16xi32>], vector<16xf32>,
          %add3A_239 = arith.constant 4 : i32
          %add3A_240 = vector.broadcast %add3A_239 : i32 to vector<16xi32>
          %add3A_241 = arith.addi %scan3A_182, %add3A_240 : vector<16xi32>
          %sub3A_242 = arith.subf %gather3A_207, %add3A_174 : vector<16xf32>
          tpu.vector_store_idx %arg11[%add3A_241], %sub3A_242 : memref<16512xf32, #tpu.memory_space<vmem>>[vector<16xi32>], vector<16xf32>,
          %add3A_243 = arith.constant 5 : i32
          %add3A_244 = vector.broadcast %add3A_243 : i32 to vector<16xi32>
          %add3A_245 = arith.addi %scan3A_182, %add3A_244 : vector<16xi32>
          %sub3A_246 = arith.subf %gather3A_212, %add3A_174 : vector<16xf32>
          tpu.vector_store_idx %arg11[%add3A_245], %sub3A_246 : memref<16512xf32, #tpu.memory_space<vmem>>[vector<16xi32>], vector<16xf32>,
          %add3A_247 = arith.constant 6 : i32
          %add3A_248 = vector.broadcast %add3A_247 : i32 to vector<16xi32>
          %add3A_249 = arith.addi %scan3A_182, %add3A_248 : vector<16xi32>
          %sub3A_250 = arith.subf %gather3A_217, %add3A_174 : vector<16xf32>
          tpu.vector_store_idx %arg11[%add3A_249], %sub3A_250 : memref<16512xf32, #tpu.memory_space<vmem>>[vector<16xi32>], vector<16xf32>,
          %add3A_251 = arith.constant 7 : i32
          %add3A_252 = vector.broadcast %add3A_251 : i32 to vector<16xi32>
          %add3A_253 = arith.addi %scan3A_182, %add3A_252 : vector<16xi32>
          %sub3A_254 = arith.subf %gather3A_222, %add3A_174 : vector<16xf32>
          tpu.vector_store_idx %arg11[%add3A_253], %sub3A_254 : memref<16512xf32, #tpu.memory_space<vmem>>[vector<16xi32>], vector<16xf32>,
          %slice3A_255 = vector.extract_strided_slice %get3A_185 {offsets = [8], sizes = [1], strides = [1]} : vector<16xi32> to vector<1xi32>
          %squeeze3A_256 = vector.extract %slice3A_255[0] : i32 from vector<1xi32>
          %add3A_257 = vector.broadcast %squeeze3A_256 : i32 to vector<16xi32>
          %add3A_258 = arith.addi %add3A_113, %add3A_257 : vector<16xi32>
          %gather3A_259 = tpu.vector_load_idx %arg10[%add3A_258] : memref<16512xf32, #tpu.memory_space<vmem>>[vector<16xi32>], vector<16xf32>,
          %slice3A_260 = vector.extract_strided_slice %get3A_185 {offsets = [9], sizes = [1], strides = [1]} : vector<16xi32> to vector<1xi32>
          %squeeze3A_261 = vector.extract %slice3A_260[0] : i32 from vector<1xi32>
          %add3A_262 = vector.broadcast %squeeze3A_261 : i32 to vector<16xi32>
          %add3A_263 = arith.addi %add3A_113, %add3A_262 : vector<16xi32>
          %gather3A_264 = tpu.vector_load_idx %arg10[%add3A_263] : memref<16512xf32, #tpu.memory_space<vmem>>[vector<16xi32>], vector<16xf32>,
          %slice3A_265 = vector.extract_strided_slice %get3A_185 {offsets = [10], sizes = [1], strides = [1]} : vector<16xi32> to vector<1xi32>
          %squeeze3A_266 = vector.extract %slice3A_265[0] : i32 from vector<1xi32>
          %add3A_267 = vector.broadcast %squeeze3A_266 : i32 to vector<16xi32>
          %add3A_268 = arith.addi %add3A_113, %add3A_267 : vector<16xi32>
          %gather3A_269 = tpu.vector_load_idx %arg10[%add3A_268] : memref<16512xf32, #tpu.memory_space<vmem>>[vector<16xi32>], vector<16xf32>,
          %slice3A_270 = vector.extract_strided_slice %get3A_185 {offsets = [11], sizes = [1], strides = [1]} : vector<16xi32> to vector<1xi32>
          %squeeze3A_271 = vector.extract %slice3A_270[0] : i32 from vector<1xi32>
          %add3A_272 = vector.broadcast %squeeze3A_271 : i32 to vector<16xi32>
          %add3A_273 = arith.addi %add3A_113, %add3A_272 : vector<16xi32>
          %gather3A_274 = tpu.vector_load_idx %arg10[%add3A_273] : memref<16512xf32, #tpu.memory_space<vmem>>[vector<16xi32>], vector<16xf32>,
          %slice3A_275 = vector.extract_strided_slice %get3A_185 {offsets = [12], sizes = [1], strides = [1]} : vector<16xi32> to vector<1xi32>
          %squeeze3A_276 = vector.extract %slice3A_275[0] : i32 from vector<1xi32>
          %add3A_277 = vector.broadcast %squeeze3A_276 : i32 to vector<16xi32>
          %add3A_278 = arith.addi %add3A_113, %add3A_277 : vector<16xi32>
          %gather3A_279 = tpu.vector_load_idx %arg10[%add3A_278] : memref<16512xf32, #tpu.memory_space<vmem>>[vector<16xi32>], vector<16xf32>,
          %slice3A_280 = vector.extract_strided_slice %get3A_185 {offsets = [13], sizes = [1], strides = [1]} : vector<16xi32> to vector<1xi32>
          %squeeze3A_281 = vector.extract %slice3A_280[0] : i32 from vector<1xi32>
          %add3A_282 = vector.broadcast %squeeze3A_281 : i32 to vector<16xi32>
          %add3A_283 = arith.addi %add3A_113, %add3A_282 : vector<16xi32>
          %gather3A_284 = tpu.vector_load_idx %arg10[%add3A_283] : memref<16512xf32, #tpu.memory_space<vmem>>[vector<16xi32>], vector<16xf32>,
          %slice3A_285 = vector.extract_strided_slice %get3A_185 {offsets = [14], sizes = [1], strides = [1]} : vector<16xi32> to vector<1xi32>
          %squeeze3A_286 = vector.extract %slice3A_285[0] : i32 from vector<1xi32>
          %add3A_287 = vector.broadcast %squeeze3A_286 : i32 to vector<16xi32>
          %add3A_288 = arith.addi %add3A_113, %add3A_287 : vector<16xi32>
          %gather3A_289 = tpu.vector_load_idx %arg10[%add3A_288] : memref<16512xf32, #tpu.memory_space<vmem>>[vector<16xi32>], vector<16xf32>,
          %slice3A_290 = vector.extract_strided_slice %get3A_185 {offsets = [15], sizes = [1], strides = [1]} : vector<16xi32> to vector<1xi32>
          %squeeze3A_291 = vector.extract %slice3A_290[0] : i32 from vector<1xi32>
          %add3A_292 = vector.broadcast %squeeze3A_291 : i32 to vector<16xi32>
          %add3A_293 = arith.addi %add3A_113, %add3A_292 : vector<16xi32>
          %gather3A_294 = tpu.vector_load_idx %arg10[%add3A_293] : memref<16512xf32, #tpu.memory_space<vmem>>[vector<16xi32>], vector<16xf32>,
          %add3A_295 = arith.constant 8 : i32
          %add3A_296 = vector.broadcast %add3A_295 : i32 to vector<16xi32>
          %add3A_297 = arith.addi %scan3A_182, %add3A_296 : vector<16xi32>
          %sub3A_298 = arith.subf %gather3A_259, %add3A_174 : vector<16xf32>
          tpu.vector_store_idx %arg11[%add3A_297], %sub3A_298 : memref<16512xf32, #tpu.memory_space<vmem>>[vector<16xi32>], vector<16xf32>,
          %add3A_299 = arith.constant 9 : i32
          %add3A_300 = vector.broadcast %add3A_299 : i32 to vector<16xi32>
          %add3A_301 = arith.addi %scan3A_182, %add3A_300 : vector<16xi32>
          %sub3A_302 = arith.subf %gather3A_264, %add3A_174 : vector<16xf32>
          tpu.vector_store_idx %arg11[%add3A_301], %sub3A_302 : memref<16512xf32, #tpu.memory_space<vmem>>[vector<16xi32>], vector<16xf32>,
          %add3A_303 = arith.constant 10 : i32
          %add3A_304 = vector.broadcast %add3A_303 : i32 to vector<16xi32>
          %add3A_305 = arith.addi %scan3A_182, %add3A_304 : vector<16xi32>
          %sub3A_306 = arith.subf %gather3A_269, %add3A_174 : vector<16xf32>
          tpu.vector_store_idx %arg11[%add3A_305], %sub3A_306 : memref<16512xf32, #tpu.memory_space<vmem>>[vector<16xi32>], vector<16xf32>,
          %add3A_307 = arith.constant 11 : i32
          %add3A_308 = vector.broadcast %add3A_307 : i32 to vector<16xi32>
          %add3A_309 = arith.addi %scan3A_182, %add3A_308 : vector<16xi32>
          %sub3A_310 = arith.subf %gather3A_274, %add3A_174 : vector<16xf32>
          tpu.vector_store_idx %arg11[%add3A_309], %sub3A_310 : memref<16512xf32, #tpu.memory_space<vmem>>[vector<16xi32>], vector<16xf32>,
          %add3A_311 = arith.constant 12 : i32
          %add3A_312 = vector.broadcast %add3A_311 : i32 to vector<16xi32>
          %add3A_313 = arith.addi %scan3A_182, %add3A_312 : vector<16xi32>
          %sub3A_314 = arith.subf %gather3A_279, %add3A_174 : vector<16xf32>
          tpu.vector_store_idx %arg11[%add3A_313], %sub3A_314 : memref<16512xf32, #tpu.memory_space<vmem>>[vector<16xi32>], vector<16xf32>,
          %add3A_315 = arith.constant 13 : i32
          %add3A_316 = vector.broadcast %add3A_315 : i32 to vector<16xi32>
          %add3A_317 = arith.addi %scan3A_182, %add3A_316 : vector<16xi32>
          %sub3A_318 = arith.subf %gather3A_284, %add3A_174 : vector<16xf32>
          tpu.vector_store_idx %arg11[%add3A_317], %sub3A_318 : memref<16512xf32, #tpu.memory_space<vmem>>[vector<16xi32>], vector<16xf32>,
          %add3A_319 = arith.constant 14 : i32
          %add3A_320 = vector.broadcast %add3A_319 : i32 to vector<16xi32>
          %add3A_321 = arith.addi %scan3A_182, %add3A_320 : vector<16xi32>
          %sub3A_322 = arith.subf %gather3A_289, %add3A_174 : vector<16xf32>
          tpu.vector_store_idx %arg11[%add3A_321], %sub3A_322 : memref<16512xf32, #tpu.memory_space<vmem>>[vector<16xi32>], vector<16xf32>,
          %add3A_323 = arith.constant 15 : i32
          %add3A_324 = vector.broadcast %add3A_323 : i32 to vector<16xi32>
          %add3A_325 = arith.addi %scan3A_182, %add3A_324 : vector<16xi32>
          %sub3A_326 = arith.subf %gather3A_294, %add3A_174 : vector<16xf32>
          tpu.vector_store_idx %arg11[%add3A_325], %sub3A_326 : memref<16512xf32, #tpu.memory_space<vmem>>[vector<16xi32>], vector<16xf32>,
          %add3A_327 = arith.constant 16 : i32
          %add3A_328 = vector.broadcast %add3A_327 : i32 to vector<16xi32>
          %add3A_329 = arith.addi %scan3A_182, %add3A_328 : vector<16xi32>
          scf.yield %add3A_329 : vector<16xi32>
        }
        %scan3A_180 = arith.constant 8 : i32
      }
      %scan3A_89 = arith.constant 8 : i32
      %scan3A_90 = arith.constant 0 : i32
      %scan3A_91 = arith.constant 0 : i32
      %scan3A_92 = arith.constant 32 : i32
      %scan3A_93 = arith.addi %scan3A_91, %scan3A_92 : i32
      %scan3A_94 = arith.constant 1 : i32
      scf.for %scan3A_106 = %scan3A_91 to %scan3A_93 step %scan3A_94  : i32 {
        %mul3A_107 = arith.constant 4 : i32
        %mul3A_108 = arith.muli %mul3A_107, %scan3A_106 : i32
        %add3A_109 = arith.constant 0 : i32
        %add3A_110 = arith.addi %mul3A_108, %add3A_109 : i32
        %mul3A_111 = arith.constant 129 : i32
        %mul3A_112 = arith.muli %add3A_110, %mul3A_111 : i32
        %mul3A_113 = arith.constant 4 : i32
        %mul3A_114 = arith.muli %mul3A_113, %scan3A_106 : i32
        %add3A_115 = arith.constant 0 : i32
        %add3A_116 = arith.addi %mul3A_114, %add3A_115 : i32
        %mul3A_117 = arith.constant 128 : i32
        %mul3A_118 = arith.muli %add3A_116, %mul3A_117 : i32
        %add3A_119 = arith.constant 0 : i32
        %add3A_120 = arith.addi %mul3A_112, %add3A_119 : i32
        %get3A = arith.index_cast %add3A_120 : i32 to index
        %get3A_121 = tpu.vector_load %arg11[%get3A] {strides = array<i32>} : memref<16512xf32, #tpu.memory_space<vmem>>, vector<16xf32>,
        %add3A_122 = arith.constant 0 : i32
        %add3A_123 = arith.addi %mul3A_118, %add3A_122 : i32
        %swap3A = arith.index_cast %add3A_123 : i32 to index
        %swap3A_124 = tpu.vector_load %arg9[%swap3A] {strides = array<i32>} : memref<16384xf32, #tpu.memory_space<vmem>>, vector<16xf32>,
        tpu.vector_store %arg9[%swap3A], %get3A_121 {strides = array<i32>} : memref<16384xf32, #tpu.memory_space<vmem>>, vector<16xf32>,
        %add3A_125 = arith.constant 16 : i32
        %add3A_126 = arith.addi %mul3A_112, %add3A_125 : i32
        %get3A_127 = arith.index_cast %add3A_126 : i32 to index
        %get3A_128 = tpu.vector_load %arg11[%get3A_127] {strides = array<i32>} : memref<16512xf32, #tpu.memory_space<vmem>>, vector<16xf32>,
        %add3A_129 = arith.constant 16 : i32
        %add3A_130 = arith.addi %mul3A_118, %add3A_129 : i32
        %swap3A_131 = arith.index_cast %add3A_130 : i32 to index
        %swap3A_132 = tpu.vector_load %arg9[%swap3A_131] {strides = array<i32>} : memref<16384xf32, #tpu.memory_space<vmem>>, vector<16xf32>,
        tpu.vector_store %arg9[%swap3A_131], %get3A_128 {strides = array<i32>} : memref<16384xf32, #tpu.memory_space<vmem>>, vector<16xf32>,
        %add3A_133 = arith.constant 32 : i32
        %add3A_134 = arith.addi %mul3A_112, %add3A_133 : i32
        %get3A_135 = arith.index_cast %add3A_134 : i32 to index
        %get3A_136 = tpu.vector_load %arg11[%get3A_135] {strides = array<i32>} : memref<16512xf32, #tpu.memory_space<vmem>>, vector<16xf32>,
        %add3A_137 = arith.constant 32 : i32
        %add3A_138 = arith.addi %mul3A_118, %add3A_137 : i32
        %swap3A_139 = arith.index_cast %add3A_138 : i32 to index
        %swap3A_140 = tpu.vector_load %arg9[%swap3A_139] {strides = array<i32>} : memref<16384xf32, #tpu.memory_space<vmem>>, vector<16xf32>,
        tpu.vector_store %arg9[%swap3A_139], %get3A_136 {strides = array<i32>} : memref<16384xf32, #tpu.memory_space<vmem>>, vector<16xf32>,
        %add3A_141 = arith.constant 48 : i32
        %add3A_142 = arith.addi %mul3A_112, %add3A_141 : i32
        %get3A_143 = arith.index_cast %add3A_142 : i32 to index
        %get3A_144 = tpu.vector_load %arg11[%get3A_143] {strides = array<i32>} : memref<16512xf32, #tpu.memory_space<vmem>>, vector<16xf32>,
        %add3A_145 = arith.constant 48 : i32
        %add3A_146 = arith.addi %mul3A_118, %add3A_145 : i32
        %swap3A_147 = arith.index_cast %add3A_146 : i32 to index
        %swap3A_148 = tpu.vector_load %arg9[%swap3A_147] {strides = array<i32>} : memref<16384xf32, #tpu.memory_space<vmem>>, vector<16xf32>,
        tpu.vector_store %arg9[%swap3A_147], %get3A_144 {strides = array<i32>} : memref<16384xf32, #tpu.memory_space<vmem>>, vector<16xf32>,
        %add3A_149 = arith.constant 64 : i32
        %add3A_150 = arith.addi %mul3A_112, %add3A_149 : i32
        %get3A_151 = arith.index_cast %add3A_150 : i32 to index
        %get3A_152 = tpu.vector_load %arg11[%get3A_151] {strides = array<i32>} : memref<16512xf32, #tpu.memory_space<vmem>>, vector<16xf32>,
        %add3A_153 = arith.constant 64 : i32
        %add3A_154 = arith.addi %mul3A_118, %add3A_153 : i32
        %swap3A_155 = arith.index_cast %add3A_154 : i32 to index
        %swap3A_156 = tpu.vector_load %arg9[%swap3A_155] {strides = array<i32>} : memref<16384xf32, #tpu.memory_space<vmem>>, vector<16xf32>,
        tpu.vector_store %arg9[%swap3A_155], %get3A_152 {strides = array<i32>} : memref<16384xf32, #tpu.memory_space<vmem>>, vector<16xf32>,
        %add3A_157 = arith.constant 80 : i32
        %add3A_158 = arith.addi %mul3A_112, %add3A_157 : i32
        %get3A_159 = arith.index_cast %add3A_158 : i32 to index
        %get3A_160 = tpu.vector_load %arg11[%get3A_159] {strides = array<i32>} : memref<16512xf32, #tpu.memory_space<vmem>>, vector<16xf32>,
        %add3A_161 = arith.constant 80 : i32
        %add3A_162 = arith.addi %mul3A_118, %add3A_161 : i32
        %swap3A_163 = arith.index_cast %add3A_162 : i32 to index
        %swap3A_164 = tpu.vector_load %arg9[%swap3A_163] {strides = array<i32>} : memref<16384xf32, #tpu.memory_space<vmem>>, vector<16xf32>,
        tpu.vector_store %arg9[%swap3A_163], %get3A_160 {strides = array<i32>} : memref<16384xf32, #tpu.memory_space<vmem>>, vector<16xf32>,
        %add3A_165 = arith.constant 96 : i32
        %add3A_166 = arith.addi %mul3A_112, %add3A_165 : i32
        %get3A_167 = arith.index_cast %add3A_166 : i32 to index
        %get3A_168 = tpu.vector_load %arg11[%get3A_167] {strides = array<i32>} : memref<16512xf32, #tpu.memory_space<vmem>>, vector<16xf32>,
        %add3A_169 = arith.constant 96 : i32
        %add3A_170 = arith.addi %mul3A_118, %add3A_169 : i32
        %swap3A_171 = arith.index_cast %add3A_170 : i32 to index
        %swap3A_172 = tpu.vector_load %arg9[%swap3A_171] {strides = array<i32>} : memref<16384xf32, #tpu.memory_space<vmem>>, vector<16xf32>,
        tpu.vector_store %arg9[%swap3A_171], %get3A_168 {strides = array<i32>} : memref<16384xf32, #tpu.memory_space<vmem>>, vector<16xf32>,
        %add3A_173 = arith.constant 112 : i32
        %add3A_174 = arith.addi %mul3A_112, %add3A_173 : i32
        %get3A_175 = arith.index_cast %add3A_174 : i32 to index
        %get3A_176 = tpu.vector_load %arg11[%get3A_175] {strides = array<i32>} : memref<16512xf32, #tpu.memory_space<vmem>>, vector<16xf32>,
        %add3A_177 = arith.constant 112 : i32
        %add3A_178 = arith.addi %mul3A_118, %add3A_177 : i32
        %swap3A_179 = arith.index_cast %add3A_178 : i32 to index
        %swap3A_180 = tpu.vector_load %arg9[%swap3A_179] {strides = array<i32>} : memref<16384xf32, #tpu.memory_space<vmem>>, vector<16xf32>,
        tpu.vector_store %arg9[%swap3A_179], %get3A_176 {strides = array<i32>} : memref<16384xf32, #tpu.memory_space<vmem>>, vector<16xf32>,
        %mul3A_181 = arith.constant 4 : i32
        %mul3A_182 = arith.muli %mul3A_181, %scan3A_106 : i32
        %add3A_183 = arith.constant 1 : i32
        %add3A_184 = arith.addi %mul3A_182, %add3A_183 : i32
        %mul3A_185 = arith.constant 129 : i32
        %mul3A_186 = arith.muli %add3A_184, %mul3A_185 : i32
        %mul3A_187 = arith.constant 4 : i32
        %mul3A_188 = arith.muli %mul3A_187, %scan3A_106 : i32
        %add3A_189 = arith.constant 1 : i32
        %add3A_190 = arith.addi %mul3A_188, %add3A_189 : i32
        %mul3A_191 = arith.constant 128 : i32
        %mul3A_192 = arith.muli %add3A_190, %mul3A_191 : i32
        %add3A_193 = arith.constant 0 : i32
        %add3A_194 = arith.addi %mul3A_186, %add3A_193 : i32
        %get3A_195 = arith.index_cast %add3A_194 : i32 to index
        %get3A_196 = tpu.vector_load %arg11[%get3A_195] {strides = array<i32>} : memref<16512xf32, #tpu.memory_space<vmem>>, vector<16xf32>,
        %add3A_197 = arith.constant 0 : i32
        %add3A_198 = arith.addi %mul3A_192, %add3A_197 : i32
        %swap3A_199 = arith.index_cast %add3A_198 : i32 to index
        %swap3A_200 = tpu.vector_load %arg9[%swap3A_199] {strides = array<i32>} : memref<16384xf32, #tpu.memory_space<vmem>>, vector<16xf32>,
        tpu.vector_store %arg9[%swap3A_199], %get3A_196 {strides = array<i32>} : memref<16384xf32, #tpu.memory_space<vmem>>, vector<16xf32>,
        %add3A_201 = arith.constant 16 : i32
        %add3A_202 = arith.addi %mul3A_186, %add3A_201 : i32
        %get3A_203 = arith.index_cast %add3A_202 : i32 to index
        %get3A_204 = tpu.vector_load %arg11[%get3A_203] {strides = array<i32>} : memref<16512xf32, #tpu.memory_space<vmem>>, vector<16xf32>,
        %add3A_205 = arith.constant 16 : i32
        %add3A_206 = arith.addi %mul3A_192, %add3A_205 : i32
        %swap3A_207 = arith.index_cast %add3A_206 : i32 to index
        %swap3A_208 = tpu.vector_load %arg9[%swap3A_207] {strides = array<i32>} : memref<16384xf32, #tpu.memory_space<vmem>>, vector<16xf32>,
        tpu.vector_store %arg9[%swap3A_207], %get3A_204 {strides = array<i32>} : memref<16384xf32, #tpu.memory_space<vmem>>, vector<16xf32>,
        %add3A_209 = arith.constant 32 : i32
        %add3A_210 = arith.addi %mul3A_186, %add3A_209 : i32
        %get3A_211 = arith.index_cast %add3A_210 : i32 to index
        %get3A_212 = tpu.vector_load %arg11[%get3A_211] {strides = array<i32>} : memref<16512xf32, #tpu.memory_space<vmem>>, vector<16xf32>,
        %add3A_213 = arith.constant 32 : i32
        %add3A_214 = arith.addi %mul3A_192, %add3A_213 : i32
        %swap3A_215 = arith.index_cast %add3A_214 : i32 to index
        %swap3A_216 = tpu.vector_load %arg9[%swap3A_215] {strides = array<i32>} : memref<16384xf32, #tpu.memory_space<vmem>>, vector<16xf32>,
        tpu.vector_store %arg9[%swap3A_215], %get3A_212 {strides = array<i32>} : memref<16384xf32, #tpu.memory_space<vmem>>, vector<16xf32>,
        %add3A_217 = arith.constant 48 : i32
        %add3A_218 = arith.addi %mul3A_186, %add3A_217 : i32
        %get3A_219 = arith.index_cast %add3A_218 : i32 to index
        %get3A_220 = tpu.vector_load %arg11[%get3A_219] {strides = array<i32>} : memref<16512xf32, #tpu.memory_space<vmem>>, vector<16xf32>,
        %add3A_221 = arith.constant 48 : i32
        %add3A_222 = arith.addi %mul3A_192, %add3A_221 : i32
        %swap3A_223 = arith.index_cast %add3A_222 : i32 to index
        %swap3A_224 = tpu.vector_load %arg9[%swap3A_223] {strides = array<i32>} : memref<16384xf32, #tpu.memory_space<vmem>>, vector<16xf32>,
        tpu.vector_store %arg9[%swap3A_223], %get3A_220 {strides = array<i32>} : memref<16384xf32, #tpu.memory_space<vmem>>, vector<16xf32>,
        %add3A_225 = arith.constant 64 : i32
        %add3A_226 = arith.addi %mul3A_186, %add3A_225 : i32
        %get3A_227 = arith.index_cast %add3A_226 : i32 to index
        %get3A_228 = tpu.vector_load %arg11[%get3A_227] {strides = array<i32>} : memref<16512xf32, #tpu.memory_space<vmem>>, vector<16xf32>,
        %add3A_229 = arith.constant 64 : i32
        %add3A_230 = arith.addi %mul3A_192, %add3A_229 : i32
        %swap3A_231 = arith.index_cast %add3A_230 : i32 to index
        %swap3A_232 = tpu.vector_load %arg9[%swap3A_231] {strides = array<i32>} : memref<16384xf32, #tpu.memory_space<vmem>>, vector<16xf32>,
        tpu.vector_store %arg9[%swap3A_231], %get3A_228 {strides = array<i32>} : memref<16384xf32, #tpu.memory_space<vmem>>, vector<16xf32>,
        %add3A_233 = arith.constant 80 : i32
        %add3A_234 = arith.addi %mul3A_186, %add3A_233 : i32
        %get3A_235 = arith.index_cast %add3A_234 : i32 to index
        %get3A_236 = tpu.vector_load %arg11[%get3A_235] {strides = array<i32>} : memref<16512xf32, #tpu.memory_space<vmem>>, vector<16xf32>,
        %add3A_237 = arith.constant 80 : i32
        %add3A_238 = arith.addi %mul3A_192, %add3A_237 : i32
        %swap3A_239 = arith.index_cast %add3A_238 : i32 to index
        %swap3A_240 = tpu.vector_load %arg9[%swap3A_239] {strides = array<i32>} : memref<16384xf32, #tpu.memory_space<vmem>>, vector<16xf32>,
        tpu.vector_store %arg9[%swap3A_239], %get3A_236 {strides = array<i32>} : memref<16384xf32, #tpu.memory_space<vmem>>, vector<16xf32>,
        %add3A_241 = arith.constant 96 : i32
        %add3A_242 = arith.addi %mul3A_186, %add3A_241 : i32
        %get3A_243 = arith.index_cast %add3A_242 : i32 to index
        %get3A_244 = tpu.vector_load %arg11[%get3A_243] {strides = array<i32>} : memref<16512xf32, #tpu.memory_space<vmem>>, vector<16xf32>,
        %add3A_245 = arith.constant 96 : i32
        %add3A_246 = arith.addi %mul3A_192, %add3A_245 : i32
        %swap3A_247 = arith.index_cast %add3A_246 : i32 to index
        %swap3A_248 = tpu.vector_load %arg9[%swap3A_247] {strides = array<i32>} : memref<16384xf32, #tpu.memory_space<vmem>>, vector<16xf32>,
        tpu.vector_store %arg9[%swap3A_247], %get3A_244 {strides = array<i32>} : memref<16384xf32, #tpu.memory_space<vmem>>, vector<16xf32>,
        %add3A_249 = arith.constant 112 : i32
        %add3A_250 = arith.addi %mul3A_186, %add3A_249 : i32
        %get3A_251 = arith.index_cast %add3A_250 : i32 to index
        %get3A_252 = tpu.vector_load %arg11[%get3A_251] {strides = array<i32>} : memref<16512xf32, #tpu.memory_space<vmem>>, vector<16xf32>,
        %add3A_253 = arith.constant 112 : i32
        %add3A_254 = arith.addi %mul3A_192, %add3A_253 : i32
        %swap3A_255 = arith.index_cast %add3A_254 : i32 to index
        %swap3A_256 = tpu.vector_load %arg9[%swap3A_255] {strides = array<i32>} : memref<16384xf32, #tpu.memory_space<vmem>>, vector<16xf32>,
        tpu.vector_store %arg9[%swap3A_255], %get3A_252 {strides = array<i32>} : memref<16384xf32, #tpu.memory_space<vmem>>, vector<16xf32>,
        %mul3A_257 = arith.constant 4 : i32
        %mul3A_258 = arith.muli %mul3A_257, %scan3A_106 : i32
        %add3A_259 = arith.constant 2 : i32
        %add3A_260 = arith.addi %mul3A_258, %add3A_259 : i32
        %mul3A_261 = arith.constant 129 : i32
        %mul3A_262 = arith.muli %add3A_260, %mul3A_261 : i32
        %mul3A_263 = arith.constant 4 : i32
        %mul3A_264 = arith.muli %mul3A_263, %scan3A_106 : i32
        %add3A_265 = arith.constant 2 : i32
        %add3A_266 = arith.addi %mul3A_264, %add3A_265 : i32
        %mul3A_267 = arith.constant 128 : i32
        %mul3A_268 = arith.muli %add3A_266, %mul3A_267 : i32
        %add3A_269 = arith.constant 0 : i32
        %add3A_270 = arith.addi %mul3A_262, %add3A_269 : i32
        %get3A_271 = arith.index_cast %add3A_270 : i32 to index
        %get3A_272 = tpu.vector_load %arg11[%get3A_271] {strides = array<i32>} : memref<16512xf32, #tpu.memory_space<vmem>>, vector<16xf32>,
        %add3A_273 = arith.constant 0 : i32
        %add3A_274 = arith.addi %mul3A_268, %add3A_273 : i32
        %swap3A_275 = arith.index_cast %add3A_274 : i32 to index
        %swap3A_276 = tpu.vector_load %arg9[%swap3A_275] {strides = array<i32>} : memref<16384xf32, #tpu.memory_space<vmem>>, vector<16xf32>,
        tpu.vector_store %arg9[%swap3A_275], %get3A_272 {strides = array<i32>} : memref<16384xf32, #tpu.memory_space<vmem>>, vector<16xf32>,
        %add3A_277 = arith.constant 16 : i32
        %add3A_278 = arith.addi %mul3A_262, %add3A_277 : i32
        %get3A_279 = arith.index_cast %add3A_278 : i32 to index
        %get3A_280 = tpu.vector_load %arg11[%get3A_279] {strides = array<i32>} : memref<16512xf32, #tpu.memory_space<vmem>>, vector<16xf32>,
        %add3A_281 = arith.constant 16 : i32
        %add3A_282 = arith.addi %mul3A_268, %add3A_281 : i32
        %swap3A_283 = arith.index_cast %add3A_282 : i32 to index
        %swap3A_284 = tpu.vector_load %arg9[%swap3A_283] {strides = array<i32>} : memref<16384xf32, #tpu.memory_space<vmem>>, vector<16xf32>,
        tpu.vector_store %arg9[%swap3A_283], %get3A_280 {strides = array<i32>} : memref<16384xf32, #tpu.memory_space<vmem>>, vector<16xf32>,
        %add3A_285 = arith.constant 32 : i32
        %add3A_286 = arith.addi %mul3A_262, %add3A_285 : i32
        %get3A_287 = arith.index_cast %add3A_286 : i32 to index
        %get3A_288 = tpu.vector_load %arg11[%get3A_287] {strides = array<i32>} : memref<16512xf32, #tpu.memory_space<vmem>>, vector<16xf32>,
        %add3A_289 = arith.constant 32 : i32
        %add3A_290 = arith.addi %mul3A_268, %add3A_289 : i32
        %swap3A_291 = arith.index_cast %add3A_290 : i32 to index
        %swap3A_292 = tpu.vector_load %arg9[%swap3A_291] {strides = array<i32>} : memref<16384xf32, #tpu.memory_space<vmem>>, vector<16xf32>,
        tpu.vector_store %arg9[%swap3A_291], %get3A_288 {strides = array<i32>} : memref<16384xf32, #tpu.memory_space<vmem>>, vector<16xf32>,
        %add3A_293 = arith.constant 48 : i32
        %add3A_294 = arith.addi %mul3A_262, %add3A_293 : i32
        %get3A_295 = arith.index_cast %add3A_294 : i32 to index
        %get3A_296 = tpu.vector_load %arg11[%get3A_295] {strides = array<i32>} : memref<16512xf32, #tpu.memory_space<vmem>>, vector<16xf32>,
        %add3A_297 = arith.constant 48 : i32
        %add3A_298 = arith.addi %mul3A_268, %add3A_297 : i32
        %swap3A_299 = arith.index_cast %add3A_298 : i32 to index
        %swap3A_300 = tpu.vector_load %arg9[%swap3A_299] {strides = array<i32>} : memref<16384xf32, #tpu.memory_space<vmem>>, vector<16xf32>,
        tpu.vector_store %arg9[%swap3A_299], %get3A_296 {strides = array<i32>} : memref<16384xf32, #tpu.memory_space<vmem>>, vector<16xf32>,
        %add3A_301 = arith.constant 64 : i32
        %add3A_302 = arith.addi %mul3A_262, %add3A_301 : i32
        %get3A_303 = arith.index_cast %add3A_302 : i32 to index
        %get3A_304 = tpu.vector_load %arg11[%get3A_303] {strides = array<i32>} : memref<16512xf32, #tpu.memory_space<vmem>>, vector<16xf32>,
        %add3A_305 = arith.constant 64 : i32
        %add3A_306 = arith.addi %mul3A_268, %add3A_305 : i32
        %swap3A_307 = arith.index_cast %add3A_306 : i32 to index
        %swap3A_308 = tpu.vector_load %arg9[%swap3A_307] {strides = array<i32>} : memref<16384xf32, #tpu.memory_space<vmem>>, vector<16xf32>,
        tpu.vector_store %arg9[%swap3A_307], %get3A_304 {strides = array<i32>} : memref<16384xf32, #tpu.memory_space<vmem>>, vector<16xf32>,
        %add3A_309 = arith.constant 80 : i32
        %add3A_310 = arith.addi %mul3A_262, %add3A_309 : i32
        %get3A_311 = arith.index_cast %add3A_310 : i32 to index
        %get3A_312 = tpu.vector_load %arg11[%get3A_311] {strides = array<i32>} : memref<16512xf32, #tpu.memory_space<vmem>>, vector<16xf32>,
        %add3A_313 = arith.constant 80 : i32
        %add3A_314 = arith.addi %mul3A_268, %add3A_313 : i32
        %swap3A_315 = arith.index_cast %add3A_314 : i32 to index
        %swap3A_316 = tpu.vector_load %arg9[%swap3A_315] {strides = array<i32>} : memref<16384xf32, #tpu.memory_space<vmem>>, vector<16xf32>,
        tpu.vector_store %arg9[%swap3A_315], %get3A_312 {strides = array<i32>} : memref<16384xf32, #tpu.memory_space<vmem>>, vector<16xf32>,
        %add3A_317 = arith.constant 96 : i32
        %add3A_318 = arith.addi %mul3A_262, %add3A_317 : i32
        %get3A_319 = arith.index_cast %add3A_318 : i32 to index
        %get3A_320 = tpu.vector_load %arg11[%get3A_319] {strides = array<i32>} : memref<16512xf32, #tpu.memory_space<vmem>>, vector<16xf32>,
        %add3A_321 = arith.constant 96 : i32
        %add3A_322 = arith.addi %mul3A_268, %add3A_321 : i32
        %swap3A_323 = arith.index_cast %add3A_322 : i32 to index
        %swap3A_324 = tpu.vector_load %arg9[%swap3A_323] {strides = array<i32>} : memref<16384xf32, #tpu.memory_space<vmem>>, vector<16xf32>,
        tpu.vector_store %arg9[%swap3A_323], %get3A_320 {strides = array<i32>} : memref<16384xf32, #tpu.memory_space<vmem>>, vector<16xf32>,
        %add3A_325 = arith.constant 112 : i32
        %add3A_326 = arith.addi %mul3A_262, %add3A_325 : i32
        %get3A_327 = arith.index_cast %add3A_326 : i32 to index
        %get3A_328 = tpu.vector_load %arg11[%get3A_327] {strides = array<i32>} : memref<16512xf32, #tpu.memory_space<vmem>>, vector<16xf32>,
        %add3A_329 = arith.constant 112 : i32
        %add3A_330 = arith.addi %mul3A_268, %add3A_329 : i32
        %swap3A_331 = arith.index_cast %add3A_330 : i32 to index
        %swap3A_332 = tpu.vector_load %arg9[%swap3A_331] {strides = array<i32>} : memref<16384xf32, #tpu.memory_space<vmem>>, vector<16xf32>,
        tpu.vector_store %arg9[%swap3A_331], %get3A_328 {strides = array<i32>} : memref<16384xf32, #tpu.memory_space<vmem>>, vector<16xf32>,
        %mul3A_333 = arith.constant 4 : i32
        %mul3A_334 = arith.muli %mul3A_333, %scan3A_106 : i32
        %add3A_335 = arith.constant 3 : i32
        %add3A_336 = arith.addi %mul3A_334, %add3A_335 : i32
        %mul3A_337 = arith.constant 129 : i32
        %mul3A_338 = arith.muli %add3A_336, %mul3A_337 : i32
        %mul3A_339 = arith.constant 4 : i32
        %mul3A_340 = arith.muli %mul3A_339, %scan3A_106 : i32
        %add3A_341 = arith.constant 3 : i32
        %add3A_342 = arith.addi %mul3A_340, %add3A_341 : i32
        %mul3A_343 = arith.constant 128 : i32
        %mul3A_344 = arith.muli %add3A_342, %mul3A_343 : i32
        %add3A_345 = arith.constant 0 : i32
        %add3A_346 = arith.addi %mul3A_338, %add3A_345 : i32
        %get3A_347 = arith.index_cast %add3A_346 : i32 to index
        %get3A_348 = tpu.vector_load %arg11[%get3A_347] {strides = array<i32>} : memref<16512xf32, #tpu.memory_space<vmem>>, vector<16xf32>,
        %add3A_349 = arith.constant 0 : i32
        %add3A_350 = arith.addi %mul3A_344, %add3A_349 : i32
        %swap3A_351 = arith.index_cast %add3A_350 : i32 to index
        %swap3A_352 = tpu.vector_load %arg9[%swap3A_351] {strides = array<i32>} : memref<16384xf32, #tpu.memory_space<vmem>>, vector<16xf32>,
        tpu.vector_store %arg9[%swap3A_351], %get3A_348 {strides = array<i32>} : memref<16384xf32, #tpu.memory_space<vmem>>, vector<16xf32>,
        %add3A_353 = arith.constant 16 : i32
        %add3A_354 = arith.addi %mul3A_338, %add3A_353 : i32
        %get3A_355 = arith.index_cast %add3A_354 : i32 to index
        %get3A_356 = tpu.vector_load %arg11[%get3A_355] {strides = array<i32>} : memref<16512xf32, #tpu.memory_space<vmem>>, vector<16xf32>,
        %add3A_357 = arith.constant 16 : i32
        %add3A_358 = arith.addi %mul3A_344, %add3A_357 : i32
        %swap3A_359 = arith.index_cast %add3A_358 : i32 to index
        %swap3A_360 = tpu.vector_load %arg9[%swap3A_359] {strides = array<i32>} : memref<16384xf32, #tpu.memory_space<vmem>>, vector<16xf32>,
        tpu.vector_store %arg9[%swap3A_359], %get3A_356 {strides = array<i32>} : memref<16384xf32, #tpu.memory_space<vmem>>, vector<16xf32>,
        %add3A_361 = arith.constant 32 : i32
        %add3A_362 = arith.addi %mul3A_338, %add3A_361 : i32
        %get3A_363 = arith.index_cast %add3A_362 : i32 to index
        %get3A_364 = tpu.vector_load %arg11[%get3A_363] {strides = array<i32>} : memref<16512xf32, #tpu.memory_space<vmem>>, vector<16xf32>,
        %add3A_365 = arith.constant 32 : i32
        %add3A_366 = arith.addi %mul3A_344, %add3A_365 : i32
        %swap3A_367 = arith.index_cast %add3A_366 : i32 to index
        %swap3A_368 = tpu.vector_load %arg9[%swap3A_367] {strides = array<i32>} : memref<16384xf32, #tpu.memory_space<vmem>>, vector<16xf32>,
        tpu.vector_store %arg9[%swap3A_367], %get3A_364 {strides = array<i32>} : memref<16384xf32, #tpu.memory_space<vmem>>, vector<16xf32>,
        %add3A_369 = arith.constant 48 : i32
        %add3A_370 = arith.addi %mul3A_338, %add3A_369 : i32
        %get3A_371 = arith.index_cast %add3A_370 : i32 to index
        %get3A_372 = tpu.vector_load %arg11[%get3A_371] {strides = array<i32>} : memref<16512xf32, #tpu.memory_space<vmem>>, vector<16xf32>,
        %add3A_373 = arith.constant 48 : i32
        %add3A_374 = arith.addi %mul3A_344, %add3A_373 : i32
        %swap3A_375 = arith.index_cast %add3A_374 : i32 to index
        %swap3A_376 = tpu.vector_load %arg9[%swap3A_375] {strides = array<i32>} : memref<16384xf32, #tpu.memory_space<vmem>>, vector<16xf32>,
        tpu.vector_store %arg9[%swap3A_375], %get3A_372 {strides = array<i32>} : memref<16384xf32, #tpu.memory_space<vmem>>, vector<16xf32>,
        %add3A_377 = arith.constant 64 : i32
        %add3A_378 = arith.addi %mul3A_338, %add3A_377 : i32
        %get3A_379 = arith.index_cast %add3A_378 : i32 to index
        %get3A_380 = tpu.vector_load %arg11[%get3A_379] {strides = array<i32>} : memref<16512xf32, #tpu.memory_space<vmem>>, vector<16xf32>,
        %add3A_381 = arith.constant 64 : i32
        %add3A_382 = arith.addi %mul3A_344, %add3A_381 : i32
        %swap3A_383 = arith.index_cast %add3A_382 : i32 to index
        %swap3A_384 = tpu.vector_load %arg9[%swap3A_383] {strides = array<i32>} : memref<16384xf32, #tpu.memory_space<vmem>>, vector<16xf32>,
        tpu.vector_store %arg9[%swap3A_383], %get3A_380 {strides = array<i32>} : memref<16384xf32, #tpu.memory_space<vmem>>, vector<16xf32>,
        %add3A_385 = arith.constant 80 : i32
        %add3A_386 = arith.addi %mul3A_338, %add3A_385 : i32
        %get3A_387 = arith.index_cast %add3A_386 : i32 to index
        %get3A_388 = tpu.vector_load %arg11[%get3A_387] {strides = array<i32>} : memref<16512xf32, #tpu.memory_space<vmem>>, vector<16xf32>,
        %add3A_389 = arith.constant 80 : i32
        %add3A_390 = arith.addi %mul3A_344, %add3A_389 : i32
        %swap3A_391 = arith.index_cast %add3A_390 : i32 to index
        %swap3A_392 = tpu.vector_load %arg9[%swap3A_391] {strides = array<i32>} : memref<16384xf32, #tpu.memory_space<vmem>>, vector<16xf32>,
        tpu.vector_store %arg9[%swap3A_391], %get3A_388 {strides = array<i32>} : memref<16384xf32, #tpu.memory_space<vmem>>, vector<16xf32>,
        %add3A_393 = arith.constant 96 : i32
        %add3A_394 = arith.addi %mul3A_338, %add3A_393 : i32
        %get3A_395 = arith.index_cast %add3A_394 : i32 to index
        %get3A_396 = tpu.vector_load %arg11[%get3A_395] {strides = array<i32>} : memref<16512xf32, #tpu.memory_space<vmem>>, vector<16xf32>,
        %add3A_397 = arith.constant 96 : i32
        %add3A_398 = arith.addi %mul3A_344, %add3A_397 : i32
        %swap3A_399 = arith.index_cast %add3A_398 : i32 to index
        %swap3A_400 = tpu.vector_load %arg9[%swap3A_399] {strides = array<i32>} : memref<16384xf32, #tpu.memory_space<vmem>>, vector<16xf32>,
        tpu.vector_store %arg9[%swap3A_399], %get3A_396 {strides = array<i32>} : memref<16384xf32, #tpu.memory_space<vmem>>, vector<16xf32>,
        %add3A_401 = arith.constant 112 : i32
        %add3A_402 = arith.addi %mul3A_338, %add3A_401 : i32
        %get3A_403 = arith.index_cast %add3A_402 : i32 to index
        %get3A_404 = tpu.vector_load %arg11[%get3A_403] {strides = array<i32>} : memref<16512xf32, #tpu.memory_space<vmem>>, vector<16xf32>,
        %add3A_405 = arith.constant 112 : i32
        %add3A_406 = arith.addi %mul3A_344, %add3A_405 : i32
        %swap3A_407 = arith.index_cast %add3A_406 : i32 to index
        %swap3A_408 = tpu.vector_load %arg9[%swap3A_407] {strides = array<i32>} : memref<16384xf32, #tpu.memory_space<vmem>>, vector<16xf32>,
        tpu.vector_store %arg9[%swap3A_407], %get3A_404 {strides = array<i32>} : memref<16384xf32, #tpu.memory_space<vmem>>, vector<16xf32>,
      }
      %scan3A_95 = arith.constant 32 : i32
      %mul3A_96 = arith.constant 16384 : i32
      %mul3A_97 = arith.muli %add3A_67, %mul3A_96 : i32
      %add3A_98 = arith.addi %mul3A_2, %mul3A_97 : i32
      %dma_start3A_99 = tpu.memref_slice %arg4[%add3A_98] : memref<16777216xf32, #tpu.memory_space<hbm>> -> memref<16384xf32, #tpu.memory_space<hbm>>
      %dma_start3A_100 = tpu.memref_slice %arg4[%add3A_98] : memref<16777216xf32, #tpu.memory_space<hbm>> -> memref<16384xf32, #tpu.memory_space<hbm>>
      tpu.enqueue_dma source(%arg9 : memref<16384xf32, #tpu.memory_space<vmem>>) target(%dma_start3A_100 : memref<16384xf32, #tpu.memory_space<hbm>>) target_semaphore(%arg15 : memref<!tpu.dma_semaphore, #tpu.memory_space<semaphore_mem>>)
      %lt3A_101 = arith.constant 15 : i32
      %lt3A_102 = arith.cmpi slt, %scan3A_25, %lt3A_101 : i32
      %convert_element_type3A_103 = arith.extui %lt3A_102 : i1 to i32
      %cond3A_104 = arith.constant 0 : i32
      %cond3A_105 = arith.cmpi ne, %convert_element_type3A_103, %cond3A_104 : i32
      scf.if %cond3A_105 {
        %add3A_106 = arith.constant 2 : i32
        %add3A_107 = arith.addi %add3A_67, %add3A_106 : i32
        %mul3A_108 = arith.constant 16384 : i32
        %mul3A_109 = arith.muli %add3A_107, %mul3A_108 : i32
        %add3A_110 = arith.addi %mul3A_2, %mul3A_109 : i32
        %dma_start3A_111 = tpu.memref_slice %arg3[%add3A_110] : memref<16777216xf32, #tpu.memory_space<hbm>> -> memref<16384xf32, #tpu.memory_space<hbm>>
        %dma_start3A_112 = tpu.memref_slice %arg3[%add3A_110] : memref<16777216xf32, #tpu.memory_space<hbm>> -> memref<16384xf32, #tpu.memory_space<hbm>>
        tpu.enqueue_dma source(%dma_start3A_112 : memref<16384xf32, #tpu.memory_space<hbm>>) target(%arg7 : memref<16384xf32, #tpu.memory_space<vmem>>) target_semaphore(%arg13 : memref<!tpu.dma_semaphore, #tpu.memory_space<semaphore_mem>>)
      } else {
      }
    }
    %scan3A_17 = arith.constant 16 : i32
    %add3A_18 = arith.constant 491520 : i32
    %add3A_19 = arith.addi %mul3A_2, %add3A_18 : i32
    %dma_wait3A = tpu.memref_slice %arg4[%add3A_19] : memref<16777216xf32, #tpu.memory_space<hbm>> -> memref<16384xf32, #tpu.memory_space<hbm>>
    %dma_wait3A_20 = tpu.memref_slice %arg4[%add3A_19] : memref<16777216xf32, #tpu.memory_space<hbm>> -> memref<16384xf32, #tpu.memory_space<hbm>>
    tpu.wait_dma2 semaphore(%arg14 : memref<!tpu.dma_semaphore, #tpu.memory_space<semaphore_mem>>) src(%arg8 : memref<16384xf32, #tpu.memory_space<vmem>>) dst(%dma_wait3A_20 : memref<16384xf32, #tpu.memory_space<hbm>>)
    %add3A_21 = arith.constant 507904 : i32
    %add3A_22 = arith.addi %mul3A_2, %add3A_21 : i32
    %dma_wait3A_23 = tpu.memref_slice %arg4[%add3A_22] : memref<16777216xf32, #tpu.memory_space<hbm>> -> memref<16384xf32, #tpu.memory_space<hbm>>
    %dma_wait3A_24 = tpu.memref_slice %arg4[%add3A_22] : memref<16777216xf32, #tpu.memory_space<hbm>> -> memref<16384xf32, #tpu.memory_space<hbm>>
    tpu.wait_dma2 semaphore(%arg15 : memref<!tpu.dma_semaphore, #tpu.memory_space<semaphore_mem>>) src(%arg9 : memref<16384xf32, #tpu.memory_space<vmem>>) dst(%dma_wait3A_24 : memref<16384xf32, #tpu.memory_space<hbm>>)
    return
  }
}

</mosaic_0001>

<sc_bundles>
// kernel: kernel.3.cloned.1.call-start
scs
__scs_entry_jumppad:
0x0: {  	(pc) =	sbr.rel $0x88, $3  }
0x1: {  	(tag) =	ssettag $0x0;
	lr =	simm.s32 $0x1  }
0x2: {  	[smem:$0x3F9F] =	sst lr;
	_ =	strace $0xD0000000  }
0x3: {  	_ = 	snop  }
0x4: {  	_ = 	snop  }
0x5: {  	_ = 	snop  }
0x6: {  	_ = 	snop  }
0x7: {  	_ = 	snop  }
__scs_overlays_trampoline_lowered:
0x8: {  	[smem:$0x3FAE] =	sst s0  }
0x9: {  	[smem:$0x3FAF] =	sst s1  }
0xa: {  	[smem:$0x3FB0] =	sst s2  }
0xb: {  	[smem:$0x3FB1] =	sst s3  }
0xc: {  	[smem:$0x3FB2] =	sst s4  }
0xd: {  	[smem:$0x3FB3] =	sst s5  }
0xe: {  	[smem:$0x3FB4] =	sst s6  }
0xf: {  	[smem:$0x3FB5] =	sst s7  }
0x10: {  	[smem:$0x3FB6] =	sst s8  }
0x11: {  	[smem:$0x3FB7] =	sst s9;
	s0 =	simm.s32 @!p0 $0x0  }
0x12: {  	s1 =	sld [smem:$0x3F9D];
	s0 =	simm.s32 @p0 $0x1  }
0x13: {  	[smem:$0x3FB8] =	sst s0;
	s0 =	simm.s32 @!p1 $0x0  }
0x14: {  	s2 =	sld [smem:$0x3F9C];
	s0 =	simm.s32 @p1 $0x1  }
0x15: {  	[smem:$0x3FB9] =	sst s0;
	s0 =	simm.s32 @!p2 $0x0  }
0x16: {  	s3 =	sld [smem:$0x3FDB];
	s0 =	simm.s32 @p2 $0x1  }
0x17: {  	s4 =	simm.s32 $0x1BF5;
	[smem:$0x3FBB] =	sst s0  }
0x18: {  	s0 =	sld [smem:$0x3F9E];
	_ =	swait.ge [sflag:s4], $0x0  }
0x19: {  	s7 =	sld [smem:$0x3F9F]  }
0x1a: {  	s8 =	sadd.s32 $0xFFFFE003, lr  }
0x1b: {  	s9 =	sadd.s32 $0xFFFFFEF7, lr;
	s5 =	simm.s32 $0xFFFFFFFF;
	p2 =	slt.u32 s8, $0xFFFFF086  }
0x1c: {  	p1 =	slt.u32 s9, $0xF7A;
	s5 =	simm.s32 @!p2 $0x0  }
0x1d: {  	s5 =	simm.s32 @p1 $0x1;
	p0 =	seq.s32 s7, s2  }
0x1e: {  	s7 =	smul.u32 @!p0 $0xF7A, s2;
	p2 =	seq.s32 @!p0 s5, $0x0  }
0x1f: {  	s9 =	smul.u32 $0xF7A, s1;
	s8 =	simm.s32 @!p0 $0x1BF5;
	p2 =	por !p2, p0  }
0x20: {  	[sflag:s8] =	ssyncset.s32 @!p0 $0xFFFFF086;
	s6 =	sadd.s32 @!p0 s3, s7;
	s7 =	simm.s32 @!p0 $0x108  }
0x21: {  	s3 =	sadd.s32 s3, s9;
	s6 =	sadd.s32 @!p0 $0x88, s6;
	s7 =	simm.s32 @p2 $0x1082  }
0x22: {  	[simem:s7], [sflag:s8] =	dma.local @!p0 [hbm:s6], $0xF7A  }
0x23: {  	s9 =	sor.u32 $0xD0000000, s2;
	s6 =	simm.s32 $0x108;
	_ =	swait.ge @!p0 [sflag:s8], $0x0  }
0x24: {  	s3 =	sadd.s32 $0x88, s3;
	s6 =	simm.s32 @!p1 $0x1082;
	[sflag:s4] =	ssyncset.s32 $0xFFFFF086  }
0x25: {  	[simem:s6], [sflag:s4] =	dma.local [hbm:s3], $0xF7A  }
0x26: {  	[smem:$0x3F9F] =	sst s1;
	(tag) =	ssettag s2;
	_ =	strace s9  }
0x27: {  	s1 =	sld [smem:$0x3FAF]  }
0x28: {  	s2 =	sld [smem:$0x3FB0]  }
0x29: {  	s4 =	sld [smem:$0x3FB2]  }
0x2a: {  	p0 =	seq.s32 s5, $0x0;
	s5 =	sld [smem:$0x3FB3]  }
0x2b: {  	s6 =	sld [smem:$0x3FB4]  }
0x2c: {  	s7 =	sld [smem:$0x3FB5]  }
0x2d: {  	s3 =	simm.s32 $0x108;
	s8 =	sld [smem:$0x3FB6]  }
0x2e: {  	s3 =	simm.s32 @!p0 $0x1082;
	s9 =	sld [smem:$0x3FB7]  }
0x2f: {  	lr =	sadd.s32 s0, s3;
	s0 =	sld [smem:$0x3FAE]  }
0x30: {  	s3 =	sld [smem:$0x3FB1]  }
0x31: {  	[smem:$0x3FBA] =	sst s10  }
0x32: {  	s10 =	sld [smem:$0x3FB8];
	_ =	sdelay $0x3  }
0x33: {  	p0 =	seq.s32 s10, $0x1;
	s10 =	sld [smem:$0x3FBA];
	_ =	sdelay $0x3  }
0x34: {  	[smem:$0x3FBA] =	sst s10  }
0x35: {  	s10 =	sld [smem:$0x3FB9];
	_ =	sdelay $0x3  }
0x36: {  	p1 =	seq.s32 s10, $0x1;
	s10 =	sld [smem:$0x3FBA];
	_ =	sdelay $0x3  }
0x37: {  	[smem:$0x3FBA] =	sst s10  }
0x38: {  	s10 =	sld [smem:$0x3FBB]  }
0x39: {  	_ = 	snop;
	(pc) =	sbr.ind lr, $3  }
0x3a: {  	_ = 	snop  }
0x3b: {  	_ = 	snop  }
0x3c: {  	p2 =	seq.s32 s10, $0x1;
	s10 =	sld [smem:$0x3FBA]  }
0x3d: {  	_ =	shalt  }
0x3e: {  	_ =	shalt  }
0x3f: {  	_ =	shalt  }
0x40: {  	_ =	shalt  }
0x41: {  	_ =	shalt  }
0x42: {  	_ =	shalt  }
0x43: {  	_ =	shalt  }
0x44: {  	_ =	shalt  }
0x45: {  	_ =	shalt  }
0x46: {  	_ =	shalt  }
0x47: {  	_ =	shalt  }
0x48: {  	_ =	shalt  }
0x49: {  	_ =	shalt  }
0x4a: {  	_ =	shalt  }
0x4b: {  	_ =	shalt  }
0x4c: {  	_ =	shalt  }
0x4d: {  	_ =	shalt  }
0x4e: {  	_ =	shalt  }
0x4f: {  	_ =	shalt  }
0x50: {  	_ =	shalt  }
0x51: {  	_ =	shalt  }
0x52: {  	_ =	shalt  }
0x53: {  	_ =	shalt  }
0x54: {  	_ =	shalt  }
0x55: {  	_ =	shalt  }
0x56: {  	_ =	shalt  }
0x57: {  	_ =	shalt  }
0x58: {  	_ =	shalt  }
0x59: {  	_ =	shalt  }
0x5a: {  	_ =	shalt  }
0x5b: {  	_ =	shalt  }
0x5c: {  	_ =	shalt  }
0x5d: {  	_ =	shalt  }
0x5e: {  	_ =	shalt  }
0x5f: {  	_ =	shalt  }
0x60: {  	_ =	shalt  }
0x61: {  	_ =	shalt  }
0x62: {  	_ =	shalt  }
0x63: {  	_ =	shalt  }
0x64: {  	_ =	shalt  }
0x65: {  	_ =	shalt  }
0x66: {  	_ =	shalt  }
0x67: {  	_ =	shalt  }
0x68: {  	_ =	shalt  }
0x69: {  	_ =	shalt  }
0x6a: {  	_ =	shalt  }
0x6b: {  	_ =	shalt  }
0x6c: {  	_ =	shalt  }
0x6d: {  	_ =	shalt  }
0x6e: {  	_ =	shalt  }
0x6f: {  	_ =	shalt  }
0x70: {  	_ =	shalt  }
0x71: {  	_ =	shalt  }
0x72: {  	_ =	shalt  }
0x73: {  	_ =	shalt  }
0x74: {  	_ =	shalt  }
0x75: {  	_ =	shalt  }
0x76: {  	_ =	shalt  }
0x77: {  	_ =	shalt  }
0x78: {  	_ =	shalt  }
0x79: {  	_ =	shalt  }
0x7a: {  	_ =	shalt  }
0x7b: {  	_ =	shalt  }
0x7c: {  	_ =	shalt  }
0x7d: {  	_ =	shalt  }
0x7e: {  	_ =	shalt  }
0x7f: {  	_ =	shalt  }
0x80: {  	_ =	shalt  }
0x81: {  	_ =	shalt  }
0x82: {  	_ =	shalt  }
0x83: {  	_ =	shalt  }
0x84: {  	_ =	shalt  }
0x85: {  	_ =	shalt  }
0x86: {  	_ =	shalt  }
0x87: {  	_ =	shalt  }
.Lfunc_end0:
.L_simem_size_0:
called_computation.1_lowered:
.L_overlay_start_0:
0x88: {  	s2 =	sld [smem:$0x3FD9]  }
0x89: {  	s3 =	sld [smem:$0x3FFE];
	_ =	sdelay $0x1  }
0x8a: {  	s1 =	srdreg.scid  }
0x8b: {  	s0 =	sand.u32 $0x1, s1  }
0x8c: {  	s17 =	sshll.u32 s0, $0xA;
	s2 =	sadd.s32 s3, s2  }
0x8d: {  	s2 =	sadd.s32 s2, s17  }
0x8e: {  	[smem:$0x3FC6] =	sst s2  }
0x8f: {  	_ = 	snop  }
0x90: {  	s2 =	sld [smem:$0x3FC9]  }
0x91: {  	s18 =	sld [smem:$0x3FD0];
	(tm) =	ssettm $0x1  }
0x92: {  	s4 =	sld [smem:$0x3FFB];
	_ =	sdelay $0x3  }
0x93: {  	_ =	strace s4  }
0x94: {  	s4 =	sld [smem:$0x3FFC];
	_ =	sdelay $0x3  }
0x95: {  	_ =	strace s4  }
0x96: {  	s4 =	sld [smem:$0x3FFD];
	_ =	sdelay $0x3  }
0x97: {  	_ =	strace s4  }
0x98: {  	_ =	strace $0x8FFFFFFF  }
0x99: {  	s19 =	sld [smem:$0x3FDB];
	_ =	sdelay $0x1  }
0x9a: {  	s5 =	simm.s32 $_scs_section_size  }
0x9b: {  	s6 =	simm.s32 $_size__tile_overlayer_lowered;
	s7 =	simm.s32 $_tile_overlayer_lowered  }
0x9c: {  	s22 =	simm.s32 $0x1BFF;
	s21 =	sshll.u32 s7, $0x1;
	s4 =	sadd.s32 s5, s19  }
0x9d: {  	s8 =	simm.s32 $0x0;
	s20 =	sshll.u32 s6, $0x1;
	s6 =	sadd.s32 s21, s4  }
0x9e: {  	[timem:s8], [sflag:s22] =	dma.local [hbm:s6], s20  }
0x9f: {  	_ =	swait.ge [sflag:s22], s20  }
0xa0: {  	s5 =	ssub.s32 $0x0, s20;
	[sflag:s22] =	ssyncset.done $0x0  }
0xa1: {  	[sflag:s22] =	ssyncadd.s32 s5;
	_ =	sdelay $0x1  }
0xa2: {  	s23 =	simm.s32 $0x1B8B  }
0xa3: {  	_ =	swait.ge [sflag:s23], $0x1  }
0xa4: {  	[sflag:s23] =	ssyncset.done $0x0  }
0xa5: {  	s25 =	simm.s32 $0x1B8E;
	s24 =	sld [smem:$0x3FFE];
	[sflag:s23] =	ssyncadd.s32 $0xFFFFFFFF  }
0xa6: {  	s26 =	simm.s32 $execute0_lowered;
	[smem:$0x3FD2] =	sst s25  }
0xa7: {  	s6 =	sshll.u32 s26, $0x1;
	_ =	strace $0x80000049;
	[dreg:$0x1] =	wrdreg $0xFFFFFFFF  }
0xa8: {  	s28 =	simm.s32 $_size_execute0_lowered;
	s4 =	sadd.s32 s4, s6;
	[dreg:$0x0] =	wrdreg $0x0  }
0xa9: {  	s6 =	sshll.u32 s28, $0x1;
	[dreg:$0x2] =	wrdreg s4  }
0xaa: {  	[dreg:$0x3] =	wrdreg s6  }
0xab: {  	[dreg:$0x4] =	wrdreg $0xC0  }
0xac: {  	_ =	task [dreg:s8], $0x5FFFF  }
0xad: {  	[dreg:$0x1] =	wrdreg $0xFFFFFFFF  }
0xae: {  	[dreg:$0x0] =	wrdreg $0x60  }
0xaf: {  	[dreg:$0x2] =	wrdreg s2  }
0xb0: {  	[dreg:$0x3] =	wrdreg s24  }
0xb1: {  	[dreg:$0x4] =	wrdreg s18  }
0xb2: {  	[dreg:$0x5] =	wrdreg $0x9  }
0xb3: {  	_ =	task.clear_ibuf [dreg:s8], $0x6FFFF;
	_ =	strace $0x90000049  }
0xb4: {  	s29 =	simm.s32 $0x9;
	_ =	strace $0x8000004B  }
0xb5: {  	_ =	swait.ge [sflag:s29], $0x1  }
0xb6: {  	[sflag:s29] =	ssyncadd.s32 $0xFFFFFFFF  }
0xb7: {  	_ =	strace $0x9000004B  }
0xb8: {  	_ =	sfence  }
0xb9: {  	s30 =	sld [smem:$0x0];
	_ =	sdelay $0x2  }
0xba: {  	s31 =	sshll.u32 s1, $0xD;
	s1 =	sshrl.u32 s1, $0x2  }
0xbb: {  	s3 =	sand.u32 $0x4000, s31;
	s1 =	sadd.s32 s1, s30  }
0xbc: {  	s0 =	sor.u32 s3, s0;
	s1 =	sshll.u32 s1, $0x11  }
0xbd: {  	s0 =	sor.u32 s1, s0  }
0xbe: {  	s0 =	sadd.s32 $0x8F2B, s0  }
0xbf: {  	[sflag:s0] =	ssyncadd.remote.s32 $0x1  }
0xc0: {  	_ =	sfence.sel $0xFFFF  }
0xc1: {  	[dreg:$0x0] =	wrdreg $0xFFFFFFFF;
	(pc) =	sbr.abs _section_cstart, $3  }
0xc2: {  	[dreg:$0x1] =	wrdreg $0xFFFFFFFF  }
0xc3: {  	_ =	task.clear_ibuf [dreg:s8], $0x2FFFF;
	_ =	strace $0x9FFFFFFF  }
0xc4: {  	(tm) =	ssettm $0x7FFFFFFF  }
0xc5: {  	_ =	shalt  }
tec
execute0_lowered:
.L_overlay_start_1:
0x0: {  	(tag) =	ssettag $0x1  }
0x1: {  	s1 =	rddreg [dreg:$0x0]  }
0x2: {  	s2 =	srdreg.scid;
	s6 =	rddreg [dreg:$0x1]  }
0x3: {  	s0 =	stileid.u32;
	s3 =	rddreg [dreg:$0x2];
	s4 =	simm.s32 $0x0  }
0x4: {  	s12 =	simm.s32 $0x5;
	s13 =	simm.s32 $0x80;
	s14 =	simm.s32 $0x4080  }
0x5: {  	s15 =	simm.s32 $0x1;
	s16 =	simm.s32 $0x10080;
	s17 =	simm.s32 $0x14100  }
0x6: {  	s18 =	simm.s32 $0x8080;
	s19 =	simm.s32 $0x2;
	s20 =	simm.s32 $0x4  }
0x7: {  	s21 =	simm.s32 $0xC080;
	s22 =	simm.s32 $0x3;
	s23 =	simm.s32 $0x0  }
0x8: {  	s7 =	sand.u32 $0x1, s2;
	s5 =	sshll.u32 s0, $0x14;
	s2 =	rddreg [dreg:$0x3]  }
.Ltmp0:
0x9: {  	s6 =	sadd.s32 $0x800, s6;
	s8 =	sshll.u32 s7, $0x13;
	(pc) =	sbr.rel .LBB2_1-.Ltmp0, $4  }
0xa: {  	[smem:$0x7FF] =	sst s4;
	s30 =	ssub.s32 $0x2, s7;
	s5 =	sor.u32 s8, s5  }
0xb: {  	_ =	strace $0x8000004A;
	s9 =	sshrl.u32 s30, $0x1;
	s31 =	sshrl.u32 s5, $0x3  }
0xc: {  	v0 =	vlaneseq.u32;
	s11 =	ssub.s32 s30, s9;
	s9 =	sor.u32 $0x8000, s5;
	s7 =	sadd.s32 s6, s31  }
0xd: {  	v0 =	vmul.u32 $0x81, v0;
	s10 =	sor.u32 $0xC000, s5;
	s11 =	smax.u32 s11, $0x1;
	s8 =	sadd.s32 $0x800, s7  }
.LBB2_32:
0xe: {  	s23 =	sadd.s32 $0x1, s23  }
0xf: {  	_ =	swait.ge [sflag:s22], $0x4000;
	p0 =	sne.s32 s23, s11  }
.Ltmp1:
0x10: {  	[sflag:s22] =	ssyncset.done $0x0;
	(pc) =	sbr.rel @!p0 .LBB2_33-.Ltmp1, $4  }
0x11: {  	[sflag:s22] =	ssyncadd.s32 $0xFFFFC000  }
0x12: {  	_ =	swait.ge [sflag:s20], $0x4000  }
0x13: {  	[sflag:s20] =	ssyncset.done $0x0  }
0x14: {  	[sflag:s20] =	ssyncadd.s32 $0xFFFFC000  }
.LBB2_1:
0x15: {  	[tilespmem:s4], [sflag:$0x5] =	stream.linear.gather [hbm4b:s1+s4], $0x80, $0x38;
	[tilespmem:$0x18180] =	vst v63  }
0x16: {  	_ =	swait.ge [sflag:s12], $0x80  }
0x17: {  	[sflag:s12] =	ssyncset.done $0x0  }
0x18: {  	[sflag:s12] =	ssyncadd.s32 $0xFFFFFF80  }
0x19: {  	[tilespmem:s13], [sflag:$0x1] =	stream.linear.gather [hbm4b:s7+s4], $0x4000, $0x38;
	[tilespmem:$0x18180] =	vst v63  }
0x1a: {  	s24 =	simm.s32 $0x0  }
0x1b: {  	[tilespmem:s14], [sflag:$0x2] =	stream.linear.gather [hbm4b:s8+s4], $0x4000, $0x38;
	[tilespmem:$0x18180] =	vst v63  }
.LBB2_2:
0x1c: {  	_ =	swait.ge [sflag:s15], $0x4000  }
0x1d: {  	p0 =	seq.s32 s24, $0x0;
	[sflag:s15] =	ssyncset.done $0x0  }
0x1e: {  	s26 =	simm.s32 @!p0 $0x3;
	[sflag:s15] =	ssyncadd.s32 $0xFFFFC000  }
0x1f: {  	_ =	swait.ge @!p0 [sflag:s26], $0x4000  }
0x20: {  	[sflag:s26] =	ssyncset.done @!p0 $0x0  }
0x21: {  	s25 =	sshll.u32 s24, $0xF;
	s28 =	simm.s32 $0x180;
	[sflag:s26] =	ssyncadd.s32 @!p0 $0xFFFFC000  }
0x22: {  	s29 =	simm.s32 $0x7CC;
	s30 =	simm.s32 $0xFDC;
	s26 =	sor.u32 s5, s25;
	v1 =	vld [tilespmem:s28+$0xFFFFFF00]  }
.LBB2_3:
0x23: {  	p1 =	sne.s32 s30, $0x101BC;
	_ =	sdelay $0x2  }
0x24: {  	s31 =	sshra.s32 s29, $0x2;
	s29 =	smov.u32 s30  }
0x25: {  	[tilespmem:s31+$0xFE8D] =	vst v1  }
0x26: {  	v1 =	vld [tilespmem:s28+$0xFFFFFF10];
	_ =	sdelay $0x4  }
0x27: {  	[tilespmem:s31+$0xFE9D] =	vst v1  }
0x28: {  	v1 =	vld [tilespmem:s28+$0xFFFFFF20];
	_ =	sdelay $0x4  }
0x29: {  	[tilespmem:s31+$0xFEAD] =	vst v1  }
0x2a: {  	v1 =	vld [tilespmem:s28+$0xFFFFFF30];
	_ =	sdelay $0x4  }
0x2b: {  	[tilespmem:s31+$0xFEBD] =	vst v1  }
0x2c: {  	v1 =	vld [tilespmem:s28+$0xFFFFFF40];
	_ =	sdelay $0x4  }
0x2d: {  	[tilespmem:s31+$0xFECD] =	vst v1  }
0x2e: {  	v1 =	vld [tilespmem:s28+$0xFFFFFF50];
	_ =	sdelay $0x4  }
0x2f: {  	[tilespmem:s31+$0xFEDD] =	vst v1  }
0x30: {  	v1 =	vld [tilespmem:s28+$0xFFFFFF60];
	_ =	sdelay $0x4  }
0x31: {  	[tilespmem:s31+$0xFEED] =	vst v1  }
0x32: {  	v1 =	vld [tilespmem:s28+$0xFFFFFF70];
	_ =	sdelay $0x4  }
0x33: {  	[tilespmem:s31+$0xFEFD] =	vst v1  }
0x34: {  	v1 =	vld [tilespmem:s28+$0xFFFFFF80];
	_ =	sdelay $0x4  }
0x35: {  	[tilespmem:s31+$0xFF0E] =	vst v1  }
0x36: {  	v1 =	vld [tilespmem:s28+$0xFFFFFF90];
	_ =	sdelay $0x4  }
0x37: {  	[tilespmem:s31+$0xFF1E] =	vst v1  }
0x38: {  	v1 =	vld [tilespmem:s28+$0xFFFFFFA0];
	_ =	sdelay $0x4  }
0x39: {  	[tilespmem:s31+$0xFF2E] =	vst v1  }
0x3a: {  	v1 =	vld [tilespmem:s28+$0xFFFFFFB0];
	_ =	sdelay $0x4  }
0x3b: {  	[tilespmem:s31+$0xFF3E] =	vst v1  }
0x3c: {  	v1 =	vld [tilespmem:s28+$0xFFFFFFC0];
	_ =	sdelay $0x4  }
0x3d: {  	[tilespmem:s31+$0xFF4E] =	vst v1  }
0x3e: {  	v1 =	vld [tilespmem:s28+$0xFFFFFFD0];
	_ =	sdelay $0x4  }
0x3f: {  	[tilespmem:s31+$0xFF5E] =	vst v1  }
0x40: {  	v1 =	vld [tilespmem:s28+$0xFFFFFFE0];
	_ =	sdelay $0x4  }
0x41: {  	[tilespmem:s31+$0xFF6E] =	vst v1  }
0x42: {  	v1 =	vld [tilespmem:s28+$0xFFFFFFF0];
	_ =	sdelay $0x4  }
0x43: {  	[tilespmem:s31+$0xFF7E] =	vst v1  }
0x44: {  	v1 =	vld [tilespmem:s28+$0x0];
	_ =	sdelay $0x4  }
0x45: {  	[tilespmem:s31+$0xFF8F] =	vst v1  }
0x46: {  	v1 =	vld [tilespmem:s28+$0x10];
	_ =	sdelay $0x4  }
0x47: {  	[tilespmem:s31+$0xFF9F] =	vst v1  }
0x48: {  	v1 =	vld [tilespmem:s28+$0x20];
	_ =	sdelay $0x4  }
0x49: {  	[tilespmem:s31+$0xFFAF] =	vst v1  }
0x4a: {  	v1 =	vld [tilespmem:s28+$0x30];
	_ =	sdelay $0x4  }
0x4b: {  	[tilespmem:s31+$0xFFBF] =	vst v1  }
0x4c: {  	v1 =	vld [tilespmem:s28+$0x40];
	_ =	sdelay $0x4  }
0x4d: {  	[tilespmem:s31+$0xFFCF] =	vst v1  }
0x4e: {  	v1 =	vld [tilespmem:s28+$0x50];
	_ =	sdelay $0x4  }
0x4f: {  	[tilespmem:s31+$0xFFDF] =	vst v1  }
0x50: {  	v1 =	vld [tilespmem:s28+$0x60];
	_ =	sdelay $0x4  }
0x51: {  	[tilespmem:s31+$0xFFEF] =	vst v1  }
0x52: {  	v1 =	vld [tilespmem:s28+$0x70];
	_ =	sdelay $0x4  }
0x53: {  	[tilespmem:s31+$0xFFFF] =	vst v1  }
0x54: {  	v1 =	vld [tilespmem:s28+$0x80];
	_ =	sdelay $0x4  }
0x55: {  	[tilespmem:s31+$0x10010] =	vst v1  }
0x56: {  	v1 =	vld [tilespmem:s28+$0x90];
	_ =	sdelay $0x4  }
0x57: {  	[tilespmem:s31+$0x10020] =	vst v1  }
0x58: {  	v1 =	vld [tilespmem:s28+$0xA0];
	_ =	sdelay $0x4  }
0x59: {  	[tilespmem:s31+$0x10030] =	vst v1  }
0x5a: {  	v1 =	vld [tilespmem:s28+$0xB0];
	_ =	sdelay $0x4  }
0x5b: {  	[tilespmem:s31+$0x10040] =	vst v1  }
0x5c: {  	v1 =	vld [tilespmem:s28+$0xC0];
	_ =	sdelay $0x4  }
0x5d: {  	[tilespmem:s31+$0x10050] =	vst v1  }
0x5e: {  	v1 =	vld [tilespmem:s28+$0xD0];
	_ =	sdelay $0x4  }
0x5f: {  	[tilespmem:s31+$0x10060] =	vst v1  }
0x60: {  	v1 =	vld [tilespmem:s28+$0xE0];
	_ =	sdelay $0x4  }
0x61: {  	[tilespmem:s31+$0x10070] =	vst v1  }
0x62: {  	v1 =	vld [tilespmem:s28+$0xF0];
	_ =	sdelay $0x1  }
.Ltmp2:
0x63: {  	(pc) =	sbr.rel @p1 .LBB2_3-.Ltmp2, $3  }
0x64: {  	_ =	sdelay $0x1  }
0x65: {  	s28 =	sadd.s32 $0x200, s28;
	[tilespmem:s31+$0x10080] =	vst v1  }
0x66: {  	s30 =	sadd.s32 $0x810, s30;
	v1 =	vld [tilespmem:s28+$0xFFFFFF00]  }
0x67: {  	_ =	sdelay $0x2  }
0x68: {  	s29 =	sshra.s32 s29, $0x2  }
0x69: {  	[tilespmem:s29+$0xFE8D] =	vst v1  }
0x6a: {  	v1 =	vld [tilespmem:s28+$0xFFFFFF10];
	_ =	sdelay $0x4  }
0x6b: {  	[tilespmem:s29+$0xFE9D] =	vst v1  }
0x6c: {  	v1 =	vld [tilespmem:s28+$0xFFFFFF20];
	_ =	sdelay $0x4  }
0x6d: {  	[tilespmem:s29+$0xFEAD] =	vst v1  }
0x6e: {  	v1 =	vld [tilespmem:s28+$0xFFFFFF30];
	_ =	sdelay $0x4  }
0x6f: {  	[tilespmem:s29+$0xFEBD] =	vst v1  }
0x70: {  	v1 =	vld [tilespmem:s28+$0xFFFFFF40];
	_ =	sdelay $0x4  }
0x71: {  	[tilespmem:s29+$0xFECD] =	vst v1  }
0x72: {  	v1 =	vld [tilespmem:s28+$0xFFFFFF50];
	_ =	sdelay $0x4  }
0x73: {  	[tilespmem:s29+$0xFEDD] =	vst v1  }
0x74: {  	v1 =	vld [tilespmem:s28+$0xFFFFFF60];
	_ =	sdelay $0x4  }
0x75: {  	[tilespmem:s29+$0xFEED] =	vst v1  }
0x76: {  	v1 =	vld [tilespmem:s28+$0xFFFFFF70];
	_ =	sdelay $0x4  }
0x77: {  	[tilespmem:s29+$0xFEFD] =	vst v1  }
0x78: {  	v1 =	vld [tilespmem:s28+$0xFFFFFF80];
	_ =	sdelay $0x4  }
0x79: {  	[tilespmem:s29+$0xFF0E] =	vst v1  }
0x7a: {  	v1 =	vld [tilespmem:s28+$0xFFFFFF90];
	_ =	sdelay $0x4  }
0x7b: {  	[tilespmem:s29+$0xFF1E] =	vst v1  }
0x7c: {  	v1 =	vld [tilespmem:s28+$0xFFFFFFA0];
	_ =	sdelay $0x4  }
0x7d: {  	[tilespmem:s29+$0xFF2E] =	vst v1  }
0x7e: {  	v1 =	vld [tilespmem:s28+$0xFFFFFFB0];
	_ =	sdelay $0x4  }
0x7f: {  	[tilespmem:s29+$0xFF3E] =	vst v1  }
0x80: {  	v1 =	vld [tilespmem:s28+$0xFFFFFFC0];
	_ =	sdelay $0x4  }
0x81: {  	[tilespmem:s29+$0xFF4E] =	vst v1  }
0x82: {  	v1 =	vld [tilespmem:s28+$0xFFFFFFD0];
	_ =	sdelay $0x4  }
0x83: {  	[tilespmem:s29+$0xFF5E] =	vst v1  }
0x84: {  	v1 =	vld [tilespmem:s28+$0xFFFFFFE0];
	_ =	sdelay $0x4  }
0x85: {  	[tilespmem:s29+$0xFF6E] =	vst v1  }
0x86: {  	v1 =	vld [tilespmem:s28+$0xFFFFFFF0];
	_ =	sdelay $0x4  }
0x87: {  	[tilespmem:s29+$0xFF7E] =	vst v1  }
0x88: {  	v1 =	vld [tilespmem:s28+$0x0];
	_ =	sdelay $0x4  }
0x89: {  	[tilespmem:s29+$0xFF8F] =	vst v1  }
0x8a: {  	v1 =	vld [tilespmem:s28+$0x10];
	_ =	sdelay $0x4  }
0x8b: {  	[tilespmem:s29+$0xFF9F] =	vst v1  }
0x8c: {  	v1 =	vld [tilespmem:s28+$0x20];
	_ =	sdelay $0x4  }
0x8d: {  	[tilespmem:s29+$0xFFAF] =	vst v1  }
0x8e: {  	v1 =	vld [tilespmem:s28+$0x30];
	_ =	sdelay $0x4  }
0x8f: {  	[tilespmem:s29+$0xFFBF] =	vst v1  }
0x90: {  	v1 =	vld [tilespmem:s28+$0x40];
	_ =	sdelay $0x4  }
0x91: {  	[tilespmem:s29+$0xFFCF] =	vst v1  }
0x92: {  	v1 =	vld [tilespmem:s28+$0x50];
	_ =	sdelay $0x4  }
0x93: {  	[tilespmem:s29+$0xFFDF] =	vst v1  }
0x94: {  	v1 =	vld [tilespmem:s28+$0x60];
	_ =	sdelay $0x4  }
0x95: {  	[tilespmem:s29+$0xFFEF] =	vst v1  }
0x96: {  	v1 =	vld [tilespmem:s28+$0x70];
	_ =	sdelay $0x4  }
0x97: {  	[tilespmem:s29+$0xFFFF] =	vst v1  }
0x98: {  	v1 =	vld [tilespmem:s28+$0x80];
	_ =	sdelay $0x4  }
0x99: {  	[tilespmem:s29+$0x10010] =	vst v1  }
0x9a: {  	v1 =	vld [tilespmem:s28+$0x90];
	_ =	sdelay $0x4  }
0x9b: {  	[tilespmem:s29+$0x10020] =	vst v1  }
0x9c: {  	v1 =	vld [tilespmem:s28+$0xA0];
	_ =	sdelay $0x4  }
0x9d: {  	[tilespmem:s29+$0x10030] =	vst v1  }
0x9e: {  	v1 =	vld [tilespmem:s28+$0xB0];
	_ =	sdelay $0x4  }
0x9f: {  	[tilespmem:s29+$0x10040] =	vst v1  }
0xa0: {  	v1 =	vld [tilespmem:s28+$0xC0];
	_ =	sdelay $0x4  }
0xa1: {  	[tilespmem:s29+$0x10050] =	vst v1  }
0xa2: {  	v1 =	vld [tilespmem:s28+$0xD0];
	_ =	sdelay $0x4  }
0xa3: {  	[tilespmem:s29+$0x10060] =	vst v1  }
0xa4: {  	v1 =	vld [tilespmem:s28+$0xE0];
	_ =	sdelay $0x4  }
0xa5: {  	[tilespmem:s29+$0x10070] =	vst v1  }
0xa6: {  	v1 =	vld [tilespmem:s28+$0xF0];
	_ =	sdelay $0x4  }
0xa7: {  	s28 =	simm.s32 $0x0;
	[tilespmem:s29+$0x10080] =	vst v1  }
.LBB2_5:
0xa8: {  	s29 =	smul.u32 $0x810, s28;
	_ =	sdelay $0x1  }
0xa9: {  	v1 =	vadd.s32 s29, v0  }
0xaa: {  	v5 =	vadd.s32 $0x4, v1  }
0xab: {  	v3 =	vadd.s32 $0x5, v1  }
0xac: {  	v2 =	vadd.s32 $0x6, v1  }
0xad: {  	v8 =	vadd.s32 $0x1, v1  }
0xae: {  	v7 =	vadd.s32 $0x2, v1;
	v19 =	vld.idx.msk [tilespmem:v1+s16+$0x0], $0xffff  }
0xaf: {  	v6 =	vadd.s32 $0x3, v1;
	v20 =	vld.idx.msk [tilespmem:v5+s16+$0x0], $0xffff  }
0xb0: {  	v4 =	vadd.s32 $0x7, v1;
	v12 =	vld.idx.msk [tilespmem:v3+s16+$0x0], $0xffff  }
0xb1: {  	v11 =	vadd.s32 $0x8, v1;
	v16 =	vld.idx.msk [tilespmem:v2+s16+$0x0], $0xffff  }
0xb2: {  	v18 =	vadd.s32 $0x4, v11;
	v9 =	vld.idx.msk [tilespmem:v8+s16+$0x0], $0xffff  }
0xb3: {  	v23 =	vadd.s32 $0x5, v11;
	v10 =	vld.idx.msk [tilespmem:v7+s16+$0x0], $0xffff  }
0xb4: {  	v25 =	vadd.s32 $0x6, v11;
	v14 =	vld.idx.msk [tilespmem:v6+s16+$0x0], $0xffff  }
0xb5: {  	v27 =	vadd.s32 $0x1, v11;
	v13 =	vld.idx.msk [tilespmem:v4+s16+$0x0], $0xffff  }
0xb6: {  	v17 =	vimm.f32 $-Inf;
	v24 =	vimm.f32 $-Inf;
	v28 =	vadd.s32 $0x2, v11;
	v15 =	vld.idx.msk [tilespmem:v11+s16+$0x0], $0xffff  }
0xb7: {  	v21 =	vimm.f32 $-Inf;
	v22 =	vimm.f32 $-Inf;
	s29 =	simm.s32 $0xE;
	v26 =	vadd.s32 $0x3, v11;
	v18 =	vld.idx.msk [tilespmem:v18+s16+$0x0], $0xffff  }
.LBB2_6:
0xb8: {  	p1 =	sne.s32 s29, $0x1;
	v29 =	vld.idx.msk [tilespmem:v23+s16+$0x0], $0xffff;
	v30 =	vadd.s32 $0x7, v11;
	v11 =	vadd.s32 $0x8, v11;
	v17 =	vmax.f32 v17, v19  }
0xb9: {  	v31 =	vadd.s32 $0x4, v11;
	v23 =	vadd.s32 $0x5, v11;
	v32 =	vld.idx.msk [tilespmem:v25+s16+$0x0], $0xffff;
	v17 =	vmax.f32 v17, v20  }
0xba: {  	v33 =	vmax.f32 v24, v9;
	v20 =	vmax.f32 v21, v10;
	v14 =	vmax.f32 v22, v14;
	v9 =	vld.idx.msk [tilespmem:v27+s16+$0x0], $0xffff  }
.Ltmp3:
0xbb: {  	v24 =	vmax.f32 v33, v12;
	v21 =	vmax.f32 v20, v16;
	v22 =	vmax.f32 v14, v13;
	v10 =	vld.idx.msk [tilespmem:v28+s16+$0x0], $0xffff;
	(pc) =	sbr.rel @p1 .LBB2_6-.Ltmp3, $4  }
0xbc: {  	v25 =	vadd.s32 $0x6, v11;
	v19 =	vmov v15;
	v14 =	vld.idx.msk [tilespmem:v26+s16+$0x0], $0xffff  }
0xbd: {  	v27 =	vadd.s32 $0x1, v11;
	v20 =	vmov v18;
	v13 =	vld.idx.msk [tilespmem:v30+s16+$0x0], $0xffff  }
0xbe: {  	v28 =	vadd.s32 $0x2, v11;
	v12 =	vmov v29;
	v15 =	vld.idx.msk [tilespmem:v11+s16+$0x0], $0xffff  }
0xbf: {  	s29 =	sadd.s32 $0xFFFFFFFF, s29;
	v26 =	vadd.s32 $0x3, v11;
	v16 =	vmov v32;
	v18 =	vld.idx.msk [tilespmem:v31+s16+$0x0], $0xffff  }
0xc0: {  	_ =	sdelay $0x3  }
0xc1: {  	v23 =	vld.idx.msk [tilespmem:v23+s16+$0x0], $0xffff;
	v11 =	vadd.s32 $0x7, v11  }
0xc2: {  	v25 =	vld.idx.msk [tilespmem:v25+s16+$0x0], $0xffff  }
0xc3: {  	v27 =	vld.idx.msk [tilespmem:v27+s16+$0x0], $0xffff  }
0xc4: {  	v28 =	vld.idx.msk [tilespmem:v28+s16+$0x0], $0xffff  }
0xc5: {  	v26 =	vld.idx.msk [tilespmem:v26+s16+$0x0], $0xffff  }
0xc6: {  	v17 =	vmax.f32 v17, v19;
	v11 =	vld.idx.msk [tilespmem:v11+s16+$0x0], $0xffff  }
0xc7: {  	v9 =	vmax.f32 v24, v9;
	v10 =	vmax.f32 v21, v10;
	v17 =	vmax.f32 v17, v20  }
0xc8: {  	v14 =	vmax.f32 v22, v14;
	v9 =	vmax.f32 v9, v12;
	v12 =	vmax.f32 v17, v15  }
0xc9: {  	v10 =	vmax.f32 v10, v16;
	v13 =	vmax.f32 v14, v13;
	v14 =	vld.idx.msk [tilespmem:v4+s16+$0x0], $0xffff;
	v12 =	vmax.f32 v12, v18  }
0xca: {  	v9 =	vmax.f32 v9, v27;
	v10 =	vmax.f32 v10, v28;
	v13 =	vmax.f32 v13, v26  }
0xcb: {  	v9 =	vmax.f32 v9, v23;
	v10 =	vmax.f32 v10, v25;
	v11 =	vmax.f32 v13, v11  }
0xcc: {  	v16 =	vld.idx.msk [tilespmem:v5+s16+$0x0], $0xffff;
	v9 =	vmax.f32 v12, v9;
	v10 =	vmax.f32 v10, v11  }
0xcd: {  	v17 =	vld.idx.msk [tilespmem:v3+s16+$0x0], $0xffff;
	v10 =	vmax.f32 v9, v10  }
0xce: {  	v12 =	vld.idx.msk [tilespmem:v8+s16+$0x0], $0xffff;
	v9 =	vsub.f32 v14, v10  }
0xcf: {  	v13 =	vld.idx.msk [tilespmem:v7+s16+$0x0], $0xffff  }
0xd0: {  	v14 =	vld.idx.msk [tilespmem:v6+s16+$0x0], $0xffff;
	v15 =	vmul.f32 $1.442695020e+00, v9;
	v9 =	vadd.s32 $0x8, v1  }
0xd1: {  	v18 =	vadd.s32 $0x7, v9  }
0xd2: {  	v11 =	vld.idx.msk [tilespmem:v1+s16+$0x0], $0xffff;
	v20 =	vadd.s32 $0x1, v9  }
0xd3: {  	v19 =	vld.idx.msk [tilespmem:v2+s16+$0x0], $0xffff;
	v12 =	vsub.f32 v12, v10;
	v16 =	vsub.f32 v16, v10;
	v21 =	vadd.s32 $0x2, v9  }
0xd4: {  	v17 =	vsub.f32 v17, v10;
	v13 =	vsub.f32 v13, v10;
	(erf) = vpow2.f32 v15  }
0xd5: {  	v12 =	vmul.f32 $1.442695020e+00, v12;
	v16 =	vmul.f32 $1.442695020e+00, v16;
	v14 =	vsub.f32 v14, v10;
	v23 =	vld.idx.msk [tilespmem:v9+s16+$0x0], $0xffff  }
0xd6: {  	v17 =	vmul.f32 $1.442695020e+00, v17;
	v22 =	vadd.s32 $0x3, v9;
	v13 =	vmul.f32 $1.442695020e+00, v13;
	v18 =	vld.idx.msk [tilespmem:v18+s16+$0x0], $0xffff  }
0xd7: {  	v15 =	vsub.f32 v11, v10;
	(erf) = vpow2.f32 v12;
	v14 =	vmul.f32 $1.442695020e+00, v14;
	v20 =	vld.idx.msk [tilespmem:v20+s16+$0x0], $0xffff  }
0xd8: {  	v11 =	vimm.f32 $0.0e+00;
	v12 =	vsub.f32 v19, v10;
	(erf) = vpow2.f32 v13;
	v21 =	vld.idx.msk [tilespmem:v21+s16+$0x0], $0xffff  }
0xd9: {  	v15 =	vmul.f32 $1.442695020e+00, v15;
	v13 =	vadd.s32 $0x4, v9;
	(erf) = vpow2.f32 v14  }
0xda: {  	v19 =	vmul.f32 $1.442695020e+00, v12;
	v14 =	vadd.s32 $0x5, v9;
	(erf) = vpow2.f32 v16  }
0xdb: {  	v16 =	vadd.s32 $0x6, v9;
	(erf) = vpow2.f32 v17;
	v23 =	vsub.f32 v23, v10  }
0xdc: {  	(erf) = vpow2.f32 v19;
	v17 =	vsub.f32 v18, v10;
	v28 =	vsub.f32 v20, v10  }
0xdd: {  	v22 =	vld.idx.msk [tilespmem:v22+s16+$0x0], $0xffff;
	v12 =	vpop (erf);
	(erf) = vpow2.f32 v15;
	v27 =	vsub.f32 v21, v10;
	v20 =	vadd.s32 $0x8, v9  }
0xde: {  	v15 =	vimm.f32 $0.0e+00;
	v18 =	vimm.f32 $0.0e+00;
	v19 =	vmul.f32 $1.442695020e+00, v23;
	v23 =	vld.idx.msk [tilespmem:v13+s16+$0x0], $0xffff  }
0xdf: {  	v12 =	vadd.f32 v12, v11;
	v26 =	vadd.s32 $0x1, v20;
	v21 =	vadd.s32 $0x2, v20;
	v25 =	vld.idx.msk [tilespmem:v14+s16+$0x0], $0xffff  }
0xe0: {  	v29 =	vadd.s32 $0x7, v20;
	v13 =	vimm.f32 $0.0e+00;
	v30 =	vmul.f32 $1.442695020e+00, v17;
	v24 =	vld.idx.msk [tilespmem:v16+s16+$0x0], $0xffff  }
0xe1: {  	s29 =	simm.s32 $0xD;
	v14 =	vimm.f32 $0.0e+00;
	v16 =	vimm.f32 $0.0e+00;
	v17 =	vimm.f32 $0.0e+00  }
.LBB2_8:
0xe2: {  	p1 =	sne.s32 s29, $0x1;
	v31 =	vadd.s32 $0x3, v20;
	v32 =	vadd.s32 $0x4, v20;
	(erf) = vpow2.f32 v30;
	v30 =	vpop (erf)  }
0xe3: {  	v33 =	vadd.s32 $0x5, v20;
	v34 =	vadd.s32 $0x6, v20;
	v22 =	vsub.f32 v22, v10;
	v35 =	vpop (erf)  }
0xe4: {  	v28 =	vmul.f32 $1.442695020e+00, v28;
	v41 =	vsub.f32 v23, v10;
	v42 =	vsub.f32 v25, v10;
	v36 =	vpop (erf)  }
0xe5: {  	v27 =	vmul.f32 $1.442695020e+00, v27;
	v38 =	vmul.f32 $1.442695020e+00, v22;
	v22 =	vsub.f32 v24, v10;
	v37 =	vld.idx.msk [tilespmem:v20+s16+$0x0], $0xffff;
	v24 =	vpop (erf)  }
0xe6: {  	v11 =	vadd.f32 v30, v11;
	v39 =	vmul.f32 $1.442695020e+00, v41;
	v40 =	vmul.f32 $1.442695020e+00, v42;
	v29 =	vld.idx.msk [tilespmem:v29+s16+$0x0], $0xffff;
	v23 =	vpop (erf)  }
0xe7: {  	v13 =	vadd.f32 v35, v13;
	v30 =	vmul.f32 $1.442695020e+00, v22;
	v26 =	vld.idx.msk [tilespmem:v26+s16+$0x0], $0xffff;
	(erf) = vpow2.f32 v28;
	v25 =	vpop (erf)  }
0xe8: {  	v14 =	vadd.f32 v36, v14;
	v15 =	vadd.f32 v24, v15;
	v21 =	vld.idx.msk [tilespmem:v21+s16+$0x0], $0xffff;
	(erf) = vpow2.f32 v27;
	v24 =	vpop (erf)  }
0xe9: {  	v18 =	vadd.f32 v23, v18;
	v16 =	vadd.f32 v25, v16;
	v22 =	vld.idx.msk [tilespmem:v31+s16+$0x0], $0xffff;
	(erf) = vpow2.f32 v38  }
0xea: {  	v17 =	vadd.f32 v24, v17;
	v23 =	vld.idx.msk [tilespmem:v32+s16+$0x0], $0xffff;
	(erf) = vpow2.f32 v39  }
.Ltmp4:
0xeb: {  	v27 =	vsub.f32 v37, v10;
	v25 =	vld.idx.msk [tilespmem:v33+s16+$0x0], $0xffff;
	(erf) = vpow2.f32 v40;
	v28 =	vpop (erf);
	(pc) =	sbr.rel @p1 .LBB2_8-.Ltmp4, $4  }
0xec: {  	v29 =	vsub.f32 v29, v10;
	v24 =	vld.idx.msk [tilespmem:v34+s16+$0x0], $0xffff;
	v12 =	vadd.f32 v28, v12;
	(erf) = vpow2.f32 v30  }
0xed: {  	v28 =	vsub.f32 v26, v10;
	(erf) = vpow2.f32 v19;
	v19 =	vmul.f32 $1.442695020e+00, v27  }
0xee: {  	v20 =	vadd.s32 $0x8, v20;
	v27 =	vsub.f32 v21, v10;
	v30 =	vmul.f32 $1.442695020e+00, v29  }
0xef: {  	s29 =	sadd.s32 $0xFFFFFFFF, s29;
	v26 =	vadd.s32 $0x1, v20;
	v21 =	vadd.s32 $0x2, v20;
	v29 =	vadd.s32 $0x7, v20  }
0xf0: {  	_ =	sdelay $0x1  }
0xf1: {  	v31 =	vadd.s32 $0x3, v20  }
0xf2: {  	v32 =	vadd.s32 $0x4, v20;
	(erf) = vpow2.f32 v30  }
0xf3: {  	v41 =	vadd.s32 $0x5, v20;
	v22 =	vsub.f32 v22, v10;
	v28 =	vmul.f32 $1.442695020e+00, v28;
	v29 =	vld.idx.msk [tilespmem:v29+s16+$0x0], $0xffff  }
0xf4: {  	v33 =	vadd.s32 $0x6, v20;
	v23 =	vsub.f32 v23, v10;
	v27 =	vmul.f32 $1.442695020e+00, v27;
	v26 =	vld.idx.msk [tilespmem:v26+s16+$0x0], $0xffff  }
0xf5: {  	v25 =	vsub.f32 v25, v10;
	v21 =	vld.idx.msk [tilespmem:v21+s16+$0x0], $0xffff;
	v22 =	vmul.f32 $1.442695020e+00, v22;
	(erf) = vpow2.f32 v28  }
0xf6: {  	v42 =	vpop (erf);
	v24 =	vsub.f32 v24, v10;
	v23 =	vmul.f32 $1.442695020e+00, v23;
	(erf) = vpow2.f32 v27;
	v43 =	vld.idx.msk [tilespmem:v31+s16+$0x0], $0xffff  }
0xf7: {  	v44 =	vpop (erf);
	v25 =	vmul.f32 $1.442695020e+00, v25;
	(erf) = vpow2.f32 v22;
	v45 =	vld.idx.msk [tilespmem:v32+s16+$0x0], $0xffff  }
0xf8: {  	v46 =	vpop (erf);
	v24 =	vmul.f32 $1.442695020e+00, v24;
	(erf) = vpow2.f32 v23;
	v47 =	vld.idx.msk [tilespmem:v41+s16+$0x0], $0xffff;
	v29 =	vsub.f32 v29, v10  }
0xf9: {  	v48 =	vpop (erf);
	v49 =	vld.idx.msk [tilespmem:v33+s16+$0x0], $0xffff;
	v26 =	vsub.f32 v26, v10;
	(erf) = vpow2.f32 v25  }
0xfa: {  	v50 =	vld.idx.msk [tilespmem:v20+s16+$0x0], $0xffff;
	v51 =	vpop (erf);
	v21 =	vsub.f32 v21, v10;
	(erf) = vpow2.f32 v24;
	v52 =	vmul.f32 $1.442695020e+00, v29  }
0xfb: {  	v53 =	vpop (erf);
	v26 =	vmul.f32 $1.442695020e+00, v26;
	(erf) = vpow2.f32 v19;
	v54 =	vsub.f32 v43, v10  }
0xfc: {  	v55 =	vpop (erf);
	v21 =	vmul.f32 $1.442695020e+00, v21;
	(erf) = vpow2.f32 v52;
	v22 =	vsub.f32 v45, v10  }
0xfd: {  	v56 =	vpop (erf);
	v23 =	vsub.f32 v47, v10;
	(erf) = vpow2.f32 v26;
	v19 =	vmul.f32 $1.442695020e+00, v54  }
0xfe: {  	v25 =	vsub.f32 v49, v10;
	v57 =	vpop (erf);
	(erf) = vpow2.f32 v21;
	v22 =	vmul.f32 $1.442695020e+00, v22  }
0xff: {  	v20 =	vsub.f32 v50, v10;
	v58 =	vpop (erf);
	v23 =	vmul.f32 $1.442695020e+00, v23;
	(erf) = vpow2.f32 v19  }
0x100: {  	v25 =	vmul.f32 $1.442695020e+00, v25;
	v59 =	vpop (erf);
	(erf) = vpow2.f32 v22  }
0x101: {  	v20 =	vmul.f32 $1.442695020e+00, v20;
	v60 =	vpop (erf);
	(erf) = vpow2.f32 v23  }
0x102: {  	v11 =	vadd.f32 v42, v11;
	v61 =	vpop (erf);
	(erf) = vpow2.f32 v25  }
0x103: {  	v13 =	vadd.f32 v44, v13;
	v14 =	vadd.f32 v46, v14;
	v62 =	vpop (erf);
	(erf) = vpow2.f32 v20  }
0x104: {  	v15 =	vadd.f32 v48, v15;
	v18 =	vadd.f32 v51, v18;
	v63 =	vpop (erf)  }
0x105: {  	v16 =	vadd.f32 v53, v16;
	v17 =	vadd.f32 v55, v17;
	v33 =	vpop (erf)  }
0x106: {  	v12 =	vadd.f32 v56, v12;
	v11 =	vadd.f32 v57, v11;
	v34 =	vpop (erf)  }
0x107: {  	v13 =	vadd.f32 v58, v13;
	v14 =	vadd.f32 v59, v14;
	v35 =	vpop (erf)  }
0x108: {  	v15 =	vadd.f32 v60, v15;
	v18 =	vadd.f32 v61, v18;
	v36 =	vpop (erf)  }
0x109: {  	v16 =	vadd.f32 v62, v16;
	v17 =	vadd.f32 v63, v17;
	v37 =	vpop (erf)  }
0x10a: {  	v12 =	vadd.f32 v33, v12;
	v11 =	vadd.f32 v34, v11;
	v38 =	vpop (erf)  }
0x10b: {  	v13 =	vadd.f32 v35, v13;
	v14 =	vadd.f32 v36, v14;
	v39 =	vpop (erf)  }
0x10c: {  	v15 =	vadd.f32 v37, v15;
	v18 =	vadd.f32 v38, v18;
	v40 =	vpop (erf)  }
0x10d: {  	v16 =	vadd.f32 v39, v16;
	v17 =	vadd.f32 v40, v17  }
0x10e: {  	v13 =	vadd.f32 v14, v13;
	v41 =	vadd.f32 v18, v15  }
0x10f: {  	v12 =	vadd.f32 v12, v16;
	v11 =	vadd.f32 v11, v17;
	_ =	sdelay $0x1  }
0x110: {  	v12 =	vadd.f32 v12, v41;
	v11 =	vadd.f32 v13, v11;
	_ =	sdelay $0x1  }
0x111: {  	v11 =	vadd.f32 v12, v11;
	_ =	sdelay $0x1  }
0x112: {  	v12 =	vand.u32 $0x7FFFFF, v11  }
0x113: {  	v12 =	vor.u32 $0x3F800000, v12  }
0x114: {  	v42 =	vadd.f32 $1.000000000e+00, v12;
	_ =	sdelay $0x1  }
0x115: {  	(erf) = vrcp.f32 v42;
	_ =	sdelay $0x7  }
0x116: {  	v12 =	vadd.f32 $-1.000000000e+00, v12  }
0x117: {  	v13 =	vpop (erf)  }
0x118: {  	v12 =	vmul.f32 v13, v12;
	_ =	sdelay $0x1  }
0x119: {  	v13 =	vmul.f32 v12, v12;
	_ =	sdelay $0x1  }
0x11a: {  	s29 =	simm.s32 $0x0;
	v43 =	vmul.f32 $1.428571490e-01, v13  }
0x11b: {  	v44 =	vld [tilespmem:s29+$0x0]  }
0x11c: {  	v14 =	vadd.f32 $2.000000030e-01, v43;
	_ =	sdelay $0x1  }
0x11d: {  	v14 =	vmul.f32 v14, v13;
	_ =	sdelay $0x1  }
0x11e: {  	v46 =	vbroadcast v44, $0x1;
	v45 =	vbroadcast v44, $0x0;
	v14 =	vadd.f32 $3.333333430e-01, v14  }
0x11f: {  	v48 =	vbroadcast v44, $0x3;
	v47 =	vbroadcast v44, $0x2;
	v11 =	vshra.s32 v11, $0x17  }
0x120: {  	v16 =	vadd.s32 v1, v45;
	v11 =	vadd.s32 $0xFFFFFF81, v11;
	v13 =	vmul.f32 v14, v13  }
0x121: {  	v49 =	vbroadcast v44, $0x4;
	v17 =	vadd.s32 v1, v46;
	v11 =	vcvt.s32.f32 v11  }
0x122: {  	v12 =	vadd.f32 v12, v12;
	v14 =	vadd.s32 v1, v47;
	v13 =	vadd.f32 $1.000000000e+00, v13  }
0x123: {  	v50 =	vbroadcast v44, $0x5;
	v52 =	vbroadcast v44, $0x6;
	v18 =	vadd.s32 v1, v48  }
0x124: {  	v51 =	vadd.s32 v1, v49;
	v11 =	vmul.f32 $6.931471820e-01, v11;
	v12 =	vmul.f32 v13, v12  }
0x125: {  	v53 =	vbroadcast v44, $0x7;
	v20 =	vadd.s32 v1, v50;
	v16 =	vld.idx.msk [tilespmem:v16+s16+$0x0], $0xffff  }
0x126: {  	v19 =	vadd.s32 v1, v52;
	v17 =	vld.idx.msk [tilespmem:v17+s16+$0x0], $0xffff;
	v11 =	vadd.f32 v12, v11  }
0x127: {  	v54 =	vadd.s32 v1, v53;
	v14 =	vld.idx.msk [tilespmem:v14+s16+$0x0], $0xffff  }
0x128: {  	v18 =	vld.idx.msk [tilespmem:v18+s16+$0x0], $0xffff;
	v10 =	vadd.f32 v11, v10  }
0x129: {  	v11 =	vld.idx.msk [tilespmem:v51+s16+$0x0], $0xffff  }
0x12a: {  	v55 =	vld.idx.msk [tilespmem:v20+s16+$0x0], $0xffff;
	v16 =	vsub.f32 v16, v10  }
0x12b: {  	v19 =	vld.idx.msk [tilespmem:v19+s16+$0x0], $0xffff;
	v17 =	vsub.f32 v17, v10  }
0x12c: {  	v12 =	vld.idx.msk [tilespmem:v54+s16+$0x0], $0xffff;
	v14 =	vsub.f32 v14, v10;
	[tilespmem:v1+s17+$0x0] =	vst.idx.msk $0xffff, v16  }
0x12d: {  	v56 =	vbroadcast v44, $0x8;
	[tilespmem:v8+s17+$0x0] =	vst.idx.msk $0xffff, v17;
	v8 =	vsub.f32 v18, v10  }
0x12e: {  	v57 =	vbroadcast v44, $0x9;
	[tilespmem:v7+s17+$0x0] =	vst.idx.msk $0xffff, v14;
	v7 =	vsub.f32 v11, v10  }
0x12f: {  	v11 =	vbroadcast v44, $0xA;
	[tilespmem:v6+s17+$0x0] =	vst.idx.msk $0xffff, v8;
	v6 =	vsub.f32 v55, v10;
	v8 =	vadd.s32 v1, v56  }
0x130: {  	v58 =	vbroadcast v44, $0xB;
	[tilespmem:v5+s17+$0x0] =	vst.idx.msk $0xffff, v7;
	v5 =	vsub.f32 v19, v10;
	v7 =	vadd.s32 v1, v57  }
0x131: {  	v59 =	vbroadcast v44, $0xC;
	[tilespmem:v3+s17+$0x0] =	vst.idx.msk $0xffff, v6;
	v3 =	vsub.f32 v12, v10;
	v6 =	vadd.s32 v1, v11  }
0x132: {  	v11 =	vbroadcast v44, $0xD;
	[tilespmem:v2+s17+$0x0] =	vst.idx.msk $0xffff, v5;
	v2 =	vadd.s32 v1, v58  }
0x133: {  	v5 =	vbroadcast v44, $0xE;
	[tilespmem:v4+s17+$0x0] =	vst.idx.msk $0xffff, v3;
	v3 =	vadd.s32 v1, v59  }
0x134: {  	v4 =	vbroadcast v44, $0xF;
	v11 =	vadd.s32 v1, v11;
	v8 =	vld.idx.msk [tilespmem:v8+s16+$0x0], $0xffff  }
0x135: {  	v5 =	vadd.s32 v1, v5;
	v7 =	vld.idx.msk [tilespmem:v7+s16+$0x0], $0xffff  }
0x136: {  	v4 =	vadd.s32 v1, v4;
	v6 =	vld.idx.msk [tilespmem:v6+s16+$0x0], $0xffff  }
0x137: {  	v60 =	vadd.s32 $0x9, v1;
	v2 =	vld.idx.msk [tilespmem:v2+s16+$0x0], $0xffff  }
0x138: {  	v61 =	vadd.s32 $0xA, v1;
	v3 =	vld.idx.msk [tilespmem:v3+s16+$0x0], $0xffff  }
0x139: {  	v62 =	vadd.s32 $0xB, v1;
	v11 =	vld.idx.msk [tilespmem:v11+s16+$0x0], $0xffff;
	v8 =	vsub.f32 v8, v10  }
0x13a: {  	v63 =	vadd.s32 $0xC, v1;
	v5 =	vld.idx.msk [tilespmem:v5+s16+$0x0], $0xffff;
	v7 =	vsub.f32 v7, v10  }
0x13b: {  	v4 =	vld.idx.msk [tilespmem:v4+s16+$0x0], $0xffff;
	[tilespmem:v9+s17+$0x0] =	vst.idx.msk $0xffff, v8;
	v6 =	vsub.f32 v6, v10  }
0x13c: {  	v8 =	vadd.s32 $0xD, v1;
	[tilespmem:v60+s17+$0x0] =	vst.idx.msk $0xffff, v7;
	v2 =	vsub.f32 v2, v10  }
0x13d: {  	v7 =	vadd.s32 $0xE, v1;
	[tilespmem:v61+s17+$0x0] =	vst.idx.msk $0xffff, v6;
	v3 =	vsub.f32 v3, v10  }
0x13e: {  	[tilespmem:v62+s17+$0x0] =	vst.idx.msk $0xffff, v2;
	v2 =	vsub.f32 v11, v10  }
0x13f: {  	[tilespmem:v63+s17+$0x0] =	vst.idx.msk $0xffff, v3;
	v3 =	vadd.s32 $0xF, v1  }
0x140: {  	v5 =	vsub.f32 v5, v10  }
0x141: {  	[tilespmem:v8+s17+$0x0] =	vst.idx.msk $0xffff, v2  }
0x142: {  	s30 =	simm.s32 $0x40;
	s29 =	simm.s32 $0x80;
	v4 =	vsub.f32 v4, v10;
	[tilespmem:v7+s17+$0x0] =	vst.idx.msk $0xffff, v5;
	v2 =	vmov v1  }
.LBB2_10:
0x143: {  	p1 =	sne.s32 s29, $0x1C0  }
0x144: {  	s31 =	sshra.s32 s30, $0x2;
	[tilespmem:v3+s17+$0x0] =	vst.idx.msk $0xffff, v4;
	v2 =	vadd.s32 $0x10, v2;
	s30 =	smov.u32 s29;
	s29 =	sadd.s32 $0x40, s29  }
0x145: {  	v3 =	vld [tilespmem:s31+$0x0];
	_ =	sdelay $0x4  }
0x146: {  	v4 =	vbroadcast v3, $0x0;
	v5 =	vbroadcast v3, $0x1  }
0x147: {  	v6 =	vbroadcast v3, $0x2;
	v7 =	vbroadcast v3, $0x3  }
0x148: {  	v8 =	vbroadcast v3, $0x4;
	v4 =	vadd.s32 v1, v4;
	v5 =	vadd.s32 v1, v5  }
0x149: {  	v9 =	vbroadcast v3, $0x5;
	v6 =	vadd.s32 v1, v6;
	v7 =	vadd.s32 v1, v7  }
0x14a: {  	v11 =	vbroadcast v3, $0x6;
	v12 =	vbroadcast v3, $0x7;
	v8 =	vadd.s32 v1, v8  }
0x14b: {  	v13 =	vbroadcast v3, $0x8;
	v14 =	vbroadcast v3, $0x9;
	v9 =	vadd.s32 v1, v9  }
0x14c: {  	v15 =	vbroadcast v3, $0xA;
	v11 =	vadd.s32 v1, v11;
	v12 =	vadd.s32 v1, v12  }
0x14d: {  	v16 =	vbroadcast v3, $0xB;
	v17 =	vbroadcast v3, $0xC;
	v4 =	vld.idx.msk [tilespmem:v4+s16+$0x0], $0xffff  }
0x14e: {  	v18 =	vbroadcast v3, $0xD;
	v19 =	vbroadcast v3, $0xE;
	v5 =	vld.idx.msk [tilespmem:v5+s16+$0x0], $0xffff  }
0x14f: {  	v3 =	vbroadcast v3, $0xF;
	v6 =	vld.idx.msk [tilespmem:v6+s16+$0x0], $0xffff  }
0x150: {  	v7 =	vld.idx.msk [tilespmem:v7+s16+$0x0], $0xffff  }
0x151: {  	v20 =	vadd.s32 $0x1, v2;
	v8 =	vld.idx.msk [tilespmem:v8+s16+$0x0], $0xffff  }
0x152: {  	v21 =	vadd.s32 $0x2, v2;
	v9 =	vld.idx.msk [tilespmem:v9+s16+$0x0], $0xffff  }
0x153: {  	v22 =	vadd.s32 $0x3, v2;
	v4 =	vsub.f32 v4, v10;
	v11 =	vld.idx.msk [tilespmem:v11+s16+$0x0], $0xffff  }
0x154: {  	v23 =	vadd.s32 $0x4, v2;
	v5 =	vsub.f32 v5, v10;
	v12 =	vld.idx.msk [tilespmem:v12+s16+$0x0], $0xffff  }
0x155: {  	[tilespmem:v2+s17+$0x0] =	vst.idx.msk $0xffff, v4;
	v4 =	vsub.f32 v6, v10;
	v6 =	vadd.s32 $0x5, v2  }
0x156: {  	[tilespmem:v20+s17+$0x0] =	vst.idx.msk $0xffff, v5;
	v5 =	vsub.f32 v7, v10;
	v7 =	vadd.s32 $0x6, v2  }
0x157: {  	[tilespmem:v21+s17+$0x0] =	vst.idx.msk $0xffff, v4;
	v4 =	vsub.f32 v8, v10;
	v8 =	vadd.s32 $0x7, v2  }
0x158: {  	[tilespmem:v22+s17+$0x0] =	vst.idx.msk $0xffff, v5;
	v5 =	vsub.f32 v9, v10;
	v9 =	vadd.s32 v1, v13  }
0x159: {  	[tilespmem:v23+s17+$0x0] =	vst.idx.msk $0xffff, v4;
	v4 =	vsub.f32 v11, v10;
	v11 =	vadd.s32 v1, v14  }
0x15a: {  	[tilespmem:v6+s17+$0x0] =	vst.idx.msk $0xffff, v5;
	v5 =	vsub.f32 v12, v10;
	v6 =	vadd.s32 v1, v15  }
0x15b: {  	[tilespmem:v7+s17+$0x0] =	vst.idx.msk $0xffff, v4;
	v4 =	vadd.s32 v1, v16  }
0x15c: {  	[tilespmem:v8+s17+$0x0] =	vst.idx.msk $0xffff, v5;
	v5 =	vadd.s32 v1, v17  }
0x15d: {  	v8 =	vadd.s32 v1, v18;
	v7 =	vld.idx.msk [tilespmem:v9+s16+$0x0], $0xffff  }
0x15e: {  	v9 =	vld.idx.msk [tilespmem:v11+s16+$0x0], $0xffff;
	v11 =	vadd.s32 v1, v19  }
0x15f: {  	v3 =	vadd.s32 v1, v3;
	v6 =	vld.idx.msk [tilespmem:v6+s16+$0x0], $0xffff  }
0x160: {  	v12 =	vadd.s32 $0x8, v2;
	v4 =	vld.idx.msk [tilespmem:v4+s16+$0x0], $0xffff  }
0x161: {  	v13 =	vadd.s32 $0x9, v2;
	v5 =	vld.idx.msk [tilespmem:v5+s16+$0x0], $0xffff  }
0x162: {  	v14 =	vadd.s32 $0xA, v2;
	v8 =	vld.idx.msk [tilespmem:v8+s16+$0x0], $0xffff  }
0x163: {  	v15 =	vadd.s32 $0xB, v2;
	v7 =	vsub.f32 v7, v10;
	v11 =	vld.idx.msk [tilespmem:v11+s16+$0x0], $0xffff  }
0x164: {  	v16 =	vld.idx.msk [tilespmem:v3+s16+$0x0], $0xffff;
	v3 =	vsub.f32 v9, v10;
	v9 =	vadd.s32 $0xC, v2  }
0x165: {  	v6 =	vsub.f32 v6, v10;
	[tilespmem:v12+s17+$0x0] =	vst.idx.msk $0xffff, v7;
	v7 =	vadd.s32 $0xD, v2  }
0x166: {  	v4 =	vsub.f32 v4, v10;
	v12 =	vadd.s32 $0xE, v2;
	[tilespmem:v13+s17+$0x0] =	vst.idx.msk $0xffff, v3  }
.Ltmp5:
0x167: {  	v5 =	vsub.f32 v5, v10;
	v3 =	vadd.s32 $0xF, v2;
	[tilespmem:v14+s17+$0x0] =	vst.idx.msk $0xffff, v6;
	(pc) =	sbr.rel @p1 .LBB2_10-.Ltmp5, $4  }
0x168: {  	[tilespmem:v15+s17+$0x0] =	vst.idx.msk $0xffff, v4;
	v4 =	vsub.f32 v8, v10  }
0x169: {  	[tilespmem:v9+s17+$0x0] =	vst.idx.msk $0xffff, v5;
	v5 =	vsub.f32 v11, v10  }
0x16a: {  	[tilespmem:v7+s17+$0x0] =	vst.idx.msk $0xffff, v4;
	v4 =	vsub.f32 v16, v10  }
0x16b: {  	[tilespmem:v12+s17+$0x0] =	vst.idx.msk $0xffff, v5  }
0x16c: {  	_ =	sdelay $0x3  }
0x16d: {  	s29 =	sshra.s32 s30, $0x2;
	[tilespmem:v3+s17+$0x0] =	vst.idx.msk $0xffff, v4  }
0x16e: {  	v3 =	vld [tilespmem:s29+$0x0];
	_ =	sdelay $0x4  }
0x16f: {  	v32 =	vbroadcast v3, $0x0  }
0x170: {  	v5 =	vbroadcast v3, $0x1  }
0x171: {  	v6 =	vbroadcast v3, $0x2;
	v4 =	vadd.s32 v1, v32  }
0x172: {  	v7 =	vbroadcast v3, $0x3;
	v5 =	vadd.s32 v1, v5  }
0x173: {  	v8 =	vbroadcast v3, $0x4;
	v6 =	vadd.s32 v1, v6  }
0x174: {  	v9 =	vbroadcast v3, $0x5;
	v7 =	vadd.s32 v1, v7  }
0x175: {  	v11 =	vbroadcast v3, $0x6;
	v8 =	vadd.s32 v1, v8  }
0x176: {  	v12 =	vbroadcast v3, $0x7;
	v9 =	vadd.s32 v1, v9;
	v4 =	vld.idx.msk [tilespmem:v4+s16+$0x0], $0xffff  }
0x177: {  	v11 =	vadd.s32 v1, v11;
	v5 =	vld.idx.msk [tilespmem:v5+s16+$0x0], $0xffff  }
0x178: {  	v2 =	vadd.s32 $0x10, v2;
	v12 =	vadd.s32 v1, v12;
	v6 =	vld.idx.msk [tilespmem:v6+s16+$0x0], $0xffff  }
0x179: {  	v13 =	vadd.s32 $0x1, v2;
	v7 =	vld.idx.msk [tilespmem:v7+s16+$0x0], $0xffff  }
0x17a: {  	v14 =	vadd.s32 $0x2, v2;
	v8 =	vld.idx.msk [tilespmem:v8+s16+$0x0], $0xffff  }
0x17b: {  	v15 =	vadd.s32 $0x3, v2;
	v9 =	vld.idx.msk [tilespmem:v9+s16+$0x0], $0xffff;
	v4 =	vsub.f32 v4, v10  }
0x17c: {  	v16 =	vadd.s32 $0x4, v2;
	v11 =	vld.idx.msk [tilespmem:v11+s16+$0x0], $0xffff;
	v5 =	vsub.f32 v5, v10  }
0x17d: {  	v34 =	vadd.s32 $0x5, v2;
	v12 =	vld.idx.msk [tilespmem:v12+s16+$0x0], $0xffff;
	v33 =	vsub.f32 v6, v10;
	[tilespmem:v2+s17+$0x0] =	vst.idx.msk $0xffff, v4  }
0x17e: {  	v36 =	vadd.s32 $0x6, v2;
	v17 =	vbroadcast v3, $0x8;
	v35 =	vsub.f32 v7, v10;
	[tilespmem:v13+s17+$0x0] =	vst.idx.msk $0xffff, v5  }
0x17f: {  	v39 =	vadd.s32 $0x7, v2;
	v37 =	vbroadcast v3, $0x9;
	v38 =	vsub.f32 v8, v10;
	[tilespmem:v14+s17+$0x0] =	vst.idx.msk $0xffff, v33  }
0x180: {  	v40 =	vbroadcast v3, $0xA;
	v42 =	vadd.s32 v1, v17;
	v41 =	vsub.f32 v9, v10;
	[tilespmem:v15+s17+$0x0] =	vst.idx.msk $0xffff, v35  }
0x181: {  	v43 =	vbroadcast v3, $0xB;
	v45 =	vadd.s32 v1, v37;
	v44 =	vsub.f32 v11, v10;
	[tilespmem:v16+s17+$0x0] =	vst.idx.msk $0xffff, v38  }
0x182: {  	v46 =	vbroadcast v3, $0xC;
	v48 =	vadd.s32 v1, v40;
	v47 =	vsub.f32 v12, v10;
	[tilespmem:v34+s17+$0x0] =	vst.idx.msk $0xffff, v41  }
0x183: {  	v49 =	vbroadcast v3, $0xD;
	v50 =	vadd.s32 v1, v43;
	[tilespmem:v36+s17+$0x0] =	vst.idx.msk $0xffff, v44  }
0x184: {  	v51 =	vbroadcast v3, $0xE;
	v52 =	vadd.s32 v1, v46;
	[tilespmem:v39+s17+$0x0] =	vst.idx.msk $0xffff, v47  }
0x185: {  	v3 =	vbroadcast v3, $0xF;
	v53 =	vadd.s32 v1, v49;
	v8 =	vld.idx.msk [tilespmem:v42+s16+$0x0], $0xffff  }
0x186: {  	v7 =	vadd.s32 v1, v51;
	v11 =	vld.idx.msk [tilespmem:v45+s16+$0x0], $0xffff  }
0x187: {  	v54 =	vadd.s32 $0x8, v2;
	v1 =	vadd.s32 v1, v3;
	v6 =	vld.idx.msk [tilespmem:v48+s16+$0x0], $0xffff  }
0x188: {  	v55 =	vadd.s32 $0x9, v2;
	v3 =	vld.idx.msk [tilespmem:v50+s16+$0x0], $0xffff  }
0x189: {  	v56 =	vadd.s32 $0xA, v2;
	v5 =	vld.idx.msk [tilespmem:v52+s16+$0x0], $0xffff  }
0x18a: {  	v57 =	vadd.s32 $0xB, v2;
	v9 =	vld.idx.msk [tilespmem:v53+s16+$0x0], $0xffff;
	v8 =	vsub.f32 v8, v10  }
0x18b: {  	v58 =	vadd.s32 $0xC, v2;
	v7 =	vld.idx.msk [tilespmem:v7+s16+$0x0], $0xffff;
	v11 =	vsub.f32 v11, v10  }
0x18c: {  	v60 =	vadd.s32 $0xD, v2;
	v1 =	vld.idx.msk [tilespmem:v1+s16+$0x0], $0xffff;
	v59 =	vsub.f32 v6, v10;
	[tilespmem:v54+s17+$0x0] =	vst.idx.msk $0xffff, v8  }
0x18d: {  	s28 =	sadd.s32 $0x1, s28;
	v61 =	vadd.s32 $0xE, v2;
	v3 =	vsub.f32 v3, v10;
	[tilespmem:v55+s17+$0x0] =	vst.idx.msk $0xffff, v11  }
0x18e: {  	p1 =	sne.s32 s28, $0x8;
	v2 =	vadd.s32 $0xF, v2;
	v62 =	vsub.f32 v5, v10;
	[tilespmem:v56+s17+$0x0] =	vst.idx.msk $0xffff, v59  }
.Ltmp6:
0x18f: {  	[tilespmem:v57+s17+$0x0] =	vst.idx.msk $0xffff, v3;
	v3 =	vsub.f32 v9, v10;
	(pc) =	sbr.rel @p1 .LBB2_5-.Ltmp6, $4  }
0x190: {  	v63 =	vsub.f32 v7, v10;
	[tilespmem:v58+s17+$0x0] =	vst.idx.msk $0xffff, v62  }
0x191: {  	v1 =	vsub.f32 v1, v10;
	[tilespmem:v60+s17+$0x0] =	vst.idx.msk $0xffff, v3  }
0x192: {  	[tilespmem:v61+s17+$0x0] =	vst.idx.msk $0xffff, v63  }
0x193: {  	[tilespmem:v2+s17+$0x0] =	vst.idx.msk $0xffff, v1  }
0x194: {  	s29 =	simm.s32 $0x1F3  }
0x195: {  	v1 =	vld [tilespmem:s29+$0x13F0D];
	_ =	sdelay $0x3  }
0x196: {  	s28 =	simm.s32 $0x8180  }
0x197: {  	[tilespmem:s28+$0xFFFFFF00] =	vst v1  }
0x198: {  	v1 =	vld [tilespmem:s29+$0x13F1D];
	_ =	sdelay $0x4  }
0x199: {  	[tilespmem:s28+$0xFFFFFF10] =	vst v1  }
0x19a: {  	v1 =	vld [tilespmem:s29+$0x13F2D];
	_ =	sdelay $0x4  }
0x19b: {  	[tilespmem:s28+$0xFFFFFF20] =	vst v1  }
0x19c: {  	v1 =	vld [tilespmem:s29+$0x13F3D];
	_ =	sdelay $0x4  }
0x19d: {  	[tilespmem:s28+$0xFFFFFF30] =	vst v1  }
0x19e: {  	v1 =	vld [tilespmem:s29+$0x13F4D];
	_ =	sdelay $0x4  }
0x19f: {  	[tilespmem:s28+$0xFFFFFF40] =	vst v1  }
0x1a0: {  	v1 =	vld [tilespmem:s29+$0x13F5D];
	_ =	sdelay $0x4  }
0x1a1: {  	[tilespmem:s28+$0xFFFFFF50] =	vst v1  }
0x1a2: {  	v1 =	vld [tilespmem:s29+$0x13F6D];
	_ =	sdelay $0x4  }
0x1a3: {  	[tilespmem:s28+$0xFFFFFF60] =	vst v1  }
0x1a4: {  	v1 =	vld [tilespmem:s29+$0x13F7D];
	_ =	sdelay $0x4  }
0x1a5: {  	[tilespmem:s28+$0xFFFFFF70] =	vst v1  }
0x1a6: {  	v1 =	vld [tilespmem:s29+$0x13F8E];
	_ =	sdelay $0x4  }
0x1a7: {  	[tilespmem:s28+$0xFFFFFF80] =	vst v1  }
0x1a8: {  	v1 =	vld [tilespmem:s29+$0x13F9E];
	_ =	sdelay $0x4  }
0x1a9: {  	[tilespmem:s28+$0xFFFFFF90] =	vst v1  }
0x1aa: {  	v1 =	vld [tilespmem:s29+$0x13FAE];
	_ =	sdelay $0x4  }
0x1ab: {  	[tilespmem:s28+$0xFFFFFFA0] =	vst v1  }
0x1ac: {  	v1 =	vld [tilespmem:s29+$0x13FBE];
	_ =	sdelay $0x4  }
0x1ad: {  	[tilespmem:s28+$0xFFFFFFB0] =	vst v1  }
0x1ae: {  	v1 =	vld [tilespmem:s29+$0x13FCE];
	_ =	sdelay $0x4  }
0x1af: {  	[tilespmem:s28+$0xFFFFFFC0] =	vst v1  }
0x1b0: {  	v1 =	vld [tilespmem:s29+$0x13FDE];
	_ =	sdelay $0x4  }
0x1b1: {  	[tilespmem:s28+$0xFFFFFFD0] =	vst v1  }
0x1b2: {  	v1 =	vld [tilespmem:s29+$0x13FEE];
	_ =	sdelay $0x4  }
0x1b3: {  	[tilespmem:s28+$0xFFFFFFE0] =	vst v1  }
0x1b4: {  	v1 =	vld [tilespmem:s29+$0x13FFE];
	_ =	sdelay $0x4  }
0x1b5: {  	[tilespmem:s28+$0xFFFFFFF0] =	vst v1  }
0x1b6: {  	v1 =	vld [tilespmem:s29+$0x1400F];
	_ =	sdelay $0x4  }
0x1b7: {  	[tilespmem:s28+$0x0] =	vst v1  }
0x1b8: {  	v1 =	vld [tilespmem:s29+$0x1401F];
	_ =	sdelay $0x4  }
0x1b9: {  	[tilespmem:s28+$0x10] =	vst v1  }
0x1ba: {  	v1 =	vld [tilespmem:s29+$0x1402F];
	_ =	sdelay $0x4  }
0x1bb: {  	[tilespmem:s28+$0x20] =	vst v1  }
0x1bc: {  	v1 =	vld [tilespmem:s29+$0x1403F];
	_ =	sdelay $0x4  }
0x1bd: {  	[tilespmem:s28+$0x30] =	vst v1  }
0x1be: {  	v1 =	vld [tilespmem:s29+$0x1404F];
	_ =	sdelay $0x4  }
0x1bf: {  	[tilespmem:s28+$0x40] =	vst v1  }
0x1c0: {  	v1 =	vld [tilespmem:s29+$0x1405F];
	_ =	sdelay $0x4  }
0x1c1: {  	[tilespmem:s28+$0x50] =	vst v1  }
0x1c2: {  	v1 =	vld [tilespmem:s29+$0x1406F];
	_ =	sdelay $0x4  }
0x1c3: {  	[tilespmem:s28+$0x60] =	vst v1  }
0x1c4: {  	v1 =	vld [tilespmem:s29+$0x1407F];
	_ =	sdelay $0x4  }
0x1c5: {  	[tilespmem:s28+$0x70] =	vst v1  }
0x1c6: {  	v1 =	vld [tilespmem:s29+$0x14090];
	_ =	sdelay $0x4  }
0x1c7: {  	[tilespmem:s28+$0x80] =	vst v1  }
0x1c8: {  	v1 =	vld [tilespmem:s29+$0x140A0];
	_ =	sdelay $0x4  }
0x1c9: {  	[tilespmem:s28+$0x90] =	vst v1  }
0x1ca: {  	v1 =	vld [tilespmem:s29+$0x140B0];
	_ =	sdelay $0x4  }
0x1cb: {  	[tilespmem:s28+$0xA0] =	vst v1  }
0x1cc: {  	v1 =	vld [tilespmem:s29+$0x140C0];
	_ =	sdelay $0x4  }
0x1cd: {  	[tilespmem:s28+$0xB0] =	vst v1  }
0x1ce: {  	v1 =	vld [tilespmem:s29+$0x140D0];
	_ =	sdelay $0x4  }
0x1cf: {  	[tilespmem:s28+$0xC0] =	vst v1  }
0x1d0: {  	v1 =	vld [tilespmem:s29+$0x140E0];
	_ =	sdelay $0x4  }
0x1d1: {  	[tilespmem:s28+$0xD0] =	vst v1  }
0x1d2: {  	v1 =	vld [tilespmem:s29+$0x140F0];
	_ =	sdelay $0x4  }
0x1d3: {  	[tilespmem:s28+$0xE0] =	vst v1  }
0x1d4: {  	v1 =	vld [tilespmem:s29+$0x14100];
	_ =	sdelay $0x4  }
0x1d5: {  	s30 =	simm.s32 $0x17EC;
	s29 =	simm.s32 $0x3F7;
	[tilespmem:s28+$0xF0] =	vst v1  }
.LBB2_13:
0x1d6: {  	p1 =	sne.s32 s30, $0x101BC;
	v1 =	vld [tilespmem:s29+$0x13F0D];
	_ =	sdelay $0x3  }
0x1d7: {  	s28 =	sadd.s32 $0x200, s28  }
0x1d8: {  	[tilespmem:s28+$0xFFFFFF00] =	vst v1  }
0x1d9: {  	v1 =	vld [tilespmem:s29+$0x13F1D];
	_ =	sdelay $0x4  }
0x1da: {  	[tilespmem:s28+$0xFFFFFF10] =	vst v1  }
0x1db: {  	v1 =	vld [tilespmem:s29+$0x13F2D];
	_ =	sdelay $0x4  }
0x1dc: {  	[tilespmem:s28+$0xFFFFFF20] =	vst v1  }
0x1dd: {  	v1 =	vld [tilespmem:s29+$0x13F3D];
	_ =	sdelay $0x4  }
0x1de: {  	[tilespmem:s28+$0xFFFFFF30] =	vst v1  }
0x1df: {  	v1 =	vld [tilespmem:s29+$0x13F4D];
	_ =	sdelay $0x4  }
0x1e0: {  	[tilespmem:s28+$0xFFFFFF40] =	vst v1  }
0x1e1: {  	v1 =	vld [tilespmem:s29+$0x13F5D];
	_ =	sdelay $0x4  }
0x1e2: {  	[tilespmem:s28+$0xFFFFFF50] =	vst v1  }
0x1e3: {  	v1 =	vld [tilespmem:s29+$0x13F6D];
	_ =	sdelay $0x4  }
0x1e4: {  	[tilespmem:s28+$0xFFFFFF60] =	vst v1  }
0x1e5: {  	v1 =	vld [tilespmem:s29+$0x13F7D];
	_ =	sdelay $0x4  }
0x1e6: {  	[tilespmem:s28+$0xFFFFFF70] =	vst v1  }
0x1e7: {  	v1 =	vld [tilespmem:s29+$0x13F8E];
	_ =	sdelay $0x4  }
0x1e8: {  	[tilespmem:s28+$0xFFFFFF80] =	vst v1  }
0x1e9: {  	v1 =	vld [tilespmem:s29+$0x13F9E];
	_ =	sdelay $0x4  }
0x1ea: {  	[tilespmem:s28+$0xFFFFFF90] =	vst v1  }
0x1eb: {  	v1 =	vld [tilespmem:s29+$0x13FAE];
	_ =	sdelay $0x4  }
0x1ec: {  	[tilespmem:s28+$0xFFFFFFA0] =	vst v1  }
0x1ed: {  	v1 =	vld [tilespmem:s29+$0x13FBE];
	_ =	sdelay $0x4  }
0x1ee: {  	[tilespmem:s28+$0xFFFFFFB0] =	vst v1  }
0x1ef: {  	v1 =	vld [tilespmem:s29+$0x13FCE];
	_ =	sdelay $0x4  }
0x1f0: {  	[tilespmem:s28+$0xFFFFFFC0] =	vst v1  }
0x1f1: {  	v1 =	vld [tilespmem:s29+$0x13FDE];
	_ =	sdelay $0x4  }
0x1f2: {  	[tilespmem:s28+$0xFFFFFFD0] =	vst v1  }
0x1f3: {  	v1 =	vld [tilespmem:s29+$0x13FEE];
	_ =	sdelay $0x4  }
0x1f4: {  	[tilespmem:s28+$0xFFFFFFE0] =	vst v1  }
0x1f5: {  	v1 =	vld [tilespmem:s29+$0x13FFE];
	_ =	sdelay $0x4  }
0x1f6: {  	[tilespmem:s28+$0xFFFFFFF0] =	vst v1  }
0x1f7: {  	v1 =	vld [tilespmem:s29+$0x1400F];
	_ =	sdelay $0x4  }
0x1f8: {  	[tilespmem:s28+$0x0] =	vst v1  }
0x1f9: {  	v1 =	vld [tilespmem:s29+$0x1401F];
	_ =	sdelay $0x4  }
0x1fa: {  	[tilespmem:s28+$0x10] =	vst v1  }
0x1fb: {  	v1 =	vld [tilespmem:s29+$0x1402F];
	_ =	sdelay $0x4  }
0x1fc: {  	[tilespmem:s28+$0x20] =	vst v1  }
0x1fd: {  	v1 =	vld [tilespmem:s29+$0x1403F];
	_ =	sdelay $0x4  }
0x1fe: {  	[tilespmem:s28+$0x30] =	vst v1  }
0x1ff: {  	v1 =	vld [tilespmem:s29+$0x1404F];
	_ =	sdelay $0x4  }
0x200: {  	[tilespmem:s28+$0x40] =	vst v1  }
0x201: {  	v1 =	vld [tilespmem:s29+$0x1405F];
	_ =	sdelay $0x4  }
0x202: {  	[tilespmem:s28+$0x50] =	vst v1  }
0x203: {  	v1 =	vld [tilespmem:s29+$0x1406F];
	_ =	sdelay $0x4  }
0x204: {  	[tilespmem:s28+$0x60] =	vst v1  }
0x205: {  	v1 =	vld [tilespmem:s29+$0x1407F];
	_ =	sdelay $0x4  }
0x206: {  	[tilespmem:s28+$0x70] =	vst v1  }
0x207: {  	v1 =	vld [tilespmem:s29+$0x14090];
	_ =	sdelay $0x4  }
0x208: {  	[tilespmem:s28+$0x80] =	vst v1  }
0x209: {  	v1 =	vld [tilespmem:s29+$0x140A0];
	_ =	sdelay $0x4  }
0x20a: {  	[tilespmem:s28+$0x90] =	vst v1  }
0x20b: {  	v1 =	vld [tilespmem:s29+$0x140B0];
	_ =	sdelay $0x4  }
0x20c: {  	[tilespmem:s28+$0xA0] =	vst v1  }
0x20d: {  	v1 =	vld [tilespmem:s29+$0x140C0];
	_ =	sdelay $0x4  }
0x20e: {  	[tilespmem:s28+$0xB0] =	vst v1  }
0x20f: {  	v1 =	vld [tilespmem:s29+$0x140D0];
	_ =	sdelay $0x4  }
0x210: {  	[tilespmem:s28+$0xC0] =	vst v1  }
0x211: {  	v1 =	vld [tilespmem:s29+$0x140E0];
	_ =	sdelay $0x4  }
0x212: {  	[tilespmem:s28+$0xD0] =	vst v1  }
0x213: {  	v1 =	vld [tilespmem:s29+$0x140F0];
	_ =	sdelay $0x4  }
0x214: {  	[tilespmem:s28+$0xE0] =	vst v1  }
0x215: {  	v1 =	vld [tilespmem:s29+$0x14100]  }
.Ltmp7:
0x216: {  	(pc) =	sbr.rel @p1 .LBB2_13-.Ltmp7, $2  }
0x217: {  	_ =	sdelay $0x2  }
0x218: {  	s29 =	sshra.s32 s30, $0x2;
	s30 =	sadd.s32 $0x810, s30;
	[tilespmem:s28+$0xF0] =	vst v1  }
0x219: {  	v1 =	vld [tilespmem:s29+$0x13F0D];
	_ =	sdelay $0x3  }
0x21a: {  	s28 =	sadd.s32 $0x200, s28  }
0x21b: {  	[tilespmem:s28+$0xFFFFFF00] =	vst v1  }
0x21c: {  	v1 =	vld [tilespmem:s29+$0x13F1D];
	_ =	sdelay $0x4  }
0x21d: {  	[tilespmem:s28+$0xFFFFFF10] =	vst v1  }
0x21e: {  	v1 =	vld [tilespmem:s29+$0x13F2D];
	_ =	sdelay $0x4  }
0x21f: {  	[tilespmem:s28+$0xFFFFFF20] =	vst v1  }
0x220: {  	v1 =	vld [tilespmem:s29+$0x13F3D];
	_ =	sdelay $0x4  }
0x221: {  	[tilespmem:s28+$0xFFFFFF30] =	vst v1  }
0x222: {  	v1 =	vld [tilespmem:s29+$0x13F4D];
	_ =	sdelay $0x4  }
0x223: {  	[tilespmem:s28+$0xFFFFFF40] =	vst v1  }
0x224: {  	v1 =	vld [tilespmem:s29+$0x13F5D];
	_ =	sdelay $0x4  }
0x225: {  	[tilespmem:s28+$0xFFFFFF50] =	vst v1  }
0x226: {  	v1 =	vld [tilespmem:s29+$0x13F6D];
	_ =	sdelay $0x4  }
0x227: {  	[tilespmem:s28+$0xFFFFFF60] =	vst v1  }
0x228: {  	v1 =	vld [tilespmem:s29+$0x13F7D];
	_ =	sdelay $0x4  }
0x229: {  	[tilespmem:s28+$0xFFFFFF70] =	vst v1  }
0x22a: {  	v1 =	vld [tilespmem:s29+$0x13F8E];
	_ =	sdelay $0x4  }
0x22b: {  	[tilespmem:s28+$0xFFFFFF80] =	vst v1  }
0x22c: {  	v1 =	vld [tilespmem:s29+$0x13F9E];
	_ =	sdelay $0x4  }
0x22d: {  	[tilespmem:s28+$0xFFFFFF90] =	vst v1  }
0x22e: {  	v1 =	vld [tilespmem:s29+$0x13FAE];
	_ =	sdelay $0x4  }
0x22f: {  	[tilespmem:s28+$0xFFFFFFA0] =	vst v1  }
0x230: {  	v1 =	vld [tilespmem:s29+$0x13FBE];
	_ =	sdelay $0x4  }
0x231: {  	[tilespmem:s28+$0xFFFFFFB0] =	vst v1  }
0x232: {  	v1 =	vld [tilespmem:s29+$0x13FCE];
	_ =	sdelay $0x4  }
0x233: {  	[tilespmem:s28+$0xFFFFFFC0] =	vst v1  }
0x234: {  	v1 =	vld [tilespmem:s29+$0x13FDE];
	_ =	sdelay $0x4  }
0x235: {  	[tilespmem:s28+$0xFFFFFFD0] =	vst v1  }
0x236: {  	v1 =	vld [tilespmem:s29+$0x13FEE];
	_ =	sdelay $0x4  }
0x237: {  	[tilespmem:s28+$0xFFFFFFE0] =	vst v1  }
0x238: {  	v1 =	vld [tilespmem:s29+$0x13FFE];
	_ =	sdelay $0x4  }
0x239: {  	[tilespmem:s28+$0xFFFFFFF0] =	vst v1  }
0x23a: {  	v1 =	vld [tilespmem:s29+$0x1400F];
	_ =	sdelay $0x4  }
0x23b: {  	[tilespmem:s28+$0x0] =	vst v1  }
0x23c: {  	v1 =	vld [tilespmem:s29+$0x1401F];
	_ =	sdelay $0x4  }
0x23d: {  	[tilespmem:s28+$0x10] =	vst v1  }
0x23e: {  	v1 =	vld [tilespmem:s29+$0x1402F];
	_ =	sdelay $0x4  }
0x23f: {  	[tilespmem:s28+$0x20] =	vst v1  }
0x240: {  	v1 =	vld [tilespmem:s29+$0x1403F];
	_ =	sdelay $0x4  }
0x241: {  	[tilespmem:s28+$0x30] =	vst v1  }
0x242: {  	v1 =	vld [tilespmem:s29+$0x1404F];
	_ =	sdelay $0x4  }
0x243: {  	[tilespmem:s28+$0x40] =	vst v1  }
0x244: {  	v1 =	vld [tilespmem:s29+$0x1405F];
	_ =	sdelay $0x4  }
0x245: {  	[tilespmem:s28+$0x50] =	vst v1  }
0x246: {  	v1 =	vld [tilespmem:s29+$0x1406F];
	_ =	sdelay $0x4  }
0x247: {  	[tilespmem:s28+$0x60] =	vst v1  }
0x248: {  	v1 =	vld [tilespmem:s29+$0x1407F];
	_ =	sdelay $0x4  }
0x249: {  	[tilespmem:s28+$0x70] =	vst v1  }
0x24a: {  	v1 =	vld [tilespmem:s29+$0x14090];
	_ =	sdelay $0x4  }
0x24b: {  	[tilespmem:s28+$0x80] =	vst v1  }
0x24c: {  	v1 =	vld [tilespmem:s29+$0x140A0];
	_ =	sdelay $0x4  }
0x24d: {  	[tilespmem:s28+$0x90] =	vst v1  }
0x24e: {  	v1 =	vld [tilespmem:s29+$0x140B0];
	_ =	sdelay $0x4  }
0x24f: {  	[tilespmem:s28+$0xA0] =	vst v1  }
0x250: {  	v1 =	vld [tilespmem:s29+$0x140C0];
	_ =	sdelay $0x4  }
0x251: {  	[tilespmem:s28+$0xB0] =	vst v1  }
0x252: {  	v1 =	vld [tilespmem:s29+$0x140D0];
	_ =	sdelay $0x4  }
0x253: {  	[tilespmem:s28+$0xC0] =	vst v1  }
0x254: {  	v1 =	vld [tilespmem:s29+$0x140E0];
	_ =	sdelay $0x4  }
0x255: {  	[tilespmem:s28+$0xD0] =	vst v1  }
0x256: {  	v1 =	vld [tilespmem:s29+$0x140F0];
	_ =	sdelay $0x4  }
0x257: {  	[tilespmem:s28+$0xE0] =	vst v1  }
0x258: {  	v1 =	vld [tilespmem:s29+$0x14100]  }
0x259: {  	p1 =	sne.s32 s24, $0xF  }
.Ltmp8:
0x25a: {  	_ = 	snop;
	(pc) =	sbr.rel @p1 .LBB2_16-.Ltmp8, $4  }
0x25b: {  	_ = 	snop  }
0x25c: {  	s26 =	sshrl.u32 s26, $0x3  }
0x25d: {  	s31 =	sadd.s32 s3, s26;
	[tilespmem:s28+$0xF0] =	vst v1  }
0x25e: {  	[hbm4b:s31+s4] =	stream.linear.scatter [tilespmem:s18], [sflag:$0x3], $0x4000, $0x38;
	[tilespmem:$0x18180] =	vst v63  }
.Ltmp9:
0x25f: {  	(pc) =	sbr.rel .LBB2_17-.Ltmp9, $4  }
0x260: {  	_ = 	snop  }
0x261: {  	_ =	swait.ge [sflag:s19], $0x4000  }
0x262: {  	[sflag:s19] =	ssyncset.done $0x0  }
0x263: {  	[sflag:s19] =	ssyncadd.s32 $0xFFFFC000  }
.LBB2_16:
0x264: {  	s28 =	sadd.s32 s25, s9  }
0x265: {  	s28 =	sshrl.u32 s28, $0x3  }
.Ltmp10:
0x266: {  	s28 =	sadd.s32 s6, s28;
	(pc) =	sbr.rel @p0 .LBB2_18-.Ltmp10, $4  }
0x267: {  	[tilespmem:s13], [sflag:$0x1] =	stream.linear.gather [hbm4b:s28+s4], $0x4000, $0x38;
	[tilespmem:$0x18180] =	vst v63  }
0x268: {  	_ =	swait.ge [sflag:s19], $0x4000  }
0x269: {  	[sflag:s19] =	ssyncset.done $0x0  }
0x26a: {  	[sflag:s19] =	ssyncadd.s32 $0xFFFFC000  }
.LBB2_17:
0x26b: {  	_ =	swait.ge [sflag:s20], $0x4000  }
0x26c: {  	[sflag:s20] =	ssyncset.done $0x0  }
0x26d: {  	[sflag:s20] =	ssyncadd.s32 $0xFFFFC000  }
.LBB2_18:
0x26e: {  	s28 =	simm.s32 $0x4180  }
0x26f: {  	s29 =	simm.s32 $0x7CC;
	s30 =	simm.s32 $0xFDC;
	v1 =	vld [tilespmem:s28+$0xFFFFFF00]  }
.LBB2_19:
0x270: {  	p0 =	sne.s32 s30, $0x101BC;
	_ =	sdelay $0x2  }
0x271: {  	s31 =	sshra.s32 s29, $0x2;
	s29 =	smov.u32 s30  }
0x272: {  	[tilespmem:s31+$0xFE8D] =	vst v1  }
0x273: {  	v1 =	vld [tilespmem:s28+$0xFFFFFF10];
	_ =	sdelay $0x4  }
0x274: {  	[tilespmem:s31+$0xFE9D] =	vst v1  }
0x275: {  	v1 =	vld [tilespmem:s28+$0xFFFFFF20];
	_ =	sdelay $0x4  }
0x276: {  	[tilespmem:s31+$0xFEAD] =	vst v1  }
0x277: {  	v1 =	vld [tilespmem:s28+$0xFFFFFF30];
	_ =	sdelay $0x4  }
0x278: {  	[tilespmem:s31+$0xFEBD] =	vst v1  }
0x279: {  	v1 =	vld [tilespmem:s28+$0xFFFFFF40];
	_ =	sdelay $0x4  }
0x27a: {  	[tilespmem:s31+$0xFECD] =	vst v1  }
0x27b: {  	v1 =	vld [tilespmem:s28+$0xFFFFFF50];
	_ =	sdelay $0x4  }
0x27c: {  	[tilespmem:s31+$0xFEDD] =	vst v1  }
0x27d: {  	v1 =	vld [tilespmem:s28+$0xFFFFFF60];
	_ =	sdelay $0x4  }
0x27e: {  	[tilespmem:s31+$0xFEED] =	vst v1  }
0x27f: {  	v1 =	vld [tilespmem:s28+$0xFFFFFF70];
	_ =	sdelay $0x4  }
0x280: {  	[tilespmem:s31+$0xFEFD] =	vst v1  }
0x281: {  	v1 =	vld [tilespmem:s28+$0xFFFFFF80];
	_ =	sdelay $0x4  }
0x282: {  	[tilespmem:s31+$0xFF0E] =	vst v1  }
0x283: {  	v1 =	vld [tilespmem:s28+$0xFFFFFF90];
	_ =	sdelay $0x4  }
0x284: {  	[tilespmem:s31+$0xFF1E] =	vst v1  }
0x285: {  	v1 =	vld [tilespmem:s28+$0xFFFFFFA0];
	_ =	sdelay $0x4  }
0x286: {  	[tilespmem:s31+$0xFF2E] =	vst v1  }
0x287: {  	v1 =	vld [tilespmem:s28+$0xFFFFFFB0];
	_ =	sdelay $0x4  }
0x288: {  	[tilespmem:s31+$0xFF3E] =	vst v1  }
0x289: {  	v1 =	vld [tilespmem:s28+$0xFFFFFFC0];
	_ =	sdelay $0x4  }
0x28a: {  	[tilespmem:s31+$0xFF4E] =	vst v1  }
0x28b: {  	v1 =	vld [tilespmem:s28+$0xFFFFFFD0];
	_ =	sdelay $0x4  }
0x28c: {  	[tilespmem:s31+$0xFF5E] =	vst v1  }
0x28d: {  	v1 =	vld [tilespmem:s28+$0xFFFFFFE0];
	_ =	sdelay $0x4  }
0x28e: {  	[tilespmem:s31+$0xFF6E] =	vst v1  }
0x28f: {  	v1 =	vld [tilespmem:s28+$0xFFFFFFF0];
	_ =	sdelay $0x4  }
0x290: {  	[tilespmem:s31+$0xFF7E] =	vst v1  }
0x291: {  	v1 =	vld [tilespmem:s28+$0x0];
	_ =	sdelay $0x4  }
0x292: {  	[tilespmem:s31+$0xFF8F] =	vst v1  }
0x293: {  	v1 =	vld [tilespmem:s28+$0x10];
	_ =	sdelay $0x4  }
0x294: {  	[tilespmem:s31+$0xFF9F] =	vst v1  }
0x295: {  	v1 =	vld [tilespmem:s28+$0x20];
	_ =	sdelay $0x4  }
0x296: {  	[tilespmem:s31+$0xFFAF] =	vst v1  }
0x297: {  	v1 =	vld [tilespmem:s28+$0x30];
	_ =	sdelay $0x4  }
0x298: {  	[tilespmem:s31+$0xFFBF] =	vst v1  }
0x299: {  	v1 =	vld [tilespmem:s28+$0x40];
	_ =	sdelay $0x4  }
0x29a: {  	[tilespmem:s31+$0xFFCF] =	vst v1  }
0x29b: {  	v1 =	vld [tilespmem:s28+$0x50];
	_ =	sdelay $0x4  }
0x29c: {  	[tilespmem:s31+$0xFFDF] =	vst v1  }
0x29d: {  	v1 =	vld [tilespmem:s28+$0x60];
	_ =	sdelay $0x4  }
0x29e: {  	[tilespmem:s31+$0xFFEF] =	vst v1  }
0x29f: {  	v1 =	vld [tilespmem:s28+$0x70];
	_ =	sdelay $0x4  }
0x2a0: {  	[tilespmem:s31+$0xFFFF] =	vst v1  }
0x2a1: {  	v1 =	vld [tilespmem:s28+$0x80];
	_ =	sdelay $0x4  }
0x2a2: {  	[tilespmem:s31+$0x10010] =	vst v1  }
0x2a3: {  	v1 =	vld [tilespmem:s28+$0x90];
	_ =	sdelay $0x4  }
0x2a4: {  	[tilespmem:s31+$0x10020] =	vst v1  }
0x2a5: {  	v1 =	vld [tilespmem:s28+$0xA0];
	_ =	sdelay $0x4  }
0x2a6: {  	[tilespmem:s31+$0x10030] =	vst v1  }
0x2a7: {  	v1 =	vld [tilespmem:s28+$0xB0];
	_ =	sdelay $0x4  }
0x2a8: {  	[tilespmem:s31+$0x10040] =	vst v1  }
0x2a9: {  	v1 =	vld [tilespmem:s28+$0xC0];
	_ =	sdelay $0x4  }
0x2aa: {  	[tilespmem:s31+$0x10050] =	vst v1  }
0x2ab: {  	v1 =	vld [tilespmem:s28+$0xD0];
	_ =	sdelay $0x4  }
0x2ac: {  	[tilespmem:s31+$0x10060] =	vst v1  }
0x2ad: {  	v1 =	vld [tilespmem:s28+$0xE0];
	_ =	sdelay $0x4  }
0x2ae: {  	[tilespmem:s31+$0x10070] =	vst v1  }
0x2af: {  	v1 =	vld [tilespmem:s28+$0xF0];
	_ =	sdelay $0x1  }
.Ltmp11:
0x2b0: {  	(pc) =	sbr.rel @p0 .LBB2_19-.Ltmp11, $3  }
0x2b1: {  	_ =	sdelay $0x1  }
0x2b2: {  	s28 =	sadd.s32 $0x200, s28;
	[tilespmem:s31+$0x10080] =	vst v1  }
0x2b3: {  	s30 =	sadd.s32 $0x810, s30;
	v1 =	vld [tilespmem:s28+$0xFFFFFF00]  }
0x2b4: {  	_ =	sdelay $0x2  }
0x2b5: {  	s29 =	sshra.s32 s29, $0x2  }
0x2b6: {  	[tilespmem:s29+$0xFE8D] =	vst v1  }
0x2b7: {  	v1 =	vld [tilespmem:s28+$0xFFFFFF10];
	_ =	sdelay $0x4  }
0x2b8: {  	[tilespmem:s29+$0xFE9D] =	vst v1  }
0x2b9: {  	v1 =	vld [tilespmem:s28+$0xFFFFFF20];
	_ =	sdelay $0x4  }
0x2ba: {  	[tilespmem:s29+$0xFEAD] =	vst v1  }
0x2bb: {  	v1 =	vld [tilespmem:s28+$0xFFFFFF30];
	_ =	sdelay $0x4  }
0x2bc: {  	[tilespmem:s29+$0xFEBD] =	vst v1  }
0x2bd: {  	v1 =	vld [tilespmem:s28+$0xFFFFFF40];
	_ =	sdelay $0x4  }
0x2be: {  	[tilespmem:s29+$0xFECD] =	vst v1  }
0x2bf: {  	v1 =	vld [tilespmem:s28+$0xFFFFFF50];
	_ =	sdelay $0x4  }
0x2c0: {  	[tilespmem:s29+$0xFEDD] =	vst v1  }
0x2c1: {  	v1 =	vld [tilespmem:s28+$0xFFFFFF60];
	_ =	sdelay $0x4  }
0x2c2: {  	[tilespmem:s29+$0xFEED] =	vst v1  }
0x2c3: {  	v1 =	vld [tilespmem:s28+$0xFFFFFF70];
	_ =	sdelay $0x4  }
0x2c4: {  	[tilespmem:s29+$0xFEFD] =	vst v1  }
0x2c5: {  	v1 =	vld [tilespmem:s28+$0xFFFFFF80];
	_ =	sdelay $0x4  }
0x2c6: {  	[tilespmem:s29+$0xFF0E] =	vst v1  }
0x2c7: {  	v1 =	vld [tilespmem:s28+$0xFFFFFF90];
	_ =	sdelay $0x4  }
0x2c8: {  	[tilespmem:s29+$0xFF1E] =	vst v1  }
0x2c9: {  	v1 =	vld [tilespmem:s28+$0xFFFFFFA0];
	_ =	sdelay $0x4  }
0x2ca: {  	[tilespmem:s29+$0xFF2E] =	vst v1  }
0x2cb: {  	v1 =	vld [tilespmem:s28+$0xFFFFFFB0];
	_ =	sdelay $0x4  }
0x2cc: {  	[tilespmem:s29+$0xFF3E] =	vst v1  }
0x2cd: {  	v1 =	vld [tilespmem:s28+$0xFFFFFFC0];
	_ =	sdelay $0x4  }
0x2ce: {  	[tilespmem:s29+$0xFF4E] =	vst v1  }
0x2cf: {  	v1 =	vld [tilespmem:s28+$0xFFFFFFD0];
	_ =	sdelay $0x4  }
0x2d0: {  	[tilespmem:s29+$0xFF5E] =	vst v1  }
0x2d1: {  	v1 =	vld [tilespmem:s28+$0xFFFFFFE0];
	_ =	sdelay $0x4  }
0x2d2: {  	[tilespmem:s29+$0xFF6E] =	vst v1  }
0x2d3: {  	v1 =	vld [tilespmem:s28+$0xFFFFFFF0];
	_ =	sdelay $0x4  }
0x2d4: {  	[tilespmem:s29+$0xFF7E] =	vst v1  }
0x2d5: {  	v1 =	vld [tilespmem:s28+$0x0];
	_ =	sdelay $0x4  }
0x2d6: {  	[tilespmem:s29+$0xFF8F] =	vst v1  }
0x2d7: {  	v1 =	vld [tilespmem:s28+$0x10];
	_ =	sdelay $0x4  }
0x2d8: {  	[tilespmem:s29+$0xFF9F] =	vst v1  }
0x2d9: {  	v1 =	vld [tilespmem:s28+$0x20];
	_ =	sdelay $0x4  }
0x2da: {  	[tilespmem:s29+$0xFFAF] =	vst v1  }
0x2db: {  	v1 =	vld [tilespmem:s28+$0x30];
	_ =	sdelay $0x4  }
0x2dc: {  	[tilespmem:s29+$0xFFBF] =	vst v1  }
0x2dd: {  	v1 =	vld [tilespmem:s28+$0x40];
	_ =	sdelay $0x4  }
0x2de: {  	[tilespmem:s29+$0xFFCF] =	vst v1  }
0x2df: {  	v1 =	vld [tilespmem:s28+$0x50];
	_ =	sdelay $0x4  }
0x2e0: {  	[tilespmem:s29+$0xFFDF] =	vst v1  }
0x2e1: {  	v1 =	vld [tilespmem:s28+$0x60];
	_ =	sdelay $0x4  }
0x2e2: {  	[tilespmem:s29+$0xFFEF] =	vst v1  }
0x2e3: {  	v1 =	vld [tilespmem:s28+$0x70];
	_ =	sdelay $0x4  }
0x2e4: {  	[tilespmem:s29+$0xFFFF] =	vst v1  }
0x2e5: {  	v1 =	vld [tilespmem:s28+$0x80];
	_ =	sdelay $0x4  }
0x2e6: {  	[tilespmem:s29+$0x10010] =	vst v1  }
0x2e7: {  	v1 =	vld [tilespmem:s28+$0x90];
	_ =	sdelay $0x4  }
0x2e8: {  	[tilespmem:s29+$0x10020] =	vst v1  }
0x2e9: {  	v1 =	vld [tilespmem:s28+$0xA0];
	_ =	sdelay $0x4  }
0x2ea: {  	[tilespmem:s29+$0x10030] =	vst v1  }
0x2eb: {  	v1 =	vld [tilespmem:s28+$0xB0];
	_ =	sdelay $0x4  }
0x2ec: {  	[tilespmem:s29+$0x10040] =	vst v1  }
0x2ed: {  	v1 =	vld [tilespmem:s28+$0xC0];
	_ =	sdelay $0x4  }
0x2ee: {  	[tilespmem:s29+$0x10050] =	vst v1  }
0x2ef: {  	v1 =	vld [tilespmem:s28+$0xD0];
	_ =	sdelay $0x4  }
0x2f0: {  	[tilespmem:s29+$0x10060] =	vst v1  }
0x2f1: {  	v1 =	vld [tilespmem:s28+$0xE0];
	_ =	sdelay $0x4  }
0x2f2: {  	[tilespmem:s29+$0x10070] =	vst v1  }
0x2f3: {  	v1 =	vld [tilespmem:s28+$0xF0];
	_ =	sdelay $0x4  }
0x2f4: {  	s28 =	simm.s32 $0x0;
	[tilespmem:s29+$0x10080] =	vst v1  }
.LBB2_21:
0x2f5: {  	s29 =	smul.u32 $0x810, s28;
	_ =	sdelay $0x1  }
0x2f6: {  	v1 =	vadd.s32 s29, v0  }
0x2f7: {  	v5 =	vadd.s32 $0x4, v1  }
0x2f8: {  	v3 =	vadd.s32 $0x5, v1  }
0x2f9: {  	v2 =	vadd.s32 $0x6, v1  }
0x2fa: {  	v8 =	vadd.s32 $0x1, v1  }
0x2fb: {  	v7 =	vadd.s32 $0x2, v1;
	v19 =	vld.idx.msk [tilespmem:v1+s16+$0x0], $0xffff  }
0x2fc: {  	v6 =	vadd.s32 $0x3, v1;
	v20 =	vld.idx.msk [tilespmem:v5+s16+$0x0], $0xffff  }
0x2fd: {  	v4 =	vadd.s32 $0x7, v1;
	v12 =	vld.idx.msk [tilespmem:v3+s16+$0x0], $0xffff  }
0x2fe: {  	v11 =	vadd.s32 $0x8, v1;
	v16 =	vld.idx.msk [tilespmem:v2+s16+$0x0], $0xffff  }
0x2ff: {  	v18 =	vadd.s32 $0x4, v11;
	v9 =	vld.idx.msk [tilespmem:v8+s16+$0x0], $0xffff  }
0x300: {  	v23 =	vadd.s32 $0x5, v11;
	v10 =	vld.idx.msk [tilespmem:v7+s16+$0x0], $0xffff  }
0x301: {  	v25 =	vadd.s32 $0x6, v11;
	v14 =	vld.idx.msk [tilespmem:v6+s16+$0x0], $0xffff  }
0x302: {  	v27 =	vadd.s32 $0x1, v11;
	v13 =	vld.idx.msk [tilespmem:v4+s16+$0x0], $0xffff  }
0x303: {  	v17 =	vimm.f32 $-Inf;
	v24 =	vimm.f32 $-Inf;
	v28 =	vadd.s32 $0x2, v11;
	v15 =	vld.idx.msk [tilespmem:v11+s16+$0x0], $0xffff  }
0x304: {  	v21 =	vimm.f32 $-Inf;
	v22 =	vimm.f32 $-Inf;
	s29 =	simm.s32 $0xE;
	v26 =	vadd.s32 $0x3, v11;
	v18 =	vld.idx.msk [tilespmem:v18+s16+$0x0], $0xffff  }
.LBB2_22:
0x305: {  	p0 =	sne.s32 s29, $0x1;
	v29 =	vld.idx.msk [tilespmem:v23+s16+$0x0], $0xffff;
	v30 =	vadd.s32 $0x7, v11;
	v11 =	vadd.s32 $0x8, v11;
	v17 =	vmax.f32 v17, v19  }
0x306: {  	v31 =	vadd.s32 $0x4, v11;
	v23 =	vadd.s32 $0x5, v11;
	v32 =	vld.idx.msk [tilespmem:v25+s16+$0x0], $0xffff;
	v17 =	vmax.f32 v17, v20  }
0x307: {  	v33 =	vmax.f32 v24, v9;
	v20 =	vmax.f32 v21, v10;
	v14 =	vmax.f32 v22, v14;
	v9 =	vld.idx.msk [tilespmem:v27+s16+$0x0], $0xffff  }
.Ltmp12:
0x308: {  	v24 =	vmax.f32 v33, v12;
	v21 =	vmax.f32 v20, v16;
	v22 =	vmax.f32 v14, v13;
	v10 =	vld.idx.msk [tilespmem:v28+s16+$0x0], $0xffff;
	(pc) =	sbr.rel @p0 .LBB2_22-.Ltmp12, $4  }
0x309: {  	v25 =	vadd.s32 $0x6, v11;
	v19 =	vmov v15;
	v14 =	vld.idx.msk [tilespmem:v26+s16+$0x0], $0xffff  }
0x30a: {  	v27 =	vadd.s32 $0x1, v11;
	v20 =	vmov v18;
	v13 =	vld.idx.msk [tilespmem:v30+s16+$0x0], $0xffff  }
0x30b: {  	v28 =	vadd.s32 $0x2, v11;
	v12 =	vmov v29;
	v15 =	vld.idx.msk [tilespmem:v11+s16+$0x0], $0xffff  }
0x30c: {  	s29 =	sadd.s32 $0xFFFFFFFF, s29;
	v26 =	vadd.s32 $0x3, v11;
	v16 =	vmov v32;
	v18 =	vld.idx.msk [tilespmem:v31+s16+$0x0], $0xffff  }
0x30d: {  	_ =	sdelay $0x3  }
0x30e: {  	v23 =	vld.idx.msk [tilespmem:v23+s16+$0x0], $0xffff;
	v11 =	vadd.s32 $0x7, v11  }
0x30f: {  	v25 =	vld.idx.msk [tilespmem:v25+s16+$0x0], $0xffff  }
0x310: {  	v27 =	vld.idx.msk [tilespmem:v27+s16+$0x0], $0xffff  }
0x311: {  	v28 =	vld.idx.msk [tilespmem:v28+s16+$0x0], $0xffff  }
0x312: {  	v26 =	vld.idx.msk [tilespmem:v26+s16+$0x0], $0xffff  }
0x313: {  	v17 =	vmax.f32 v17, v19;
	v11 =	vld.idx.msk [tilespmem:v11+s16+$0x0], $0xffff  }
0x314: {  	v9 =	vmax.f32 v24, v9;
	v10 =	vmax.f32 v21, v10;
	v17 =	vmax.f32 v17, v20  }
0x315: {  	v14 =	vmax.f32 v22, v14;
	v9 =	vmax.f32 v9, v12;
	v12 =	vmax.f32 v17, v15  }
0x316: {  	v10 =	vmax.f32 v10, v16;
	v13 =	vmax.f32 v14, v13;
	v14 =	vld.idx.msk [tilespmem:v4+s16+$0x0], $0xffff;
	v12 =	vmax.f32 v12, v18  }
0x317: {  	v9 =	vmax.f32 v9, v27;
	v10 =	vmax.f32 v10, v28;
	v13 =	vmax.f32 v13, v26  }
0x318: {  	v9 =	vmax.f32 v9, v23;
	v10 =	vmax.f32 v10, v25;
	v11 =	vmax.f32 v13, v11  }
0x319: {  	v16 =	vld.idx.msk [tilespmem:v5+s16+$0x0], $0xffff;
	v9 =	vmax.f32 v12, v9;
	v10 =	vmax.f32 v10, v11  }
0x31a: {  	v17 =	vld.idx.msk [tilespmem:v3+s16+$0x0], $0xffff;
	v10 =	vmax.f32 v9, v10  }
0x31b: {  	v12 =	vld.idx.msk [tilespmem:v8+s16+$0x0], $0xffff;
	v9 =	vsub.f32 v14, v10  }
0x31c: {  	v13 =	vld.idx.msk [tilespmem:v7+s16+$0x0], $0xffff  }
0x31d: {  	v14 =	vld.idx.msk [tilespmem:v6+s16+$0x0], $0xffff;
	v15 =	vmul.f32 $1.442695020e+00, v9;
	v9 =	vadd.s32 $0x8, v1  }
0x31e: {  	v18 =	vadd.s32 $0x7, v9  }
0x31f: {  	v11 =	vld.idx.msk [tilespmem:v1+s16+$0x0], $0xffff;
	v20 =	vadd.s32 $0x1, v9  }
0x320: {  	v19 =	vld.idx.msk [tilespmem:v2+s16+$0x0], $0xffff;
	v12 =	vsub.f32 v12, v10;
	v16 =	vsub.f32 v16, v10;
	v21 =	vadd.s32 $0x2, v9  }
0x321: {  	v17 =	vsub.f32 v17, v10;
	v13 =	vsub.f32 v13, v10;
	(erf) = vpow2.f32 v15  }
0x322: {  	v12 =	vmul.f32 $1.442695020e+00, v12;
	v16 =	vmul.f32 $1.442695020e+00, v16;
	v14 =	vsub.f32 v14, v10;
	v23 =	vld.idx.msk [tilespmem:v9+s16+$0x0], $0xffff  }
0x323: {  	v17 =	vmul.f32 $1.442695020e+00, v17;
	v22 =	vadd.s32 $0x3, v9;
	v13 =	vmul.f32 $1.442695020e+00, v13;
	v18 =	vld.idx.msk [tilespmem:v18+s16+$0x0], $0xffff  }
0x324: {  	v15 =	vsub.f32 v11, v10;
	(erf) = vpow2.f32 v12;
	v14 =	vmul.f32 $1.442695020e+00, v14;
	v20 =	vld.idx.msk [tilespmem:v20+s16+$0x0], $0xffff  }
0x325: {  	v11 =	vimm.f32 $0.0e+00;
	v12 =	vsub.f32 v19, v10;
	(erf) = vpow2.f32 v13;
	v21 =	vld.idx.msk [tilespmem:v21+s16+$0x0], $0xffff  }
0x326: {  	v15 =	vmul.f32 $1.442695020e+00, v15;
	v13 =	vadd.s32 $0x4, v9;
	(erf) = vpow2.f32 v14  }
0x327: {  	v19 =	vmul.f32 $1.442695020e+00, v12;
	v14 =	vadd.s32 $0x5, v9;
	(erf) = vpow2.f32 v16  }
0x328: {  	v16 =	vadd.s32 $0x6, v9;
	(erf) = vpow2.f32 v17;
	v23 =	vsub.f32 v23, v10  }
0x329: {  	(erf) = vpow2.f32 v19;
	v17 =	vsub.f32 v18, v10;
	v28 =	vsub.f32 v20, v10  }
0x32a: {  	v22 =	vld.idx.msk [tilespmem:v22+s16+$0x0], $0xffff;
	v12 =	vpop (erf);
	(erf) = vpow2.f32 v15;
	v27 =	vsub.f32 v21, v10;
	v20 =	vadd.s32 $0x8, v9  }
0x32b: {  	v15 =	vimm.f32 $0.0e+00;
	v18 =	vimm.f32 $0.0e+00;
	v19 =	vmul.f32 $1.442695020e+00, v23;
	v23 =	vld.idx.msk [tilespmem:v13+s16+$0x0], $0xffff  }
0x32c: {  	v12 =	vadd.f32 v12, v11;
	v26 =	vadd.s32 $0x1, v20;
	v21 =	vadd.s32 $0x2, v20;
	v25 =	vld.idx.msk [tilespmem:v14+s16+$0x0], $0xffff  }
0x32d: {  	v29 =	vadd.s32 $0x7, v20;
	v13 =	vimm.f32 $0.0e+00;
	v30 =	vmul.f32 $1.442695020e+00, v17;
	v24 =	vld.idx.msk [tilespmem:v16+s16+$0x0], $0xffff  }
0x32e: {  	s29 =	simm.s32 $0xD;
	v14 =	vimm.f32 $0.0e+00;
	v16 =	vimm.f32 $0.0e+00;
	v17 =	vimm.f32 $0.0e+00  }
.LBB2_24:
0x32f: {  	p0 =	sne.s32 s29, $0x1;
	v31 =	vadd.s32 $0x3, v20;
	v32 =	vadd.s32 $0x4, v20;
	(erf) = vpow2.f32 v30;
	v30 =	vpop (erf)  }
0x330: {  	v33 =	vadd.s32 $0x5, v20;
	v34 =	vadd.s32 $0x6, v20;
	v22 =	vsub.f32 v22, v10;
	v35 =	vpop (erf)  }
0x331: {  	v28 =	vmul.f32 $1.442695020e+00, v28;
	v41 =	vsub.f32 v23, v10;
	v42 =	vsub.f32 v25, v10;
	v36 =	vpop (erf)  }
0x332: {  	v27 =	vmul.f32 $1.442695020e+00, v27;
	v38 =	vmul.f32 $1.442695020e+00, v22;
	v22 =	vsub.f32 v24, v10;
	v37 =	vld.idx.msk [tilespmem:v20+s16+$0x0], $0xffff;
	v24 =	vpop (erf)  }
0x333: {  	v11 =	vadd.f32 v30, v11;
	v39 =	vmul.f32 $1.442695020e+00, v41;
	v40 =	vmul.f32 $1.442695020e+00, v42;
	v29 =	vld.idx.msk [tilespmem:v29+s16+$0x0], $0xffff;
	v23 =	vpop (erf)  }
0x334: {  	v13 =	vadd.f32 v35, v13;
	v30 =	vmul.f32 $1.442695020e+00, v22;
	v26 =	vld.idx.msk [tilespmem:v26+s16+$0x0], $0xffff;
	(erf) = vpow2.f32 v28;
	v25 =	vpop (erf)  }
0x335: {  	v14 =	vadd.f32 v36, v14;
	v15 =	vadd.f32 v24, v15;
	v21 =	vld.idx.msk [tilespmem:v21+s16+$0x0], $0xffff;
	(erf) = vpow2.f32 v27;
	v24 =	vpop (erf)  }
0x336: {  	v18 =	vadd.f32 v23, v18;
	v16 =	vadd.f32 v25, v16;
	v22 =	vld.idx.msk [tilespmem:v31+s16+$0x0], $0xffff;
	(erf) = vpow2.f32 v38  }
0x337: {  	v17 =	vadd.f32 v24, v17;
	v23 =	vld.idx.msk [tilespmem:v32+s16+$0x0], $0xffff;
	(erf) = vpow2.f32 v39  }
.Ltmp13:
0x338: {  	v27 =	vsub.f32 v37, v10;
	v25 =	vld.idx.msk [tilespmem:v33+s16+$0x0], $0xffff;
	(erf) = vpow2.f32 v40;
	v28 =	vpop (erf);
	(pc) =	sbr.rel @p0 .LBB2_24-.Ltmp13, $4  }
0x339: {  	v29 =	vsub.f32 v29, v10;
	v24 =	vld.idx.msk [tilespmem:v34+s16+$0x0], $0xffff;
	v12 =	vadd.f32 v28, v12;
	(erf) = vpow2.f32 v30  }
0x33a: {  	v28 =	vsub.f32 v26, v10;
	(erf) = vpow2.f32 v19;
	v19 =	vmul.f32 $1.442695020e+00, v27  }
0x33b: {  	v20 =	vadd.s32 $0x8, v20;
	v27 =	vsub.f32 v21, v10;
	v30 =	vmul.f32 $1.442695020e+00, v29  }
0x33c: {  	s29 =	sadd.s32 $0xFFFFFFFF, s29;
	v26 =	vadd.s32 $0x1, v20;
	v21 =	vadd.s32 $0x2, v20;
	v29 =	vadd.s32 $0x7, v20  }
0x33d: {  	_ =	sdelay $0x1  }
0x33e: {  	v31 =	vadd.s32 $0x3, v20  }
0x33f: {  	v32 =	vadd.s32 $0x4, v20;
	(erf) = vpow2.f32 v30  }
0x340: {  	v41 =	vadd.s32 $0x5, v20;
	v22 =	vsub.f32 v22, v10;
	v28 =	vmul.f32 $1.442695020e+00, v28;
	v29 =	vld.idx.msk [tilespmem:v29+s16+$0x0], $0xffff  }
0x341: {  	v33 =	vadd.s32 $0x6, v20;
	v23 =	vsub.f32 v23, v10;
	v27 =	vmul.f32 $1.442695020e+00, v27;
	v26 =	vld.idx.msk [tilespmem:v26+s16+$0x0], $0xffff  }
0x342: {  	v25 =	vsub.f32 v25, v10;
	v21 =	vld.idx.msk [tilespmem:v21+s16+$0x0], $0xffff;
	v22 =	vmul.f32 $1.442695020e+00, v22;
	(erf) = vpow2.f32 v28  }
0x343: {  	v42 =	vpop (erf);
	v24 =	vsub.f32 v24, v10;
	v23 =	vmul.f32 $1.442695020e+00, v23;
	(erf) = vpow2.f32 v27;
	v43 =	vld.idx.msk [tilespmem:v31+s16+$0x0], $0xffff  }
0x344: {  	v44 =	vpop (erf);
	v25 =	vmul.f32 $1.442695020e+00, v25;
	(erf) = vpow2.f32 v22;
	v45 =	vld.idx.msk [tilespmem:v32+s16+$0x0], $0xffff  }
0x345: {  	v46 =	vpop (erf);
	v24 =	vmul.f32 $1.442695020e+00, v24;
	(erf) = vpow2.f32 v23;
	v47 =	vld.idx.msk [tilespmem:v41+s16+$0x0], $0xffff;
	v29 =	vsub.f32 v29, v10  }
0x346: {  	v48 =	vpop (erf);
	v49 =	vld.idx.msk [tilespmem:v33+s16+$0x0], $0xffff;
	v26 =	vsub.f32 v26, v10;
	(erf) = vpow2.f32 v25  }
0x347: {  	v50 =	vld.idx.msk [tilespmem:v20+s16+$0x0], $0xffff;
	v51 =	vpop (erf);
	v21 =	vsub.f32 v21, v10;
	(erf) = vpow2.f32 v24;
	v52 =	vmul.f32 $1.442695020e+00, v29  }
0x348: {  	v53 =	vpop (erf);
	v26 =	vmul.f32 $1.442695020e+00, v26;
	(erf) = vpow2.f32 v19;
	v54 =	vsub.f32 v43, v10  }
0x349: {  	v55 =	vpop (erf);
	v21 =	vmul.f32 $1.442695020e+00, v21;
	(erf) = vpow2.f32 v52;
	v22 =	vsub.f32 v45, v10  }
0x34a: {  	v56 =	vpop (erf);
	v23 =	vsub.f32 v47, v10;
	(erf) = vpow2.f32 v26;
	v19 =	vmul.f32 $1.442695020e+00, v54  }
0x34b: {  	v25 =	vsub.f32 v49, v10;
	v57 =	vpop (erf);
	(erf) = vpow2.f32 v21;
	v22 =	vmul.f32 $1.442695020e+00, v22  }
0x34c: {  	v20 =	vsub.f32 v50, v10;
	v58 =	vpop (erf);
	v23 =	vmul.f32 $1.442695020e+00, v23;
	(erf) = vpow2.f32 v19  }
0x34d: {  	v25 =	vmul.f32 $1.442695020e+00, v25;
	v59 =	vpop (erf);
	(erf) = vpow2.f32 v22  }
0x34e: {  	v20 =	vmul.f32 $1.442695020e+00, v20;
	v60 =	vpop (erf);
	(erf) = vpow2.f32 v23  }
0x34f: {  	v11 =	vadd.f32 v42, v11;
	v61 =	vpop (erf);
	(erf) = vpow2.f32 v25  }
0x350: {  	v13 =	vadd.f32 v44, v13;
	v14 =	vadd.f32 v46, v14;
	v62 =	vpop (erf);
	(erf) = vpow2.f32 v20  }
0x351: {  	v15 =	vadd.f32 v48, v15;
	v18 =	vadd.f32 v51, v18;
	v63 =	vpop (erf)  }
0x352: {  	v16 =	vadd.f32 v53, v16;
	v17 =	vadd.f32 v55, v17;
	v33 =	vpop (erf)  }
0x353: {  	v12 =	vadd.f32 v56, v12;
	v11 =	vadd.f32 v57, v11;
	v34 =	vpop (erf)  }
0x354: {  	v13 =	vadd.f32 v58, v13;
	v14 =	vadd.f32 v59, v14;
	v35 =	vpop (erf)  }
0x355: {  	v15 =	vadd.f32 v60, v15;
	v18 =	vadd.f32 v61, v18;
	v36 =	vpop (erf)  }
0x356: {  	v16 =	vadd.f32 v62, v16;
	v17 =	vadd.f32 v63, v17;
	v37 =	vpop (erf)  }
0x357: {  	v12 =	vadd.f32 v33, v12;
	v11 =	vadd.f32 v34, v11;
	v38 =	vpop (erf)  }
0x358: {  	v13 =	vadd.f32 v35, v13;
	v14 =	vadd.f32 v36, v14;
	v39 =	vpop (erf)  }
0x359: {  	v15 =	vadd.f32 v37, v15;
	v18 =	vadd.f32 v38, v18;
	v40 =	vpop (erf)  }
0x35a: {  	v16 =	vadd.f32 v39, v16;
	v17 =	vadd.f32 v40, v17  }
0x35b: {  	v13 =	vadd.f32 v14, v13;
	v41 =	vadd.f32 v18, v15  }
0x35c: {  	v12 =	vadd.f32 v12, v16;
	v11 =	vadd.f32 v11, v17;
	_ =	sdelay $0x1  }
0x35d: {  	v12 =	vadd.f32 v12, v41;
	v11 =	vadd.f32 v13, v11;
	_ =	sdelay $0x1  }
0x35e: {  	v11 =	vadd.f32 v12, v11;
	_ =	sdelay $0x1  }
0x35f: {  	v12 =	vand.u32 $0x7FFFFF, v11  }
0x360: {  	v12 =	vor.u32 $0x3F800000, v12  }
0x361: {  	v42 =	vadd.f32 $1.000000000e+00, v12;
	_ =	sdelay $0x1  }
0x362: {  	(erf) = vrcp.f32 v42;
	_ =	sdelay $0x7  }
0x363: {  	v12 =	vadd.f32 $-1.000000000e+00, v12  }
0x364: {  	v13 =	vpop (erf)  }
0x365: {  	v12 =	vmul.f32 v13, v12;
	_ =	sdelay $0x1  }
0x366: {  	v13 =	vmul.f32 v12, v12;
	_ =	sdelay $0x1  }
0x367: {  	s29 =	simm.s32 $0x0;
	v43 =	vmul.f32 $1.428571490e-01, v13  }
0x368: {  	v44 =	vld [tilespmem:s29+$0x0]  }
0x369: {  	v14 =	vadd.f32 $2.000000030e-01, v43;
	_ =	sdelay $0x1  }
0x36a: {  	v14 =	vmul.f32 v14, v13;
	_ =	sdelay $0x1  }
0x36b: {  	v46 =	vbroadcast v44, $0x1;
	v45 =	vbroadcast v44, $0x0;
	v14 =	vadd.f32 $3.333333430e-01, v14  }
0x36c: {  	v48 =	vbroadcast v44, $0x3;
	v47 =	vbroadcast v44, $0x2;
	v11 =	vshra.s32 v11, $0x17  }
0x36d: {  	v16 =	vadd.s32 v1, v45;
	v11 =	vadd.s32 $0xFFFFFF81, v11;
	v13 =	vmul.f32 v14, v13  }
0x36e: {  	v49 =	vbroadcast v44, $0x4;
	v17 =	vadd.s32 v1, v46;
	v11 =	vcvt.s32.f32 v11  }
0x36f: {  	v12 =	vadd.f32 v12, v12;
	v14 =	vadd.s32 v1, v47;
	v13 =	vadd.f32 $1.000000000e+00, v13  }
0x370: {  	v50 =	vbroadcast v44, $0x5;
	v52 =	vbroadcast v44, $0x6;
	v18 =	vadd.s32 v1, v48  }
0x371: {  	v51 =	vadd.s32 v1, v49;
	v11 =	vmul.f32 $6.931471820e-01, v11;
	v12 =	vmul.f32 v13, v12  }
0x372: {  	v53 =	vbroadcast v44, $0x7;
	v20 =	vadd.s32 v1, v50;
	v16 =	vld.idx.msk [tilespmem:v16+s16+$0x0], $0xffff  }
0x373: {  	v19 =	vadd.s32 v1, v52;
	v17 =	vld.idx.msk [tilespmem:v17+s16+$0x0], $0xffff;
	v11 =	vadd.f32 v12, v11  }
0x374: {  	v54 =	vadd.s32 v1, v53;
	v14 =	vld.idx.msk [tilespmem:v14+s16+$0x0], $0xffff  }
0x375: {  	v18 =	vld.idx.msk [tilespmem:v18+s16+$0x0], $0xffff;
	v10 =	vadd.f32 v11, v10  }
0x376: {  	v11 =	vld.idx.msk [tilespmem:v51+s16+$0x0], $0xffff  }
0x377: {  	v55 =	vld.idx.msk [tilespmem:v20+s16+$0x0], $0xffff;
	v16 =	vsub.f32 v16, v10  }
0x378: {  	v19 =	vld.idx.msk [tilespmem:v19+s16+$0x0], $0xffff;
	v17 =	vsub.f32 v17, v10  }
0x379: {  	v12 =	vld.idx.msk [tilespmem:v54+s16+$0x0], $0xffff;
	v14 =	vsub.f32 v14, v10;
	[tilespmem:v1+s17+$0x0] =	vst.idx.msk $0xffff, v16  }
0x37a: {  	v56 =	vbroadcast v44, $0x8;
	[tilespmem:v8+s17+$0x0] =	vst.idx.msk $0xffff, v17;
	v8 =	vsub.f32 v18, v10  }
0x37b: {  	v57 =	vbroadcast v44, $0x9;
	[tilespmem:v7+s17+$0x0] =	vst.idx.msk $0xffff, v14;
	v7 =	vsub.f32 v11, v10  }
0x37c: {  	v11 =	vbroadcast v44, $0xA;
	[tilespmem:v6+s17+$0x0] =	vst.idx.msk $0xffff, v8;
	v6 =	vsub.f32 v55, v10;
	v8 =	vadd.s32 v1, v56  }
0x37d: {  	v58 =	vbroadcast v44, $0xB;
	[tilespmem:v5+s17+$0x0] =	vst.idx.msk $0xffff, v7;
	v5 =	vsub.f32 v19, v10;
	v7 =	vadd.s32 v1, v57  }
0x37e: {  	v59 =	vbroadcast v44, $0xC;
	[tilespmem:v3+s17+$0x0] =	vst.idx.msk $0xffff, v6;
	v3 =	vsub.f32 v12, v10;
	v6 =	vadd.s32 v1, v11  }
0x37f: {  	v11 =	vbroadcast v44, $0xD;
	[tilespmem:v2+s17+$0x0] =	vst.idx.msk $0xffff, v5;
	v2 =	vadd.s32 v1, v58  }
0x380: {  	v5 =	vbroadcast v44, $0xE;
	[tilespmem:v4+s17+$0x0] =	vst.idx.msk $0xffff, v3;
	v3 =	vadd.s32 v1, v59  }
0x381: {  	v4 =	vbroadcast v44, $0xF;
	v11 =	vadd.s32 v1, v11;
	v8 =	vld.idx.msk [tilespmem:v8+s16+$0x0], $0xffff  }
0x382: {  	v5 =	vadd.s32 v1, v5;
	v7 =	vld.idx.msk [tilespmem:v7+s16+$0x0], $0xffff  }
0x383: {  	v4 =	vadd.s32 v1, v4;
	v6 =	vld.idx.msk [tilespmem:v6+s16+$0x0], $0xffff  }
0x384: {  	v60 =	vadd.s32 $0x9, v1;
	v2 =	vld.idx.msk [tilespmem:v2+s16+$0x0], $0xffff  }
0x385: {  	v61 =	vadd.s32 $0xA, v1;
	v3 =	vld.idx.msk [tilespmem:v3+s16+$0x0], $0xffff  }
0x386: {  	v62 =	vadd.s32 $0xB, v1;
	v11 =	vld.idx.msk [tilespmem:v11+s16+$0x0], $0xffff;
	v8 =	vsub.f32 v8, v10  }
0x387: {  	v63 =	vadd.s32 $0xC, v1;
	v5 =	vld.idx.msk [tilespmem:v5+s16+$0x0], $0xffff;
	v7 =	vsub.f32 v7, v10  }
0x388: {  	v4 =	vld.idx.msk [tilespmem:v4+s16+$0x0], $0xffff;
	[tilespmem:v9+s17+$0x0] =	vst.idx.msk $0xffff, v8;
	v6 =	vsub.f32 v6, v10  }
0x389: {  	v8 =	vadd.s32 $0xD, v1;
	[tilespmem:v60+s17+$0x0] =	vst.idx.msk $0xffff, v7;
	v2 =	vsub.f32 v2, v10  }
0x38a: {  	v7 =	vadd.s32 $0xE, v1;
	[tilespmem:v61+s17+$0x0] =	vst.idx.msk $0xffff, v6;
	v3 =	vsub.f32 v3, v10  }
0x38b: {  	[tilespmem:v62+s17+$0x0] =	vst.idx.msk $0xffff, v2;
	v2 =	vsub.f32 v11, v10  }
0x38c: {  	[tilespmem:v63+s17+$0x0] =	vst.idx.msk $0xffff, v3;
	v3 =	vadd.s32 $0xF, v1  }
0x38d: {  	v5 =	vsub.f32 v5, v10  }
0x38e: {  	[tilespmem:v8+s17+$0x0] =	vst.idx.msk $0xffff, v2  }
0x38f: {  	s30 =	simm.s32 $0x40;
	s29 =	simm.s32 $0x80;
	v4 =	vsub.f32 v4, v10;
	[tilespmem:v7+s17+$0x0] =	vst.idx.msk $0xffff, v5;
	v2 =	vmov v1  }
.LBB2_26:
0x390: {  	p0 =	sne.s32 s29, $0x1C0  }
0x391: {  	s31 =	sshra.s32 s30, $0x2;
	[tilespmem:v3+s17+$0x0] =	vst.idx.msk $0xffff, v4;
	v2 =	vadd.s32 $0x10, v2;
	s30 =	smov.u32 s29;
	s29 =	sadd.s32 $0x40, s29  }
0x392: {  	v3 =	vld [tilespmem:s31+$0x0];
	_ =	sdelay $0x4  }
0x393: {  	v4 =	vbroadcast v3, $0x0;
	v5 =	vbroadcast v3, $0x1  }
0x394: {  	v6 =	vbroadcast v3, $0x2;
	v7 =	vbroadcast v3, $0x3  }
0x395: {  	v8 =	vbroadcast v3, $0x4;
	v4 =	vadd.s32 v1, v4;
	v5 =	vadd.s32 v1, v5  }
0x396: {  	v9 =	vbroadcast v3, $0x5;
	v6 =	vadd.s32 v1, v6;
	v7 =	vadd.s32 v1, v7  }
0x397: {  	v11 =	vbroadcast v3, $0x6;
	v12 =	vbroadcast v3, $0x7;
	v8 =	vadd.s32 v1, v8  }
0x398: {  	v13 =	vbroadcast v3, $0x8;
	v14 =	vbroadcast v3, $0x9;
	v9 =	vadd.s32 v1, v9  }
0x399: {  	v15 =	vbroadcast v3, $0xA;
	v11 =	vadd.s32 v1, v11;
	v12 =	vadd.s32 v1, v12  }
0x39a: {  	v16 =	vbroadcast v3, $0xB;
	v17 =	vbroadcast v3, $0xC;
	v4 =	vld.idx.msk [tilespmem:v4+s16+$0x0], $0xffff  }
0x39b: {  	v18 =	vbroadcast v3, $0xD;
	v19 =	vbroadcast v3, $0xE;
	v5 =	vld.idx.msk [tilespmem:v5+s16+$0x0], $0xffff  }
0x39c: {  	v3 =	vbroadcast v3, $0xF;
	v6 =	vld.idx.msk [tilespmem:v6+s16+$0x0], $0xffff  }
0x39d: {  	v7 =	vld.idx.msk [tilespmem:v7+s16+$0x0], $0xffff  }
0x39e: {  	v20 =	vadd.s32 $0x1, v2;
	v8 =	vld.idx.msk [tilespmem:v8+s16+$0x0], $0xffff  }
0x39f: {  	v21 =	vadd.s32 $0x2, v2;
	v9 =	vld.idx.msk [tilespmem:v9+s16+$0x0], $0xffff  }
0x3a0: {  	v22 =	vadd.s32 $0x3, v2;
	v4 =	vsub.f32 v4, v10;
	v11 =	vld.idx.msk [tilespmem:v11+s16+$0x0], $0xffff  }
0x3a1: {  	v23 =	vadd.s32 $0x4, v2;
	v5 =	vsub.f32 v5, v10;
	v12 =	vld.idx.msk [tilespmem:v12+s16+$0x0], $0xffff  }
0x3a2: {  	[tilespmem:v2+s17+$0x0] =	vst.idx.msk $0xffff, v4;
	v4 =	vsub.f32 v6, v10;
	v6 =	vadd.s32 $0x5, v2  }
0x3a3: {  	[tilespmem:v20+s17+$0x0] =	vst.idx.msk $0xffff, v5;
	v5 =	vsub.f32 v7, v10;
	v7 =	vadd.s32 $0x6, v2  }
0x3a4: {  	[tilespmem:v21+s17+$0x0] =	vst.idx.msk $0xffff, v4;
	v4 =	vsub.f32 v8, v10;
	v8 =	vadd.s32 $0x7, v2  }
0x3a5: {  	[tilespmem:v22+s17+$0x0] =	vst.idx.msk $0xffff, v5;
	v5 =	vsub.f32 v9, v10;
	v9 =	vadd.s32 v1, v13  }
0x3a6: {  	[tilespmem:v23+s17+$0x0] =	vst.idx.msk $0xffff, v4;
	v4 =	vsub.f32 v11, v10;
	v11 =	vadd.s32 v1, v14  }
0x3a7: {  	[tilespmem:v6+s17+$0x0] =	vst.idx.msk $0xffff, v5;
	v5 =	vsub.f32 v12, v10;
	v6 =	vadd.s32 v1, v15  }
0x3a8: {  	[tilespmem:v7+s17+$0x0] =	vst.idx.msk $0xffff, v4;
	v4 =	vadd.s32 v1, v16  }
0x3a9: {  	[tilespmem:v8+s17+$0x0] =	vst.idx.msk $0xffff, v5;
	v5 =	vadd.s32 v1, v17  }
0x3aa: {  	v8 =	vadd.s32 v1, v18;
	v7 =	vld.idx.msk [tilespmem:v9+s16+$0x0], $0xffff  }
0x3ab: {  	v9 =	vld.idx.msk [tilespmem:v11+s16+$0x0], $0xffff;
	v11 =	vadd.s32 v1, v19  }
0x3ac: {  	v3 =	vadd.s32 v1, v3;
	v6 =	vld.idx.msk [tilespmem:v6+s16+$0x0], $0xffff  }
0x3ad: {  	v12 =	vadd.s32 $0x8, v2;
	v4 =	vld.idx.msk [tilespmem:v4+s16+$0x0], $0xffff  }
0x3ae: {  	v13 =	vadd.s32 $0x9, v2;
	v5 =	vld.idx.msk [tilespmem:v5+s16+$0x0], $0xffff  }
0x3af: {  	v14 =	vadd.s32 $0xA, v2;
	v8 =	vld.idx.msk [tilespmem:v8+s16+$0x0], $0xffff  }
0x3b0: {  	v15 =	vadd.s32 $0xB, v2;
	v7 =	vsub.f32 v7, v10;
	v11 =	vld.idx.msk [tilespmem:v11+s16+$0x0], $0xffff  }
0x3b1: {  	v16 =	vld.idx.msk [tilespmem:v3+s16+$0x0], $0xffff;
	v3 =	vsub.f32 v9, v10;
	v9 =	vadd.s32 $0xC, v2  }
0x3b2: {  	v6 =	vsub.f32 v6, v10;
	[tilespmem:v12+s17+$0x0] =	vst.idx.msk $0xffff, v7;
	v7 =	vadd.s32 $0xD, v2  }
0x3b3: {  	v4 =	vsub.f32 v4, v10;
	v12 =	vadd.s32 $0xE, v2;
	[tilespmem:v13+s17+$0x0] =	vst.idx.msk $0xffff, v3  }
.Ltmp14:
0x3b4: {  	v5 =	vsub.f32 v5, v10;
	v3 =	vadd.s32 $0xF, v2;
	[tilespmem:v14+s17+$0x0] =	vst.idx.msk $0xffff, v6;
	(pc) =	sbr.rel @p0 .LBB2_26-.Ltmp14, $4  }
0x3b5: {  	[tilespmem:v15+s17+$0x0] =	vst.idx.msk $0xffff, v4;
	v4 =	vsub.f32 v8, v10  }
0x3b6: {  	[tilespmem:v9+s17+$0x0] =	vst.idx.msk $0xffff, v5;
	v5 =	vsub.f32 v11, v10  }
0x3b7: {  	[tilespmem:v7+s17+$0x0] =	vst.idx.msk $0xffff, v4;
	v4 =	vsub.f32 v16, v10  }
0x3b8: {  	[tilespmem:v12+s17+$0x0] =	vst.idx.msk $0xffff, v5  }
0x3b9: {  	_ =	sdelay $0x3  }
0x3ba: {  	s29 =	sshra.s32 s30, $0x2;
	[tilespmem:v3+s17+$0x0] =	vst.idx.msk $0xffff, v4  }
0x3bb: {  	v3 =	vld [tilespmem:s29+$0x0];
	_ =	sdelay $0x4  }
0x3bc: {  	v32 =	vbroadcast v3, $0x0  }
0x3bd: {  	v5 =	vbroadcast v3, $0x1  }
0x3be: {  	v6 =	vbroadcast v3, $0x2;
	v4 =	vadd.s32 v1, v32  }
0x3bf: {  	v7 =	vbroadcast v3, $0x3;
	v5 =	vadd.s32 v1, v5  }
0x3c0: {  	v8 =	vbroadcast v3, $0x4;
	v6 =	vadd.s32 v1, v6  }
0x3c1: {  	v9 =	vbroadcast v3, $0x5;
	v7 =	vadd.s32 v1, v7  }
0x3c2: {  	v11 =	vbroadcast v3, $0x6;
	v8 =	vadd.s32 v1, v8  }
0x3c3: {  	v12 =	vbroadcast v3, $0x7;
	v9 =	vadd.s32 v1, v9;
	v4 =	vld.idx.msk [tilespmem:v4+s16+$0x0], $0xffff  }
0x3c4: {  	v11 =	vadd.s32 v1, v11;
	v5 =	vld.idx.msk [tilespmem:v5+s16+$0x0], $0xffff  }
0x3c5: {  	v2 =	vadd.s32 $0x10, v2;
	v12 =	vadd.s32 v1, v12;
	v6 =	vld.idx.msk [tilespmem:v6+s16+$0x0], $0xffff  }
0x3c6: {  	v13 =	vadd.s32 $0x1, v2;
	v7 =	vld.idx.msk [tilespmem:v7+s16+$0x0], $0xffff  }
0x3c7: {  	v14 =	vadd.s32 $0x2, v2;
	v8 =	vld.idx.msk [tilespmem:v8+s16+$0x0], $0xffff  }
0x3c8: {  	v15 =	vadd.s32 $0x3, v2;
	v9 =	vld.idx.msk [tilespmem:v9+s16+$0x0], $0xffff;
	v4 =	vsub.f32 v4, v10  }
0x3c9: {  	v16 =	vadd.s32 $0x4, v2;
	v11 =	vld.idx.msk [tilespmem:v11+s16+$0x0], $0xffff;
	v5 =	vsub.f32 v5, v10  }
0x3ca: {  	v34 =	vadd.s32 $0x5, v2;
	v12 =	vld.idx.msk [tilespmem:v12+s16+$0x0], $0xffff;
	v33 =	vsub.f32 v6, v10;
	[tilespmem:v2+s17+$0x0] =	vst.idx.msk $0xffff, v4  }
0x3cb: {  	v36 =	vadd.s32 $0x6, v2;
	v17 =	vbroadcast v3, $0x8;
	v35 =	vsub.f32 v7, v10;
	[tilespmem:v13+s17+$0x0] =	vst.idx.msk $0xffff, v5  }
0x3cc: {  	v39 =	vadd.s32 $0x7, v2;
	v37 =	vbroadcast v3, $0x9;
	v38 =	vsub.f32 v8, v10;
	[tilespmem:v14+s17+$0x0] =	vst.idx.msk $0xffff, v33  }
0x3cd: {  	v40 =	vbroadcast v3, $0xA;
	v42 =	vadd.s32 v1, v17;
	v41 =	vsub.f32 v9, v10;
	[tilespmem:v15+s17+$0x0] =	vst.idx.msk $0xffff, v35  }
0x3ce: {  	v43 =	vbroadcast v3, $0xB;
	v45 =	vadd.s32 v1, v37;
	v44 =	vsub.f32 v11, v10;
	[tilespmem:v16+s17+$0x0] =	vst.idx.msk $0xffff, v38  }
0x3cf: {  	v46 =	vbroadcast v3, $0xC;
	v48 =	vadd.s32 v1, v40;
	v47 =	vsub.f32 v12, v10;
	[tilespmem:v34+s17+$0x0] =	vst.idx.msk $0xffff, v41  }
0x3d0: {  	v49 =	vbroadcast v3, $0xD;
	v50 =	vadd.s32 v1, v43;
	[tilespmem:v36+s17+$0x0] =	vst.idx.msk $0xffff, v44  }
0x3d1: {  	v51 =	vbroadcast v3, $0xE;
	v52 =	vadd.s32 v1, v46;
	[tilespmem:v39+s17+$0x0] =	vst.idx.msk $0xffff, v47  }
0x3d2: {  	v3 =	vbroadcast v3, $0xF;
	v53 =	vadd.s32 v1, v49;
	v8 =	vld.idx.msk [tilespmem:v42+s16+$0x0], $0xffff  }
0x3d3: {  	v7 =	vadd.s32 v1, v51;
	v11 =	vld.idx.msk [tilespmem:v45+s16+$0x0], $0xffff  }
0x3d4: {  	v54 =	vadd.s32 $0x8, v2;
	v1 =	vadd.s32 v1, v3;
	v6 =	vld.idx.msk [tilespmem:v48+s16+$0x0], $0xffff  }
0x3d5: {  	v55 =	vadd.s32 $0x9, v2;
	v3 =	vld.idx.msk [tilespmem:v50+s16+$0x0], $0xffff  }
0x3d6: {  	v56 =	vadd.s32 $0xA, v2;
	v5 =	vld.idx.msk [tilespmem:v52+s16+$0x0], $0xffff  }
0x3d7: {  	v57 =	vadd.s32 $0xB, v2;
	v9 =	vld.idx.msk [tilespmem:v53+s16+$0x0], $0xffff;
	v8 =	vsub.f32 v8, v10  }
0x3d8: {  	v58 =	vadd.s32 $0xC, v2;
	v7 =	vld.idx.msk [tilespmem:v7+s16+$0x0], $0xffff;
	v11 =	vsub.f32 v11, v10  }
0x3d9: {  	v60 =	vadd.s32 $0xD, v2;
	v1 =	vld.idx.msk [tilespmem:v1+s16+$0x0], $0xffff;
	v59 =	vsub.f32 v6, v10;
	[tilespmem:v54+s17+$0x0] =	vst.idx.msk $0xffff, v8  }
0x3da: {  	s28 =	sadd.s32 $0x1, s28;
	v61 =	vadd.s32 $0xE, v2;
	v3 =	vsub.f32 v3, v10;
	[tilespmem:v55+s17+$0x0] =	vst.idx.msk $0xffff, v11  }
0x3db: {  	p0 =	sne.s32 s28, $0x8;
	v2 =	vadd.s32 $0xF, v2;
	v62 =	vsub.f32 v5, v10;
	[tilespmem:v56+s17+$0x0] =	vst.idx.msk $0xffff, v59  }
.Ltmp15:
0x3dc: {  	[tilespmem:v57+s17+$0x0] =	vst.idx.msk $0xffff, v3;
	v3 =	vsub.f32 v9, v10;
	(pc) =	sbr.rel @p0 .LBB2_21-.Ltmp15, $4  }
0x3dd: {  	v63 =	vsub.f32 v7, v10;
	[tilespmem:v58+s17+$0x0] =	vst.idx.msk $0xffff, v62  }
0x3de: {  	v1 =	vsub.f32 v1, v10;
	[tilespmem:v60+s17+$0x0] =	vst.idx.msk $0xffff, v3  }
0x3df: {  	[tilespmem:v61+s17+$0x0] =	vst.idx.msk $0xffff, v63  }
0x3e0: {  	[tilespmem:v2+s17+$0x0] =	vst.idx.msk $0xffff, v1  }
0x3e1: {  	s29 =	simm.s32 $0x1F3  }
0x3e2: {  	v1 =	vld [tilespmem:s29+$0x13F0D];
	_ =	sdelay $0x3  }
0x3e3: {  	s28 =	simm.s32 $0xC180  }
0x3e4: {  	[tilespmem:s28+$0xFFFFFF00] =	vst v1  }
0x3e5: {  	v1 =	vld [tilespmem:s29+$0x13F1D];
	_ =	sdelay $0x4  }
0x3e6: {  	[tilespmem:s28+$0xFFFFFF10] =	vst v1  }
0x3e7: {  	v1 =	vld [tilespmem:s29+$0x13F2D];
	_ =	sdelay $0x4  }
0x3e8: {  	[tilespmem:s28+$0xFFFFFF20] =	vst v1  }
0x3e9: {  	v1 =	vld [tilespmem:s29+$0x13F3D];
	_ =	sdelay $0x4  }
0x3ea: {  	[tilespmem:s28+$0xFFFFFF30] =	vst v1  }
0x3eb: {  	v1 =	vld [tilespmem:s29+$0x13F4D];
	_ =	sdelay $0x4  }
0x3ec: {  	[tilespmem:s28+$0xFFFFFF40] =	vst v1  }
0x3ed: {  	v1 =	vld [tilespmem:s29+$0x13F5D];
	_ =	sdelay $0x4  }
0x3ee: {  	[tilespmem:s28+$0xFFFFFF50] =	vst v1  }
0x3ef: {  	v1 =	vld [tilespmem:s29+$0x13F6D];
	_ =	sdelay $0x4  }
0x3f0: {  	[tilespmem:s28+$0xFFFFFF60] =	vst v1  }
0x3f1: {  	v1 =	vld [tilespmem:s29+$0x13F7D];
	_ =	sdelay $0x4  }
0x3f2: {  	[tilespmem:s28+$0xFFFFFF70] =	vst v1  }
0x3f3: {  	v1 =	vld [tilespmem:s29+$0x13F8E];
	_ =	sdelay $0x4  }
0x3f4: {  	[tilespmem:s28+$0xFFFFFF80] =	vst v1  }
0x3f5: {  	v1 =	vld [tilespmem:s29+$0x13F9E];
	_ =	sdelay $0x4  }
0x3f6: {  	[tilespmem:s28+$0xFFFFFF90] =	vst v1  }
0x3f7: {  	v1 =	vld [tilespmem:s29+$0x13FAE];
	_ =	sdelay $0x4  }
0x3f8: {  	[tilespmem:s28+$0xFFFFFFA0] =	vst v1  }
0x3f9: {  	v1 =	vld [tilespmem:s29+$0x13FBE];
	_ =	sdelay $0x4  }
0x3fa: {  	[tilespmem:s28+$0xFFFFFFB0] =	vst v1  }
0x3fb: {  	v1 =	vld [tilespmem:s29+$0x13FCE];
	_ =	sdelay $0x4  }
0x3fc: {  	[tilespmem:s28+$0xFFFFFFC0] =	vst v1  }
0x3fd: {  	v1 =	vld [tilespmem:s29+$0x13FDE];
	_ =	sdelay $0x4  }
0x3fe: {  	[tilespmem:s28+$0xFFFFFFD0] =	vst v1  }
0x3ff: {  	v1 =	vld [tilespmem:s29+$0x13FEE];
	_ =	sdelay $0x4  }
0x400: {  	[tilespmem:s28+$0xFFFFFFE0] =	vst v1  }
0x401: {  	v1 =	vld [tilespmem:s29+$0x13FFE];
	_ =	sdelay $0x4  }
0x402: {  	[tilespmem:s28+$0xFFFFFFF0] =	vst v1  }
0x403: {  	v1 =	vld [tilespmem:s29+$0x1400F];
	_ =	sdelay $0x4  }
0x404: {  	[tilespmem:s28+$0x0] =	vst v1  }
0x405: {  	v1 =	vld [tilespmem:s29+$0x1401F];
	_ =	sdelay $0x4  }
0x406: {  	[tilespmem:s28+$0x10] =	vst v1  }
0x407: {  	v1 =	vld [tilespmem:s29+$0x1402F];
	_ =	sdelay $0x4  }
0x408: {  	[tilespmem:s28+$0x20] =	vst v1  }
0x409: {  	v1 =	vld [tilespmem:s29+$0x1403F];
	_ =	sdelay $0x4  }
0x40a: {  	[tilespmem:s28+$0x30] =	vst v1  }
0x40b: {  	v1 =	vld [tilespmem:s29+$0x1404F];
	_ =	sdelay $0x4  }
0x40c: {  	[tilespmem:s28+$0x40] =	vst v1  }
0x40d: {  	v1 =	vld [tilespmem:s29+$0x1405F];
	_ =	sdelay $0x4  }
0x40e: {  	[tilespmem:s28+$0x50] =	vst v1  }
0x40f: {  	v1 =	vld [tilespmem:s29+$0x1406F];
	_ =	sdelay $0x4  }
0x410: {  	[tilespmem:s28+$0x60] =	vst v1  }
0x411: {  	v1 =	vld [tilespmem:s29+$0x1407F];
	_ =	sdelay $0x4  }
0x412: {  	[tilespmem:s28+$0x70] =	vst v1  }
0x413: {  	v1 =	vld [tilespmem:s29+$0x14090];
	_ =	sdelay $0x4  }
0x414: {  	[tilespmem:s28+$0x80] =	vst v1  }
0x415: {  	v1 =	vld [tilespmem:s29+$0x140A0];
	_ =	sdelay $0x4  }
0x416: {  	[tilespmem:s28+$0x90] =	vst v1  }
0x417: {  	v1 =	vld [tilespmem:s29+$0x140B0];
	_ =	sdelay $0x4  }
0x418: {  	[tilespmem:s28+$0xA0] =	vst v1  }
0x419: {  	v1 =	vld [tilespmem:s29+$0x140C0];
	_ =	sdelay $0x4  }
0x41a: {  	[tilespmem:s28+$0xB0] =	vst v1  }
0x41b: {  	v1 =	vld [tilespmem:s29+$0x140D0];
	_ =	sdelay $0x4  }
0x41c: {  	[tilespmem:s28+$0xC0] =	vst v1  }
0x41d: {  	v1 =	vld [tilespmem:s29+$0x140E0];
	_ =	sdelay $0x4  }
0x41e: {  	[tilespmem:s28+$0xD0] =	vst v1  }
0x41f: {  	v1 =	vld [tilespmem:s29+$0x140F0];
	_ =	sdelay $0x4  }
0x420: {  	[tilespmem:s28+$0xE0] =	vst v1  }
0x421: {  	v1 =	vld [tilespmem:s29+$0x14100];
	_ =	sdelay $0x4  }
0x422: {  	s30 =	simm.s32 $0x17EC;
	s29 =	simm.s32 $0x3F7;
	[tilespmem:s28+$0xF0] =	vst v1  }
.LBB2_29:
0x423: {  	p0 =	sne.s32 s30, $0x101BC;
	v1 =	vld [tilespmem:s29+$0x13F0D];
	_ =	sdelay $0x3  }
0x424: {  	s28 =	sadd.s32 $0x200, s28  }
0x425: {  	[tilespmem:s28+$0xFFFFFF00] =	vst v1  }
0x426: {  	v1 =	vld [tilespmem:s29+$0x13F1D];
	_ =	sdelay $0x4  }
0x427: {  	[tilespmem:s28+$0xFFFFFF10] =	vst v1  }
0x428: {  	v1 =	vld [tilespmem:s29+$0x13F2D];
	_ =	sdelay $0x4  }
0x429: {  	[tilespmem:s28+$0xFFFFFF20] =	vst v1  }
0x42a: {  	v1 =	vld [tilespmem:s29+$0x13F3D];
	_ =	sdelay $0x4  }
0x42b: {  	[tilespmem:s28+$0xFFFFFF30] =	vst v1  }
0x42c: {  	v1 =	vld [tilespmem:s29+$0x13F4D];
	_ =	sdelay $0x4  }
0x42d: {  	[tilespmem:s28+$0xFFFFFF40] =	vst v1  }
0x42e: {  	v1 =	vld [tilespmem:s29+$0x13F5D];
	_ =	sdelay $0x4  }
0x42f: {  	[tilespmem:s28+$0xFFFFFF50] =	vst v1  }
0x430: {  	v1 =	vld [tilespmem:s29+$0x13F6D];
	_ =	sdelay $0x4  }
0x431: {  	[tilespmem:s28+$0xFFFFFF60] =	vst v1  }
0x432: {  	v1 =	vld [tilespmem:s29+$0x13F7D];
	_ =	sdelay $0x4  }
0x433: {  	[tilespmem:s28+$0xFFFFFF70] =	vst v1  }
0x434: {  	v1 =	vld [tilespmem:s29+$0x13F8E];
	_ =	sdelay $0x4  }
0x435: {  	[tilespmem:s28+$0xFFFFFF80] =	vst v1  }
0x436: {  	v1 =	vld [tilespmem:s29+$0x13F9E];
	_ =	sdelay $0x4  }
0x437: {  	[tilespmem:s28+$0xFFFFFF90] =	vst v1  }
0x438: {  	v1 =	vld [tilespmem:s29+$0x13FAE];
	_ =	sdelay $0x4  }
0x439: {  	[tilespmem:s28+$0xFFFFFFA0] =	vst v1  }
0x43a: {  	v1 =	vld [tilespmem:s29+$0x13FBE];
	_ =	sdelay $0x4  }
0x43b: {  	[tilespmem:s28+$0xFFFFFFB0] =	vst v1  }
0x43c: {  	v1 =	vld [tilespmem:s29+$0x13FCE];
	_ =	sdelay $0x4  }
0x43d: {  	[tilespmem:s28+$0xFFFFFFC0] =	vst v1  }
0x43e: {  	v1 =	vld [tilespmem:s29+$0x13FDE];
	_ =	sdelay $0x4  }
0x43f: {  	[tilespmem:s28+$0xFFFFFFD0] =	vst v1  }
0x440: {  	v1 =	vld [tilespmem:s29+$0x13FEE];
	_ =	sdelay $0x4  }
0x441: {  	[tilespmem:s28+$0xFFFFFFE0] =	vst v1  }
0x442: {  	v1 =	vld [tilespmem:s29+$0x13FFE];
	_ =	sdelay $0x4  }
0x443: {  	[tilespmem:s28+$0xFFFFFFF0] =	vst v1  }
0x444: {  	v1 =	vld [tilespmem:s29+$0x1400F];
	_ =	sdelay $0x4  }
0x445: {  	[tilespmem:s28+$0x0] =	vst v1  }
0x446: {  	v1 =	vld [tilespmem:s29+$0x1401F];
	_ =	sdelay $0x4  }
0x447: {  	[tilespmem:s28+$0x10] =	vst v1  }
0x448: {  	v1 =	vld [tilespmem:s29+$0x1402F];
	_ =	sdelay $0x4  }
0x449: {  	[tilespmem:s28+$0x20] =	vst v1  }
0x44a: {  	v1 =	vld [tilespmem:s29+$0x1403F];
	_ =	sdelay $0x4  }
0x44b: {  	[tilespmem:s28+$0x30] =	vst v1  }
0x44c: {  	v1 =	vld [tilespmem:s29+$0x1404F];
	_ =	sdelay $0x4  }
0x44d: {  	[tilespmem:s28+$0x40] =	vst v1  }
0x44e: {  	v1 =	vld [tilespmem:s29+$0x1405F];
	_ =	sdelay $0x4  }
0x44f: {  	[tilespmem:s28+$0x50] =	vst v1  }
0x450: {  	v1 =	vld [tilespmem:s29+$0x1406F];
	_ =	sdelay $0x4  }
0x451: {  	[tilespmem:s28+$0x60] =	vst v1  }
0x452: {  	v1 =	vld [tilespmem:s29+$0x1407F];
	_ =	sdelay $0x4  }
0x453: {  	[tilespmem:s28+$0x70] =	vst v1  }
0x454: {  	v1 =	vld [tilespmem:s29+$0x14090];
	_ =	sdelay $0x4  }
0x455: {  	[tilespmem:s28+$0x80] =	vst v1  }
0x456: {  	v1 =	vld [tilespmem:s29+$0x140A0];
	_ =	sdelay $0x4  }
0x457: {  	[tilespmem:s28+$0x90] =	vst v1  }
0x458: {  	v1 =	vld [tilespmem:s29+$0x140B0];
	_ =	sdelay $0x4  }
0x459: {  	[tilespmem:s28+$0xA0] =	vst v1  }
0x45a: {  	v1 =	vld [tilespmem:s29+$0x140C0];
	_ =	sdelay $0x4  }
0x45b: {  	[tilespmem:s28+$0xB0] =	vst v1  }
0x45c: {  	v1 =	vld [tilespmem:s29+$0x140D0];
	_ =	sdelay $0x4  }
0x45d: {  	[tilespmem:s28+$0xC0] =	vst v1  }
0x45e: {  	v1 =	vld [tilespmem:s29+$0x140E0];
	_ =	sdelay $0x4  }
0x45f: {  	[tilespmem:s28+$0xD0] =	vst v1  }
0x460: {  	v1 =	vld [tilespmem:s29+$0x140F0];
	_ =	sdelay $0x4  }
0x461: {  	[tilespmem:s28+$0xE0] =	vst v1  }
0x462: {  	v1 =	vld [tilespmem:s29+$0x14100]  }
.Ltmp16:
0x463: {  	(pc) =	sbr.rel @p0 .LBB2_29-.Ltmp16, $2  }
0x464: {  	_ =	sdelay $0x2  }
0x465: {  	s29 =	sshra.s32 s30, $0x2;
	s30 =	sadd.s32 $0x810, s30;
	[tilespmem:s28+$0xF0] =	vst v1  }
0x466: {  	v1 =	vld [tilespmem:s29+$0x13F0D];
	_ =	sdelay $0x3  }
0x467: {  	s28 =	sadd.s32 $0x200, s28  }
0x468: {  	[tilespmem:s28+$0xFFFFFF00] =	vst v1  }
0x469: {  	v1 =	vld [tilespmem:s29+$0x13F1D];
	_ =	sdelay $0x4  }
0x46a: {  	[tilespmem:s28+$0xFFFFFF10] =	vst v1  }
0x46b: {  	v1 =	vld [tilespmem:s29+$0x13F2D];
	_ =	sdelay $0x4  }
0x46c: {  	[tilespmem:s28+$0xFFFFFF20] =	vst v1  }
0x46d: {  	v1 =	vld [tilespmem:s29+$0x13F3D];
	_ =	sdelay $0x4  }
0x46e: {  	[tilespmem:s28+$0xFFFFFF30] =	vst v1  }
0x46f: {  	v1 =	vld [tilespmem:s29+$0x13F4D];
	_ =	sdelay $0x4  }
0x470: {  	[tilespmem:s28+$0xFFFFFF40] =	vst v1  }
0x471: {  	v1 =	vld [tilespmem:s29+$0x13F5D];
	_ =	sdelay $0x4  }
0x472: {  	[tilespmem:s28+$0xFFFFFF50] =	vst v1  }
0x473: {  	v1 =	vld [tilespmem:s29+$0x13F6D];
	_ =	sdelay $0x4  }
0x474: {  	[tilespmem:s28+$0xFFFFFF60] =	vst v1  }
0x475: {  	v1 =	vld [tilespmem:s29+$0x13F7D];
	_ =	sdelay $0x4  }
0x476: {  	[tilespmem:s28+$0xFFFFFF70] =	vst v1  }
0x477: {  	v1 =	vld [tilespmem:s29+$0x13F8E];
	_ =	sdelay $0x4  }
0x478: {  	[tilespmem:s28+$0xFFFFFF80] =	vst v1  }
0x479: {  	v1 =	vld [tilespmem:s29+$0x13F9E];
	_ =	sdelay $0x4  }
0x47a: {  	[tilespmem:s28+$0xFFFFFF90] =	vst v1  }
0x47b: {  	v1 =	vld [tilespmem:s29+$0x13FAE];
	_ =	sdelay $0x4  }
0x47c: {  	[tilespmem:s28+$0xFFFFFFA0] =	vst v1  }
0x47d: {  	v1 =	vld [tilespmem:s29+$0x13FBE];
	_ =	sdelay $0x4  }
0x47e: {  	[tilespmem:s28+$0xFFFFFFB0] =	vst v1  }
0x47f: {  	v1 =	vld [tilespmem:s29+$0x13FCE];
	_ =	sdelay $0x4  }
0x480: {  	[tilespmem:s28+$0xFFFFFFC0] =	vst v1  }
0x481: {  	v1 =	vld [tilespmem:s29+$0x13FDE];
	_ =	sdelay $0x4  }
0x482: {  	[tilespmem:s28+$0xFFFFFFD0] =	vst v1  }
0x483: {  	v1 =	vld [tilespmem:s29+$0x13FEE];
	_ =	sdelay $0x4  }
0x484: {  	[tilespmem:s28+$0xFFFFFFE0] =	vst v1  }
0x485: {  	v1 =	vld [tilespmem:s29+$0x13FFE];
	_ =	sdelay $0x4  }
0x486: {  	[tilespmem:s28+$0xFFFFFFF0] =	vst v1  }
0x487: {  	v1 =	vld [tilespmem:s29+$0x1400F];
	_ =	sdelay $0x4  }
0x488: {  	[tilespmem:s28+$0x0] =	vst v1  }
0x489: {  	v1 =	vld [tilespmem:s29+$0x1401F];
	_ =	sdelay $0x4  }
0x48a: {  	[tilespmem:s28+$0x10] =	vst v1  }
0x48b: {  	v1 =	vld [tilespmem:s29+$0x1402F];
	_ =	sdelay $0x4  }
0x48c: {  	[tilespmem:s28+$0x20] =	vst v1  }
0x48d: {  	v1 =	vld [tilespmem:s29+$0x1403F];
	_ =	sdelay $0x4  }
0x48e: {  	[tilespmem:s28+$0x30] =	vst v1  }
0x48f: {  	v1 =	vld [tilespmem:s29+$0x1404F];
	_ =	sdelay $0x4  }
0x490: {  	[tilespmem:s28+$0x40] =	vst v1  }
0x491: {  	v1 =	vld [tilespmem:s29+$0x1405F];
	_ =	sdelay $0x4  }
0x492: {  	[tilespmem:s28+$0x50] =	vst v1  }
0x493: {  	v1 =	vld [tilespmem:s29+$0x1406F];
	_ =	sdelay $0x4  }
0x494: {  	[tilespmem:s28+$0x60] =	vst v1  }
0x495: {  	v1 =	vld [tilespmem:s29+$0x1407F];
	_ =	sdelay $0x4  }
0x496: {  	[tilespmem:s28+$0x70] =	vst v1  }
0x497: {  	v1 =	vld [tilespmem:s29+$0x14090];
	_ =	sdelay $0x4  }
0x498: {  	[tilespmem:s28+$0x80] =	vst v1  }
0x499: {  	v1 =	vld [tilespmem:s29+$0x140A0];
	_ =	sdelay $0x4  }
0x49a: {  	[tilespmem:s28+$0x90] =	vst v1  }
0x49b: {  	v1 =	vld [tilespmem:s29+$0x140B0];
	_ =	sdelay $0x4  }
0x49c: {  	[tilespmem:s28+$0xA0] =	vst v1  }
0x49d: {  	v1 =	vld [tilespmem:s29+$0x140C0];
	_ =	sdelay $0x4  }
0x49e: {  	[tilespmem:s28+$0xB0] =	vst v1  }
0x49f: {  	v1 =	vld [tilespmem:s29+$0x140D0];
	_ =	sdelay $0x4  }
0x4a0: {  	[tilespmem:s28+$0xC0] =	vst v1  }
0x4a1: {  	v1 =	vld [tilespmem:s29+$0x140E0];
	_ =	sdelay $0x4  }
0x4a2: {  	[tilespmem:s28+$0xD0] =	vst v1  }
0x4a3: {  	v1 =	vld [tilespmem:s29+$0x140F0];
	_ =	sdelay $0x4  }
0x4a4: {  	[tilespmem:s28+$0xE0] =	vst v1  }
0x4a5: {  	v1 =	vld [tilespmem:s29+$0x14100]  }
0x4a6: {  	p0 =	seq.s32 s24, $0xF  }
.Ltmp17:
0x4a7: {  	_ = 	snop;
	(pc) =	sbr.rel @p0 .LBB2_32-.Ltmp17, $4  }
0x4a8: {  	_ = 	snop  }
0x4a9: {  	s26 =	sadd.s32 s26, s3  }
0x4aa: {  	s26 =	sadd.s32 $0x800, s26;
	[tilespmem:s28+$0xF0] =	vst v1  }
0x4ab: {  	[hbm4b:s26+s4] =	stream.linear.scatter [tilespmem:s21], [sflag:$0x4], $0x4000, $0x38;
	[tilespmem:$0x18180] =	vst v63  }
.Ltmp18:
0x4ac: {  	(pc) =	sbr.rel .LBB2_2-.Ltmp18, $4  }
0x4ad: {  	s25 =	sadd.s32 s25, s10  }
0x4ae: {  	s25 =	sshrl.u32 s25, $0x3  }
0x4af: {  	s24 =	sadd.s32 $0x1, s24;
	s25 =	sadd.s32 s6, s25  }
0x4b0: {  	[tilespmem:s14], [sflag:$0x2] =	stream.linear.gather [hbm4b:s25+s4], $0x4000, $0x38;
	[tilespmem:$0x18180] =	vst v63  }
.LBB2_33:
0x4b1: {  	_ =	sfence.sel $0x180000  }
0x4b2: {  	[bflag:$0x0] =	sbarrier.arrive $0xFFFF  }
0x4b3: {  	p0 =	sne.s32 s0, $0x0;
	_ =	strace $0x9000004A  }
0x4b4: {  	s0 =	sadd.s32 @!p0 $0x100000, s2;
	[bflag:$0x2] =	sbarrier.arrive $0xFFFF  }
0x4b5: {  	[sflag:s0] =	ssyncadd.tile.s32 @!p0 $0x1;
	_ =	shalt  }
.Lfunc_end2:
_tile_overlayer_lowered:
.L_overlay_start_2:
0x4b6: {  	(tag) =	ssettag $0x2  }
0x4b7: {  	s0 =	rddreg [dreg:$0x0];
	s2 =	stileid.u32  }
0x4b8: {  	s1 =	rddreg [dreg:$0x1];
	p0 =	sne.s32 s2, $0x0  }
0x4b9: {  	s3 =	rddreg [dreg:$0x2];
	[bflag:$0x3] =	sbarrier.arrive $0xFFFF;
	s2 =	simm.s32 @!p0 $0x1C05  }
0x4ba: {  	[timem:s3], [sflag:s2] =	dma.local @!p0 [hbm:s0], s1  }
0x4bb: {  	s0 =	simm.s32 @!p0 $0x5  }
0x4bc: {  	_ =	swait.ge @!p0 [sflag:s0], s1  }
0x4bd: {  	s1 =	ssub.s32 @!p0 $0x0, s1;
	[sflag:s0] =	ssyncset.done @!p0 $0x0  }
0x4be: {  	[sflag:s0] =	ssyncadd.s32 @!p0 s1  }
0x4bf: {  	[bflag:$0x3] =	sbarrier.arrive $0xFFFF  }
0x4c0: {  	_ =	shalt  }

// kernel: sparse-core-data-format-call.cloned.1.call-start
scs
called_computation_lowered:
.L_overlay_start_0:
0x0: {  	s2 =	sld [smem:$0x3FD9]  }
0x1: {  	s3 =	sld [smem:$0x3FFE];
	_ =	sdelay $0x1  }
0x2: {  	s1 =	srdreg.scid  }
0x3: {  	s0 =	sand.u32 $0x1, s1  }
0x4: {  	s18 =	sshll.u32 s0, $0xA;
	s2 =	sadd.s32 s3, s2  }
0x5: {  	s2 =	sadd.s32 s2, s18  }
0x6: {  	[smem:$0x3FC6] =	sst s2  }
0x7: {  	_ = 	snop  }
0x8: {  	s2 =	sld [smem:$0x3FC8];
	(tm) =	ssettm $0x1  }
0x9: {  	s19 =	sld [smem:$0x3FFB];
	_ =	sdelay $0x3  }
0xa: {  	_ =	strace s19  }
0xb: {  	s3 =	sld [smem:$0x3FFC];
	_ =	sdelay $0x3  }
0xc: {  	_ =	strace s3  }
0xd: {  	s3 =	sld [smem:$0x3FFD];
	_ =	sdelay $0x3  }
0xe: {  	_ =	strace s3  }
0xf: {  	_ =	strace $0x8FFFFFFF  }
0x10: {  	s20 =	sld [smem:$0x3FDB];
	_ =	sdelay $0x1  }
0x11: {  	s4 =	simm.s32 $_scs_section_size  }
0x12: {  	s5 =	simm.s32 $_size__tile_overlayer_lowered;
	s6 =	simm.s32 $_tile_overlayer_lowered  }
0x13: {  	s23 =	simm.s32 $0x1BFF;
	s22 =	sshll.u32 s6, $0x1;
	s3 =	sadd.s32 s4, s20  }
0x14: {  	s7 =	simm.s32 $0x0;
	s21 =	sshll.u32 s5, $0x1;
	s5 =	sadd.s32 s22, s3  }
0x15: {  	[timem:s7], [sflag:s23] =	dma.local [hbm:s5], s21  }
0x16: {  	_ =	swait.ge [sflag:s23], s21  }
0x17: {  	s4 =	ssub.s32 $0x0, s21;
	[sflag:s23] =	ssyncset.done $0x0  }
0x18: {  	[sflag:s23] =	ssyncadd.s32 s4;
	_ =	sdelay $0x1  }
0x19: {  	s24 =	simm.s32 $0x1B8B  }
0x1a: {  	_ =	swait.ge [sflag:s24], $0x1  }
0x1b: {  	[sflag:s24] =	ssyncset.done $0x0  }
0x1c: {  	s26 =	simm.s32 $0x1B8E;
	s25 =	sld [smem:$0x3FFE];
	[sflag:s24] =	ssyncadd.s32 $0xFFFFFFFF  }
0x1d: {  	s27 =	simm.s32 $execute0_lowered;
	[smem:$0x3FD2] =	sst s26  }
0x1e: {  	s5 =	sshll.u32 s27, $0x1;
	_ =	strace $0x80000046;
	[dreg:$0x1] =	wrdreg $0xFFFFFFFF  }
0x1f: {  	s28 =	simm.s32 $_size_execute0_lowered;
	s3 =	sadd.s32 s3, s5;
	[dreg:$0x0] =	wrdreg $0x0  }
0x20: {  	s5 =	sshll.u32 s28, $0x1;
	[dreg:$0x2] =	wrdreg s3  }
0x21: {  	[dreg:$0x3] =	wrdreg s5  }
0x22: {  	[dreg:$0x4] =	wrdreg $0xC0  }
0x23: {  	_ =	task [dreg:s7], $0x5FFFF  }
0x24: {  	[dreg:$0x1] =	wrdreg $0xFFFFFFFF  }
0x25: {  	[dreg:$0x0] =	wrdreg $0x60  }
0x26: {  	[dreg:$0x2] =	wrdreg s2  }
0x27: {  	[dreg:$0x3] =	wrdreg s25  }
0x28: {  	[dreg:$0x4] =	wrdreg $0x9  }
0x29: {  	_ =	task.clear_ibuf [dreg:s7], $0x5FFFF;
	_ =	strace $0x90000046  }
0x2a: {  	s29 =	simm.s32 $0x9;
	_ =	strace $0x80000048  }
0x2b: {  	_ =	swait.ge [sflag:s29], $0x1  }
0x2c: {  	[sflag:s29] =	ssyncadd.s32 $0xFFFFFFFF  }
0x2d: {  	_ =	strace $0x90000048  }
0x2e: {  	_ =	sfence  }
0x2f: {  	s30 =	sld [smem:$0x0];
	_ =	sdelay $0x2  }
0x30: {  	s31 =	sshll.u32 s1, $0xD;
	s1 =	sshrl.u32 s1, $0x2  }
0x31: {  	s3 =	sand.u32 $0x4000, s31;
	s1 =	sadd.s32 s1, s30  }
0x32: {  	s0 =	sor.u32 s3, s0;
	s1 =	sshll.u32 s1, $0x11  }
0x33: {  	s0 =	sor.u32 s1, s0  }
0x34: {  	s0 =	sadd.s32 $0x8F2B, s0  }
0x35: {  	[sflag:s0] =	ssyncadd.remote.s32 $0x1  }
0x36: {  	_ =	sfence.sel $0xFFFF  }
0x37: {  	[dreg:$0x0] =	wrdreg $0xFFFFFFFF;
	(pc) =	sbr.abs _section_cstart, $3  }
0x38: {  	[dreg:$0x1] =	wrdreg $0xFFFFFFFF  }
0x39: {  	_ =	task.clear_ibuf [dreg:s7], $0x2FFFF;
	_ =	strace $0x9FFFFFFF  }
0x3a: {  	(tm) =	ssettm $0x7FFFFFFF  }
0x3b: {  	_ =	shalt  }
tec
execute0_lowered:
.L_overlay_start_1:
0x0: {  	(tag) =	ssettag $0x1  }
0x1: {  	s2 =	rddreg [dreg:$0x0]  }
0x2: {  	s1 =	rddreg [dreg:$0x1]  }
0x3: {  	s0 =	rddreg [dreg:$0x2];
	_ =	strace $0x80000047;
	s4 =	srdreg.scid  }
0x4: {  	s6 =	simm.s32 $0x2;
	s11 =	simm.s32 $0x0;
	p0 =	por $0x0, $0x0  }
.Ltmp0:
0x5: {  	s7 =	simm.s32 $0x4000;
	s12 =	simm.s32 $0x0;
	(pc) =	sbr.rel .LBB1_1-.Ltmp0, $4  }
0x6: {  	s9 =	simm.s32 $0x0;
	s3 =	sadd.s32 $0x800, s1;
	s5 =	sshll.u32 s4, $0x4  }
0x7: {  	s1 =	stileid.u32;
	s4 =	simm.s32 $0x1;
	s5 =	sand.u32 $0x10, s5  }
0x8: {  	s8 =	simm.s32 $0x0;
	[sflag:s4] =	ssyncpa.u1 $0x0;
	s5 =	sor.u32 s1, s5  }
0x9: {  	[sflag:s6] =	ssyncpa.u1 $0x0;
	s6 =	simm.s32 $0x800;
	s10 =	smov.u32 s5  }
.LBB1_7:
0xa: {  	s13 =	sadd.s32 $0x10, s9  }
0xb: {  	s11 =	sadd.s32 $0x20, s10;
	s15 =	smov.u32 s10;
	p2 =	sgt.s32 s13, $0x7F  }
0xc: {  	p1 =	slt.u32 s8, $0x2;
	s15 =	smov.u32 @p2 s11  }
0xd: {  	s8 =	sadd.s32 $0x1, s8;
	s13 =	simm.s32 @p2 $0x0;
	p2 =	sgt.s32 s15, $0x7F  }
0xe: {  	s15 =	smov.u32 @p2 s5;
	p2 =	sne.s32 s8, $0x22  }
.Ltmp1:
0xf: {  	_ = 	snop;
	(pc) =	sbr.rel @!p2 .LBB1_8-.Ltmp1, $4  }
0x10: {  	s14 =	simm.s32 @!p1 $0x2  }
0x11: {  	s12 =	smov.u32 s10;
	_ =	swait.ge @!p1 [sflag:s14], $0x4000  }
0x12: {  	p0 =	por !p0, !p0;
	s11 =	smov.u32 s9;
	[sflag:s14] =	ssyncset.done @!p1 $0x0  }
0x13: {  	s9 =	smov.u32 s13;
	[sflag:s14] =	ssyncadd.s32 @!p1 $0xFFFFC000;
	s10 =	smov.u32 s15  }
.LBB1_1:
0x14: {  	p1 =	sgt.u32 s8, $0x1F  }
0x15: {  	s13 =	sxor.u32 @!p1 $0xFFFFFFFF, s8;
	s14 =	sshll.u32 @!p1 s10, $0xE  }
0x16: {  	s15 =	sshll.u32 @!p1 s9, $0x7;
	s13 =	sshll.u32 @!p1 s13, $0xE;
	s14 =	sadd.s32 @!p1 s2, s14  }
0x17: {  	s13 =	sand.u32 @!p1 $0x4000, s13;
	s14 =	sadd.s32 @!p1 s15, s14;
	s15 =	simm.s32 @!p1 $0x0  }
0x18: {  	[tilespmem:s13], [sflag:$0x1] =	stream.linear.gather @!p1 [hbm4b:s14+s15], $0x4000, $0x38;
	[tilespmem:$0x10000] =	vst v63  }
0x19: {  	p1 =	seq.s32 s8, $0x0  }
0x1a: {  	p2 =	seq.s32 @!p1 s8, $0x21  }
0x1b: {  	p1 =	por p1, p2  }
.Ltmp2:
0x1c: {  	_ = 	snop;
	(pc) =	sbr.rel @p1 .LBB1_7-.Ltmp2, $1  }
0x1d: {  	_ =	sdelay $0x3  }
0x1e: {  	s13 =	simm.s32 $0x1;
	_ =	swait.ge [sflag:s4], $0x4000;
	s16 =	sshll.u32 s8, $0xE  }
0x1f: {  	s13 =	simm.s32 @!p0 $0x0;
	[sflag:s4] =	ssyncset.done $0x0;
	s31 =	sand.u32 $0x4000, s16  }
0x20: {  	s16 =	simm.s32 $0x0;
	s14 =	sshll.u32 s13, $0xE;
	[sflag:s4] =	ssyncadd.s32 $0xFFFFC000  }
0x21: {  	s13 =	sor.u32 $0x8040, s14;
	s15 =	sor.u32 $0x40, s14;
	s14 =	sor.u32 $0x8000, s31  }
.LBB1_3:
0x22: {  	v0 =	vmov s15;
	_ =	sdelay $0x3  }
0x23: {  	s18 =	simm.s32 $0x0  }
0x24: {  	v6 =	vld.idx.msk [tilespmem:v0+s18+$0x30 ss:$0x1], $0xffff  }
0x25: {  	v7 =	vld.idx.msk [tilespmem:v0+s18+$0xFFFFFFC0 ss:$0x1], $0xffff  }
0x26: {  	v5 =	vld.idx.msk [tilespmem:v0+s18+$0xFFFFFFD0 ss:$0x1], $0xffff  }
0x27: {  	v4 =	vld.idx.msk [tilespmem:v0+s18+$0xFFFFFFE0 ss:$0x1], $0xffff  }
0x28: {  	v3 =	vld.idx.msk [tilespmem:v0+s18+$0xFFFFFFF0 ss:$0x1], $0xffff  }
0x29: {  	v1 =	vld.idx.msk [tilespmem:v0+s18+$0x0 ss:$0x1], $0xffff  }
0x2a: {  	v2 =	vld.idx.msk [tilespmem:v0+s18+$0x10 ss:$0x1], $0xffff;
	[tilespmem:s13+$0x30] =	vst v6  }
0x2b: {  	s17 =	simm.s32 $0x80;
	s19 =	simm.s32 $0x400;
	[tilespmem:s13+$0xFFFFFFC0] =	vst v7;
	v6 =	vld.idx.msk [tilespmem:v0+s18+$0x20 ss:$0x1], $0xffff;
	s18 =	smov.u32 s13  }
.LBB1_4:
0x2c: {  	p1 =	sne.s32 s19, $0xE00;
	v7 =	vld.idx.msk [tilespmem:v0+s17+$0x30 ss:$0x1], $0xffff;
	[tilespmem:s18+$0xFFFFFFD0] =	vst v5  }
0x2d: {  	v8 =	vld.idx.msk [tilespmem:v0+s17+$0xFFFFFFC0 ss:$0x1], $0xffff;
	[tilespmem:s18+$0xFFFFFFE0] =	vst v4  }
0x2e: {  	v5 =	vld.idx.msk [tilespmem:v0+s17+$0xFFFFFFD0 ss:$0x1], $0xffff;
	[tilespmem:s18+$0xFFFFFFF0] =	vst v3  }
.Ltmp3:
0x2f: {  	v4 =	vld.idx.msk [tilespmem:v0+s17+$0xFFFFFFE0 ss:$0x1], $0xffff;
	[tilespmem:s18+$0x0] =	vst v1;
	(pc) =	sbr.rel @p1 .LBB1_4-.Ltmp3, $4  }
0x30: {  	v3 =	vld.idx.msk [tilespmem:v0+s17+$0xFFFFFFF0 ss:$0x1], $0xffff;
	[tilespmem:s18+$0x10] =	vst v2  }
0x31: {  	v1 =	vld.idx.msk [tilespmem:v0+s17+$0x0 ss:$0x1], $0xffff;
	[tilespmem:s18+$0x20] =	vst v6;
	s18 =	sadd.s32 $0x800, s18  }
0x32: {  	v2 =	vld.idx.msk [tilespmem:v0+s17+$0x10 ss:$0x1], $0xffff;
	[tilespmem:s18+$0x30] =	vst v7  }
0x33: {  	[tilespmem:s18+$0xFFFFFFC0] =	vst v8;
	v6 =	vld.idx.msk [tilespmem:v0+s17+$0x20 ss:$0x1], $0xffff;
	s17 =	sshra.s32 s19, $0x2;
	s19 =	sadd.s32 $0x200, s19  }
0x34: {  	_ =	sdelay $0x2  }
0x35: {  	[tilespmem:s18+$0xFFFFFFD0] =	vst v5  }
0x36: {  	v56 =	vld.idx.msk [tilespmem:v0+s17+$0x30 ss:$0x1], $0xffff;
	[tilespmem:s18+$0xFFFFFFE0] =	vst v4  }
0x37: {  	v57 =	vld.idx.msk [tilespmem:v0+s17+$0xFFFFFFC0 ss:$0x1], $0xffff;
	[tilespmem:s18+$0xFFFFFFF0] =	vst v3  }
0x38: {  	v58 =	vld.idx.msk [tilespmem:v0+s17+$0xFFFFFFD0 ss:$0x1], $0xffff;
	[tilespmem:s18+$0x0] =	vst v1  }
0x39: {  	v59 =	vld.idx.msk [tilespmem:v0+s17+$0xFFFFFFE0 ss:$0x1], $0xffff;
	[tilespmem:s18+$0x10] =	vst v2  }
0x3a: {  	v60 =	vld.idx.msk [tilespmem:v0+s17+$0xFFFFFFF0 ss:$0x1], $0xffff;
	s31 =	sadd.s32 $0x800, s18;
	[tilespmem:s18+$0x20] =	vst v6  }
0x3b: {  	v61 =	vld.idx.msk [tilespmem:v0+s17+$0x0 ss:$0x1], $0xffff;
	[tilespmem:s31+$0x30] =	vst v56  }
0x3c: {  	v62 =	vld.idx.msk [tilespmem:v0+s17+$0x10 ss:$0x1], $0xffff;
	s16 =	sadd.s32 $0x1, s16;
	[tilespmem:s31+$0xFFFFFFC0] =	vst v57  }
0x3d: {  	v63 =	vld.idx.msk [tilespmem:v0+s17+$0x20 ss:$0x1], $0xffff;
	p1 =	sne.s32 s16, $0x10;
	[tilespmem:s31+$0xFFFFFFD0] =	vst v58  }
.Ltmp4:
0x3e: {  	[tilespmem:s31+$0xFFFFFFE0] =	vst v59;
	(pc) =	sbr.rel @p1 .LBB1_3-.Ltmp4, $4  }
0x3f: {  	[tilespmem:s31+$0xFFFFFFF0] =	vst v60  }
0x40: {  	[tilespmem:s31+$0x0] =	vst v61  }
0x41: {  	[tilespmem:s31+$0x10] =	vst v62  }
0x42: {  	s13 =	sadd.s32 $0x80, s13;
	s15 =	sadd.s32 $0x400, s15;
	[tilespmem:s31+$0x20] =	vst v63  }
.Ltmp5:
0x43: {  	(pc) =	sbr.rel .LBB1_7-.Ltmp5, $4  }
0x44: {  	s12 =	sshll.u32 s12, $0xE;
	s11 =	sshll.u32 s11, $0x4  }
0x45: {  	s11 =	sand.u32 $0x7F0, s11;
	s12 =	sadd.s32 s3, s12  }
0x46: {  	s11 =	sadd.s32 s11, s12  }
0x47: {  	[hbm4b:s11+s6] =	stream.strided.scatter [tilespmem:s14], [sflag:$0x2], $0x4000, s7, s6, $0x38;
	[tilespmem:$0x10000] =	vst v63  }
.LBB1_8:
0x48: {  	_ =	sfence.sel $0x180000  }
0x49: {  	s2 =	simm.s32 $0x1;
	[bflag:$0x0] =	sbarrier.arrive $0xFFFF  }
0x4a: {  	s31 =	simm.s32 $0x2;
	[sflag:s2] =	ssyncpa.u1 $0x1  }
0x4b: {  	[sflag:s31] =	ssyncpa.u1 $0x1  }
0x4c: {  	p0 =	sne.s32 s1, $0x0;
	_ =	strace $0x90000047  }
0x4d: {  	s0 =	sadd.s32 @!p0 $0x100000, s0;
	[bflag:$0x2] =	sbarrier.arrive $0xFFFF  }
0x4e: {  	[sflag:s0] =	ssyncadd.tile.s32 @!p0 $0x1;
	_ =	shalt  }
.Lfunc_end1:
_tile_overlayer_lowered:
.L_overlay_start_2:
0x4f: {  	(tag) =	ssettag $0x2  }
0x50: {  	s0 =	rddreg [dreg:$0x0];
	s2 =	stileid.u32  }
0x51: {  	s1 =	rddreg [dreg:$0x1];
	p0 =	sne.s32 s2, $0x0  }
0x52: {  	s3 =	rddreg [dreg:$0x2];
	[bflag:$0x3] =	sbarrier.arrive $0xFFFF;
	s2 =	simm.s32 @!p0 $0x1C01  }
0x53: {  	[timem:s3], [sflag:s2] =	dma.local @!p0 [hbm:s0], s1  }
0x54: {  	s0 =	simm.s32 @!p0 $0x1  }
0x55: {  	_ =	swait.ge @!p0 [sflag:s0], s1  }
0x56: {  	s1 =	ssub.s32 @!p0 $0x0, s1;
	[sflag:s0] =	ssyncset.done @!p0 $0x0  }
0x57: {  	[sflag:s0] =	ssyncadd.s32 @!p0 s1  }
0x58: {  	[bflag:$0x3] =	sbarrier.arrive $0xFFFF  }
0x59: {  	_ =	shalt  }

</sc_bundles>
